<compile_context>
chip_gen: v7x
topology: tpu7x:2x2x1
jax: 0.10.2.dev20260603
libtpu: 0.0.44.dev20260713+nightly
codegen_flags: <defaults>
</compile_context>

<pallas_src>
import functools

import jax
import jax.numpy as jnp
from jax import lax
from jax.experimental import pallas as pl
from jax.experimental.pallas import tpu as pltpu
from jax.experimental.pallas import tpu_sc as plsc

N_SEN = 256
S = 50000
E = 800000
T = 128
F = 16
H = 64
HH = 32
REG2 = 1e-3 * 1e-3

NC = 2
NS = 16
SP = 50048
RC = 2000
NRC = S // RC
XW = 128
NQ = 4
QR = SP // NQ
QPT = 784
QB = NS * QPT
TRB = QR
ESL = 128
HS = 64
NSLB = 392
EPAD = NS * NSLB * ESL


def _k_gram(lt_ref, o_ref):
    i = pl.program_id(0)

    @pl.when(i == 0)
    def _():
        r = lax.broadcasted_iota(jnp.int32, (N_SEN, N_SEN), 0)
        c = lax.broadcasted_iota(jnp.int32, (N_SEN, N_SEN), 1)
        o_ref[...] = jnp.where(r == c, jnp.float32(REG2), 0.0)

    lb = lt_ref[...]
    o_ref[...] += lax.dot_general(lb, lb, (((0,), (0,)), ((), ())),
                                  preferred_element_type=jnp.float32)


def _gram(Lt):
    return pl.pallas_call(
        _k_gram,
        grid=(S // RC,),
        in_specs=[pl.BlockSpec((RC, N_SEN), lambda i: (i, 0))],
        out_specs=pl.BlockSpec((N_SEN, N_SEN), lambda i: (0, 0)),
        out_shape=jax.ShapeDtypeStruct((N_SEN, N_SEN), jnp.float32),
    )(Lt)


def _k_solve(a_ref, y_ref, w1_ref, g_ref):
    W = N_SEN + T
    M0 = jnp.concatenate([a_ref[...], y_ref[...]], axis=1)
    col = lax.broadcasted_iota(jnp.int32, (N_SEN, W), 1)
    col1 = col[:1]
    row = lax.broadcasted_iota(jnp.int32, (N_SEN, 1), 0)

    def body(i, M):
        rowm = (row == i).astype(jnp.float32)
        r = jnp.sum(M * rowm, axis=0, keepdims=True)
        piv = jnp.sum(r * (col1 == i).astype(jnp.float32))
        rn = r / piv
        cm = (col == i).astype(jnp.float32)
        colv = jnp.sum(M * cm, axis=1, keepdims=True)
        return M - (colv - rowm) * rn

    M = lax.fori_loop(0, N_SEN, body, M0)
    Z = M[:, N_SEN:]
    g_ref[...] = lax.dot_general(Z, w1_ref[...], (((1,), (1,)), ((), ())),
                                 preferred_element_type=jnp.float32)


def _solve_g(A, Y, Win1):
    return pl.pallas_call(
        _k_solve,
        out_shape=jax.ShapeDtypeStruct((N_SEN, H), jnp.float32),
    )(A, Y, Win1)


def _k_x0(lt_ref, g_ref, vf_ref, w2_ref, b_ref, o_ref):
    xb = lax.dot_general(lt_ref[...], g_ref[...], (((1,), (0,)), ((), ())),
                         preferred_element_type=jnp.float32)
    xb += lax.dot_general(vf_ref[...], w2_ref[...], (((1,), (1,)), ((), ())),
                          preferred_element_type=jnp.float32)
    xb += b_ref[...]
    o_ref[...] = jnp.concatenate(
        [xb, jnp.ones((xb.shape[0], 1), jnp.float32),
         jnp.zeros((xb.shape[0], XW - H - 1), jnp.float32)], axis=1)


def _x0(Lt, G, vf, Win2, b_in):
    return pl.pallas_call(
        _k_x0,
        grid=(NRC,),
        in_specs=[
            pl.BlockSpec((RC, N_SEN), lambda i: (i, 0)),
            pl.BlockSpec((N_SEN, H), lambda i: (0, 0)),
            pl.BlockSpec((RC, F), lambda i: (i, 0)),
            pl.BlockSpec((H, F), lambda i: (0, 0)),
            pl.BlockSpec((1, H), lambda i: (0, 0)),
        ],
        out_specs=pl.BlockSpec((RC, XW), lambda i: (i, 0)),
        out_shape=jax.ShapeDtypeStruct((S, XW), jnp.float32),
    )(Lt, G, vf, Win2, b_in)


def _sc_body(x128, snd2, rcv2, zq, agg_out, agg_sp, snd_v, rcv_v, rows_v,
             gsem, gsem2):
    c = lax.axis_index("c")
    s = lax.axis_index("s")

    for q01 in range(2):
        q = c * 2 + q01
        lo = q * QR

        pltpu.sync_copy(zq, agg_sp.at[pl.ds(s * QPT, QPT)])
        plsc.subcore_barrier()

        def slab(i, _):
            t = s * NSLB + i
            pltpu.sync_copy(snd2.at[pl.ds(t, 1)], snd_v)
            pltpu.sync_copy(rcv2.at[pl.ds(t, 1)], rcv_v)

            def adj(k, _2):
                o = pl.multiple_of(k * 16, 16)
                v = rcv_v[0, pl.ds(o, 16)]
                inq = (v >= lo) & (v < lo + QR)
                rcv_v[0, pl.ds(o, 16)] = jnp.where(inq, v - lo,
                                                   TRB + (v & 31))
                return 0

            lax.fori_loop(0, ESL // 16, adj, 0)

            hl = pltpu.async_copy(x128.at[snd_v.at[0, pl.ds(0, HS)]],
                                  rows_v.at[pl.ds(0, HS)], gsem)
            hu = pltpu.async_copy(x128.at[snd_v.at[0, pl.ds(HS, HS)]],
                                  rows_v.at[pl.ds(HS, HS)], gsem2)
            hl.wait()
            pltpu.sync_copy(rows_v.at[pl.ds(0, HS)],
                            agg_sp.at[rcv_v.at[0, pl.ds(0, HS)]], add=True)
            hu.wait()
            pltpu.sync_copy(rows_v.at[pl.ds(HS, HS)],
                            agg_sp.at[rcv_v.at[0, pl.ds(HS, HS)]], add=True)
            return 0

        lax.fori_loop(0, NSLB, slab, 0)
        plsc.subcore_barrier()

        pltpu.sync_copy(agg_sp.at[pl.ds(s * QPT, QPT)],
                        agg_out.at[q, pl.ds(s * QPT, QPT)])
        plsc.subcore_barrier()


def _sc_agg(x128, snd2, rcv2, zq):
    mesh = plsc.VectorSubcoreMesh(core_axis_name="c", subcore_axis_name="s")
    params = pltpu.CompilerParams(use_tc_tiling_on_sc=False)
    out_type = [jax.ShapeDtypeStruct((NQ, QB, XW), jnp.float32)]
    scratch = [
        pltpu.VMEM_SHARED((QB, XW), jnp.float32),
        pltpu.VMEM((1, ESL), jnp.int32),
        pltpu.VMEM((1, ESL), jnp.int32),
        pltpu.VMEM((ESL, XW), jnp.float32),
        pltpu.SemaphoreType.DMA,
        pltpu.SemaphoreType.DMA,
    ]
    f = pl.kernel(_sc_body, mesh=mesh, out_type=out_type,
                  scratch_types=scratch, compiler_params=params)
    outs = f(x128, snd2, rcv2, zq)
    return outs[0]


def _k_combine(x_ref, a_ref, ws_ref, wm_ref, b_ref, o_ref,
               *, final, wo_ref=None, bo_ref=None):
    x = x_ref[...][:, :H]
    ab = a_ref[...]
    invd = 1.0 / jnp.maximum(ab[:, H:H + 1], 1.0)
    m = ab[:, :H] * invd
    h = lax.dot_general(x, ws_ref[...], (((1,), (0,)), ((), ())),
                        preferred_element_type=jnp.float32)
    h += lax.dot_general(m, wm_ref[...], (((1,), (0,)), ((), ())),
                         preferred_element_type=jnp.float32)
    h = jnp.maximum(h + b_ref[...], 0.0)
    if final:
        o = lax.dot_general(h, wo_ref[...], (((1,), (1,)), ((), ())),
                            preferred_element_type=jnp.float32)
        o_ref[...] = o + bo_ref[...]
    else:
        o_ref[...] = jnp.concatenate(
            [h, jnp.ones((h.shape[0], 1), jnp.float32),
             jnp.zeros((h.shape[0], XW - H - 1), jnp.float32)], axis=1)


def _combine(x, aggf, Wself, Wmsg, b):
    def body(x_ref, a_ref, ws_ref, wm_ref, b_ref, o_ref):
        _k_combine(x_ref, a_ref, ws_ref, wm_ref, b_ref, o_ref, final=False)

    return pl.pallas_call(
        body,
        grid=(NRC,),
        in_specs=[
            pl.BlockSpec((RC, XW), lambda i: (i, 0)),
            pl.BlockSpec((RC, XW), lambda i: (i, 0)),
            pl.BlockSpec((H, H), lambda i: (0, 0)),
            pl.BlockSpec((H, H), lambda i: (0, 0)),
            pl.BlockSpec((1, H), lambda i: (0, 0)),
        ],
        out_specs=pl.BlockSpec((RC, XW), lambda i: (i, 0)),
        out_shape=jax.ShapeDtypeStruct((S, XW), jnp.float32),
    )(x, aggf, Wself, Wmsg, b)


def _combine_final(x, aggf, Wself, Wmsg, b, W_out, b_out):
    def body(x_ref, a_ref, ws_ref, wm_ref, b_ref, wo_ref, bo_ref, o_ref):
        _k_combine(x_ref, a_ref, ws_ref, wm_ref, b_ref, o_ref,
                   final=True, wo_ref=wo_ref, bo_ref=bo_ref)

    return pl.pallas_call(
        body,
        grid=(NRC,),
        in_specs=[
            pl.BlockSpec((RC, XW), lambda i: (i, 0)),
            pl.BlockSpec((RC, XW), lambda i: (i, 0)),
            pl.BlockSpec((H, H), lambda i: (0, 0)),
            pl.BlockSpec((H, H), lambda i: (0, 0)),
            pl.BlockSpec((1, H), lambda i: (0, 0)),
            pl.BlockSpec((T, H), lambda i: (0, 0)),
            pl.BlockSpec((1, T), lambda i: (0, 0)),
        ],
        out_specs=pl.BlockSpec((RC, T), lambda i: (i, 0)),
        out_shape=jax.ShapeDtypeStruct((S, T), jnp.float32),
    )(x, aggf, Wself, Wmsg, b, W_out, b_out)


def kernel(Y, L, senders, receivers, vertex_features, W_in, b_in,
           Wself0, Wmsg0, bb0, Wself1, Wmsg1, bb1, Wself2, Wmsg2, bb2,
           W_out, b_out):
    Lt = jnp.transpose(L)
    A = _gram(Lt)
    G = _solve_g(A, Y, W_in[:, :T])
    x = _x0(Lt, G, vertex_features, W_in[:, T:], b_in[None, :])

    pad = EPAD - E
    snd2 = jnp.concatenate(
        [senders.astype(jnp.int32), jnp.zeros((pad,), jnp.int32)]
    ).reshape(EPAD // ESL, ESL)
    rcv2 = jnp.concatenate(
        [receivers.astype(jnp.int32),
         jnp.full((pad,), jnp.int32(1 << 28), jnp.int32)]
    ).reshape(EPAD // ESL, ESL)
    zq = jnp.zeros((QPT, XW), jnp.float32)

    def agg_flat(x128):
        agg = _sc_agg(x128, snd2, rcv2, zq)
        return agg[:, :QR, :].reshape(SP, XW)

    x = _combine(x, agg_flat(x), Wself0, Wmsg0, bb0[None, :])
    x = _combine(x, agg_flat(x), Wself1, Wmsg1, bb1[None, :])
    return _combine_final(x, agg_flat(x), Wself2, Wmsg2, bb2[None, :],
                          W_out, b_out[None, :])

# --- scband reference (transcript-rebuilt; emitter-appended) ---
"""Pipeline reference for scband-source-gnn-59287728554035 (READ-ONLY COPY).

The authoritative reference and input builder live on the scoring server;
editing this copy changes nothing except your own understanding.
"""

import jax, jax.numpy as jnp
import numpy as np

N_SENSORS = 256
N_SOURCES = 50000
N_EDGES = 800000
N_TIMES = 128
N_FEAT = 16
HID = 64
N_LAYERS = 3
REG = 1e-3


def setup_inputs(seed: int = 0) -> dict:
    key = jax.random.key(seed)
    ks = jax.random.split(key, 32)
    Y = jax.random.normal(ks[0], (N_SENSORS, N_TIMES), dtype=jnp.float32)
    L = jax.random.normal(ks[1], (N_SENSORS, N_SOURCES), dtype=jnp.float32)
    senders = jax.random.randint(ks[2], (N_EDGES,), 0, N_SOURCES)
    receivers = jax.random.randint(ks[3], (N_EDGES,), 0, N_SOURCES)
    vertex_features = jax.random.normal(ks[4], (N_SOURCES, N_FEAT), dtype=jnp.float32)
    d_in = N_FEAT + N_TIMES
    W_in = jax.random.normal(ks[5], (HID, d_in), dtype=jnp.float32) / jnp.sqrt(d_in)
    b_in = jnp.zeros((HID,), dtype=jnp.float32)
    scale = 1.0 / jnp.sqrt(HID)
    Wself0 = jax.random.normal(ks[6], (HID, HID), dtype=jnp.float32) * scale
    Wmsg0 = jax.random.normal(ks[7], (HID, HID), dtype=jnp.float32) * scale
    bb0 = jnp.zeros((HID,), dtype=jnp.float32)
    Wself1 = jax.random.normal(ks[8], (HID, HID), dtype=jnp.float32) * scale
    Wmsg1 = jax.random.normal(ks[9], (HID, HID), dtype=jnp.float32) * scale
    bb1 = jnp.zeros((HID,), dtype=jnp.float32)
    Wself2 = jax.random.normal(ks[10], (HID, HID), dtype=jnp.float32) * scale
    Wmsg2 = jax.random.normal(ks[11], (HID, HID), dtype=jnp.float32) * scale
    bb2 = jnp.zeros((HID,), dtype=jnp.float32)
    W_out = jax.random.normal(ks[12], (N_TIMES, HID), dtype=jnp.float32) / jnp.sqrt(HID)
    b_out = jnp.zeros((N_TIMES,), dtype=jnp.float32)
    return {
        "Y": Y, "L": L, "senders": senders, "receivers": receivers,
        "vertex_features": vertex_features,
        "W_in": W_in, "b_in": b_in,
        "Wself0": Wself0, "Wmsg0": Wmsg0, "bb0": bb0,
        "Wself1": Wself1, "Wmsg1": Wmsg1, "bb1": bb1,
        "Wself2": Wself2, "Wmsg2": Wmsg2, "bb2": bb2,
        "W_out": W_out, "b_out": b_out,
    }


def _tikhonov_inverse(Y, L, reg):
    U, s, Vt = jnp.linalg.svd(L, full_matrices=False)
    filter_factors = s / (s ** 2 + reg ** 2)
    return Vt.T @ (filter_factors[:, None] * (U.T @ Y))


def _gconv(x, senders, receivers, W_self, W_msg, bias):
    n_nodes = x.shape[0]
    messages = x[senders]
    agg = jnp.zeros_like(x).at[receivers].add(messages)
    degree = jnp.zeros((n_nodes,), dtype=x.dtype).at[receivers].add(1.0)
    degree = jnp.maximum(degree, 1.0)[:, None]
    msg_mean = agg / degree
    out = x @ W_self + msg_mean @ W_msg + bias
    return jax.nn.relu(out)


def reference(Y, L, senders, receivers, vertex_features, W_in, b_in,
              Wself0, Wmsg0, bb0, Wself1, Wmsg1, bb1, Wself2, Wmsg2, bb2,
              W_out, b_out):
    J0 = _tikhonov_inverse(Y, L, REG)
    x = jnp.concatenate([J0, vertex_features], axis=1)
    x = x @ W_in.T + b_in
    x = _gconv(x, senders, receivers, Wself0, Wmsg0, bb0)
    x = _gconv(x, senders, receivers, Wself1, Wmsg1, bb1)
    x = _gconv(x, senders, receivers, Wself2, Wmsg2, bb2)
    J = x @ W_out.T + b_out
    return J

if __name__ == "__main__":
    import jax
    _d = setup_inputs()
    print(jax.jit(kernel)(*tuple(_d.values())))

</pallas_src>

<mosaic_0001>
#map = affine_map<(d0, d1) -> (0, 0)>
#map1 = affine_map<(d0, d1) -> (0, 0, 0)>
module attributes {stable_mosaic.version = 14 : i64} {
  func.func @_sc_body(%arg0: i32, %arg1: i32, %arg2: memref<50000x128xf32, #tpu.memory_space<hbm>>, %arg3: memref<6272x128xi32, #tpu.memory_space<hbm>>, %arg4: memref<6272x128xi32, #tpu.memory_space<hbm>>, %arg5: memref<784x128xf32, #tpu.memory_space<hbm>>, %arg6: memref<4x12544x128xf32, #tpu.memory_space<hbm>>, %arg7: memref<12544x128xf32, #tpu.memory_space<vmem_shared>>, %arg8: memref<1x128xi32, #tpu.memory_space<vmem>>, %arg9: memref<1x128xi32, #tpu.memory_space<vmem>>, %arg10: memref<128x128xf32, #tpu.memory_space<vmem>>, %arg11: memref<!tpu.dma_semaphore, #tpu.memory_space<semaphore_mem>>, %arg12: memref<!tpu.dma_semaphore, #tpu.memory_space<semaphore_mem>>) attributes {dimension_semantics = [#tpu.dimension_semantics<core_parallel>, #tpu.dimension_semantics<subcore_parallel>], iteration_bounds = array<i64: 2, 16>, scalar_prefetch = 0 : i64, scratch_operands = 6 : i64, tpu.core_type = #tpu.core_type<sc_vector_subcore>, window_params = [{transform_indices = #map}, {transform_indices = #map}, {transform_indices = #map}, {transform_indices = #map}, {transform_indices = #map1}]} {
    %mul3A = arith.constant 2 : i32
    %mul3A_0 = arith.muli %arg0, %mul3A : i32
    %add3A = arith.constant 0 : i32
    %add3A_1 = arith.addi %mul3A_0, %add3A : i32
    %mul3A_2 = arith.constant 12512 : i32
    %mul3A_3 = arith.muli %add3A_1, %mul3A_2 : i32
    %mul3A_4 = arith.constant 784 : i32
    %mul3A_5 = arith.muli %arg1, %mul3A_4 : i32
    "tpu.region"() ({
      %run_scoped3A = tpu.sem_alloc : memref<!tpu.dma_semaphore, #tpu.memory_space<semaphore_mem>>
      %dma_start3A = arith.constant 0 : i32
      %dma_start3A_40 = tpu.memref_slice %arg7[%mul3A_5, %dma_start3A] : memref<12544x128xf32, #tpu.memory_space<vmem_shared>> -> memref<784x128xf32, #tpu.memory_space<vmem_shared>>
      tpu.enqueue_dma source(%arg5 : memref<784x128xf32, #tpu.memory_space<hbm>>) target(%dma_start3A_40 : memref<784x128xf32, #tpu.memory_space<vmem_shared>>) target_semaphore(%run_scoped3A : memref<!tpu.dma_semaphore, #tpu.memory_space<semaphore_mem>>)
      %dma_wait3A = arith.constant 0 : i32
      %dma_wait3A_41 = tpu.memref_slice %arg7[%mul3A_5, %dma_wait3A] : memref<12544x128xf32, #tpu.memory_space<vmem_shared>> -> memref<784x128xf32, #tpu.memory_space<vmem_shared>>
      tpu.wait_dma2 semaphore(%run_scoped3A : memref<!tpu.dma_semaphore, #tpu.memory_space<semaphore_mem>>) src(%arg5 : memref<784x128xf32, #tpu.memory_space<hbm>>) dst(%dma_wait3A_41 : memref<784x128xf32, #tpu.memory_space<vmem_shared>>)
      tpu.yield
    }) : () -> ()
    %barrier3A = arith.constant 0 : index
    tpu.barrier barrier_id(%barrier3A)
    %scan3A = arith.constant 0 : i32
    %scan3A_6 = arith.constant 0 : i32
    %scan3A_7 = arith.constant 392 : i32
    %scan3A_8 = arith.addi %scan3A_6, %scan3A_7 : i32
    %scan3A_9 = arith.constant 1 : i32
    %scan3A_10 = scf.for %scan3A_40 = %scan3A_6 to %scan3A_8 step %scan3A_9 iter_args(%scan3A_41 = %scan3A) -> (i32)  : i32 {
      %mul3A_42 = arith.constant 392 : i32
      %mul3A_43 = arith.muli %arg1, %mul3A_42 : i32
      %add3A_44 = arith.addi %mul3A_43, %scan3A_40 : i32
      "tpu.region"() ({
        %run_scoped3A_92 = tpu.sem_alloc : memref<!tpu.dma_semaphore, #tpu.memory_space<semaphore_mem>>
        %dma_start3A_93 = arith.constant 0 : i32
        %dma_start3A_94 = tpu.memref_slice %arg3[%add3A_44, %dma_start3A_93] : memref<6272x128xi32, #tpu.memory_space<hbm>> -> memref<1x128xi32, #tpu.memory_space<hbm>>
        %dma_start3A_95 = arith.constant 0 : i32
        %dma_start3A_96 = tpu.memref_slice %arg3[%add3A_44, %dma_start3A_95] : memref<6272x128xi32, #tpu.memory_space<hbm>> -> memref<1x128xi32, #tpu.memory_space<hbm>>
        tpu.enqueue_dma source(%dma_start3A_96 : memref<1x128xi32, #tpu.memory_space<hbm>>) target(%arg8 : memref<1x128xi32, #tpu.memory_space<vmem>>) target_semaphore(%run_scoped3A_92 : memref<!tpu.dma_semaphore, #tpu.memory_space<semaphore_mem>>)
        %dma_wait3A_97 = arith.constant 0 : i32
        %dma_wait3A_98 = tpu.memref_slice %arg3[%add3A_44, %dma_wait3A_97] : memref<6272x128xi32, #tpu.memory_space<hbm>> -> memref<1x128xi32, #tpu.memory_space<hbm>>
        %dma_wait3A_99 = arith.constant 0 : i32
        %dma_wait3A_100 = tpu.memref_slice %arg3[%add3A_44, %dma_wait3A_99] : memref<6272x128xi32, #tpu.memory_space<hbm>> -> memref<1x128xi32, #tpu.memory_space<hbm>>
        tpu.wait_dma2 semaphore(%run_scoped3A_92 : memref<!tpu.dma_semaphore, #tpu.memory_space<semaphore_mem>>) src(%dma_wait3A_100 : memref<1x128xi32, #tpu.memory_space<hbm>>) dst(%arg8 : memref<1x128xi32, #tpu.memory_space<vmem>>)
        tpu.yield
      }) : () -> ()
      "tpu.region"() ({
        %run_scoped3A_92 = tpu.sem_alloc : memref<!tpu.dma_semaphore, #tpu.memory_space<semaphore_mem>>
        %dma_start3A_93 = arith.constant 0 : i32
        %dma_start3A_94 = tpu.memref_slice %arg4[%add3A_44, %dma_start3A_93] : memref<6272x128xi32, #tpu.memory_space<hbm>> -> memref<1x128xi32, #tpu.memory_space<hbm>>
        %dma_start3A_95 = arith.constant 0 : i32
        %dma_start3A_96 = tpu.memref_slice %arg4[%add3A_44, %dma_start3A_95] : memref<6272x128xi32, #tpu.memory_space<hbm>> -> memref<1x128xi32, #tpu.memory_space<hbm>>
        tpu.enqueue_dma source(%dma_start3A_96 : memref<1x128xi32, #tpu.memory_space<hbm>>) target(%arg9 : memref<1x128xi32, #tpu.memory_space<vmem>>) target_semaphore(%run_scoped3A_92 : memref<!tpu.dma_semaphore, #tpu.memory_space<semaphore_mem>>)
        %dma_wait3A_97 = arith.constant 0 : i32
        %dma_wait3A_98 = tpu.memref_slice %arg4[%add3A_44, %dma_wait3A_97] : memref<6272x128xi32, #tpu.memory_space<hbm>> -> memref<1x128xi32, #tpu.memory_space<hbm>>
        %dma_wait3A_99 = arith.constant 0 : i32
        %dma_wait3A_100 = tpu.memref_slice %arg4[%add3A_44, %dma_wait3A_99] : memref<6272x128xi32, #tpu.memory_space<hbm>> -> memref<1x128xi32, #tpu.memory_space<hbm>>
        tpu.wait_dma2 semaphore(%run_scoped3A_92 : memref<!tpu.dma_semaphore, #tpu.memory_space<semaphore_mem>>) src(%dma_wait3A_100 : memref<1x128xi32, #tpu.memory_space<hbm>>) dst(%arg9 : memref<1x128xi32, #tpu.memory_space<vmem>>)
        tpu.yield
      }) : () -> ()
      %scan3A_45 = arith.constant 0 : i32
      %scan3A_46 = arith.constant 0 : i32
      %scan3A_47 = arith.constant 8 : i32
      %scan3A_48 = arith.addi %scan3A_46, %scan3A_47 : i32
      %scan3A_49 = arith.constant 1 : i32
      %scan3A_50 = scf.for %scan3A_92 = %scan3A_46 to %scan3A_48 step %scan3A_49 iter_args(%scan3A_93 = %scan3A_45) -> (i32)  : i32 {
        %mul3A_94 = arith.constant 16 : i32
        %mul3A_95 = arith.muli %scan3A_92, %mul3A_94 : i32
        %multiple_of3A = tpu.assume_multiple %mul3A_95, 16 : i32
        %get3A = arith.constant 0 : i32
        %get3A_96 = arith.index_cast %get3A : i32 to index
        %get3A_97 = arith.index_cast %multiple_of3A : i32 to index
        %get3A_98 = tpu.vector_load %arg9[%get3A_96, %get3A_97] {strides = array<i32>} : memref<1x128xi32, #tpu.memory_space<vmem>>, vector<1x16xi32>,
        %get3A_99 = vector.shape_cast %get3A_98 : vector<1x16xi32> to vector<16xi32>
        %ge3A = vector.broadcast %mul3A_3 : i32 to vector<16xi32>
        %ge3A_100 = arith.cmpi sge, %get3A_99, %ge3A : vector<16xi32>
        %add3A_101 = arith.constant 12512 : i32
        %add3A_102 = arith.addi %mul3A_3, %add3A_101 : i32
        %lt3A = vector.broadcast %add3A_102 : i32 to vector<16xi32>
        %lt3A_103 = arith.cmpi slt, %get3A_99, %lt3A : vector<16xi32>
        %and3A = arith.andi %ge3A_100, %lt3A_103 : vector<16xi1>
        %sub3A = vector.broadcast %mul3A_3 : i32 to vector<16xi32>
        %sub3A_104 = arith.subi %get3A_99, %sub3A : vector<16xi32>
        %and3A_105 = arith.constant 31 : i32
        %and3A_106 = vector.broadcast %and3A_105 : i32 to vector<16xi32>
        %and3A_107 = arith.andi %get3A_99, %and3A_106 : vector<16xi32>
        %add3A_108 = arith.constant 12512 : i32
        %add3A_109 = vector.broadcast %add3A_108 : i32 to vector<16xi32>
        %add3A_110 = arith.addi %add3A_109, %and3A_107 : vector<16xi32>
        %select_n3A = arith.select %and3A, %sub3A_104, %add3A_110 : vector<16xi1>, vector<16xi32>
        %swap3A = arith.constant 0 : i32
        %swap3A_111 = arith.index_cast %swap3A : i32 to index
        %swap3A_112 = arith.index_cast %multiple_of3A : i32 to index
        %swap3A_113 = tpu.vector_load %arg9[%swap3A_111, %swap3A_112] {strides = array<i32>} : memref<1x128xi32, #tpu.memory_space<vmem>>, vector<1x16xi32>,
        %swap3A_114 = vector.shape_cast %swap3A_113 : vector<1x16xi32> to vector<16xi32>
        %swap3A_115 = vector.shape_cast %select_n3A : vector<16xi32> to vector<1x16xi32>
        tpu.vector_store %arg9[%swap3A_111, %swap3A_112], %swap3A_115 {strides = array<i32>} : memref<1x128xi32, #tpu.memory_space<vmem>>, vector<1x16xi32>,
        %scan3A_116 = arith.constant 0 : i32
        scf.yield %scan3A_116 : i32
      }
      %scan3A_51 = arith.constant 8 : i32
      %dma_start3A = arith.constant 0 : i32
      %dma_start3A_52 = arith.constant 0 : i32
      %dma_start3A_53 = arith.constant 0 : i32
      %dma_start3A_54 = tpu.memref_slice %arg10[%dma_start3A_52, %dma_start3A_53] : memref<128x128xf32, #tpu.memory_space<vmem>> -> memref<64x128xf32, #tpu.memory_space<vmem>>
      %dma_start3A_55 = arith.constant 0 : i32
      %dma_start3A_56 = tpu.memref_slice %arg8[%dma_start3A, %dma_start3A_55] : memref<1x128xi32, #tpu.memory_space<vmem>> -> memref<1x64xi32, #tpu.memory_space<vmem>>
      %dma_start3A_57 = tpu.memref_squeeze %dma_start3A_56 : memref<1x64xi32, #tpu.memory_space<vmem>> -> memref<64xi32, #tpu.memory_space<vmem>>
      %dma_start3A_58 = arith.constant 0 : i32
      %dma_start3A_59 = arith.constant 0 : i32
      %dma_start3A_60 = tpu.memref_slice %arg2[%dma_start3A_58, %dma_start3A_59] : memref<50000x128xf32, #tpu.memory_space<hbm>> -> memref<50000x128xf32, #tpu.memory_space<hbm>>
      tpu.enqueue_indirect_dma source(%dma_start3A_60 : memref<50000x128xf32, #tpu.memory_space<hbm>>) target(%dma_start3A_54 : memref<64x128xf32, #tpu.memory_space<vmem>>) offsets(%dma_start3A_57 : memref<64xi32, #tpu.memory_space<vmem>>) semaphore(%arg11 : memref<!tpu.dma_semaphore, #tpu.memory_space<semaphore_mem>>)
      %dma_start3A_61 = arith.constant 0 : i32
      %dma_start3A_62 = arith.constant 64 : i32
      %dma_start3A_63 = arith.constant 0 : i32
      %dma_start3A_64 = tpu.memref_slice %arg10[%dma_start3A_62, %dma_start3A_63] : memref<128x128xf32, #tpu.memory_space<vmem>> -> memref<64x128xf32, #tpu.memory_space<vmem>>
      %dma_start3A_65 = arith.constant 64 : i32
      %dma_start3A_66 = tpu.memref_slice %arg8[%dma_start3A_61, %dma_start3A_65] : memref<1x128xi32, #tpu.memory_space<vmem>> -> memref<1x64xi32, #tpu.memory_space<vmem>>
      %dma_start3A_67 = tpu.memref_squeeze %dma_start3A_66 : memref<1x64xi32, #tpu.memory_space<vmem>> -> memref<64xi32, #tpu.memory_space<vmem>>
      %dma_start3A_68 = arith.constant 0 : i32
      %dma_start3A_69 = arith.constant 0 : i32
      %dma_start3A_70 = tpu.memref_slice %arg2[%dma_start3A_68, %dma_start3A_69] : memref<50000x128xf32, #tpu.memory_space<hbm>> -> memref<50000x128xf32, #tpu.memory_space<hbm>>
      tpu.enqueue_indirect_dma source(%dma_start3A_70 : memref<50000x128xf32, #tpu.memory_space<hbm>>) target(%dma_start3A_64 : memref<64x128xf32, #tpu.memory_space<vmem>>) offsets(%dma_start3A_67 : memref<64xi32, #tpu.memory_space<vmem>>) semaphore(%arg12 : memref<!tpu.dma_semaphore, #tpu.memory_space<semaphore_mem>>)
      %dma_wait3A = arith.constant 0 : i32
      %dma_wait3A_71 = arith.constant 0 : i32
      %dma_wait3A_72 = arith.constant 0 : i32
      %dma_wait3A_73 = tpu.memref_slice %arg10[%dma_wait3A_71, %dma_wait3A_72] : memref<128x128xf32, #tpu.memory_space<vmem>> -> memref<64x128xf32, #tpu.memory_space<vmem>>
      %dma_wait3A_74 = arith.constant 0 : i32
      %dma_wait3A_75 = tpu.memref_slice %arg8[%dma_wait3A, %dma_wait3A_74] : memref<1x128xi32, #tpu.memory_space<vmem>> -> memref<1x64xi32, #tpu.memory_space<vmem>>
      %dma_wait3A_76 = tpu.memref_squeeze %dma_wait3A_75 : memref<1x64xi32, #tpu.memory_space<vmem>> -> memref<64xi32, #tpu.memory_space<vmem>>
      %dma_wait3A_77 = arith.constant 0 : i32
      %dma_wait3A_78 = arith.constant 0 : i32
      %dma_wait3A_79 = tpu.memref_slice %arg2[%dma_wait3A_77, %dma_wait3A_78] : memref<50000x128xf32, #tpu.memory_space<hbm>> -> memref<50000x128xf32, #tpu.memory_space<hbm>>
      tpu.wait_indirect_dma semaphore(%arg11 : memref<!tpu.dma_semaphore, #tpu.memory_space<semaphore_mem>>) src(%dma_wait3A_79 : memref<50000x128xf32, #tpu.memory_space<hbm>>) dst(%dma_wait3A_73 : memref<64x128xf32, #tpu.memory_space<vmem>>)
      %run_scoped3A = arith.constant 0 : i32
      "tpu.region"() ({
        %run_scoped3A_92 = tpu.sem_alloc : memref<!tpu.dma_semaphore, #tpu.memory_space<semaphore_mem>>
        %dma_start3A_93 = arith.constant 0 : i32
        %dma_start3A_94 = arith.constant 0 : i32
        %dma_start3A_95 = tpu.memref_slice %arg10[%dma_start3A_93, %dma_start3A_94] : memref<128x128xf32, #tpu.memory_space<vmem>> -> memref<64x128xf32, #tpu.memory_space<vmem>>
        %dma_start3A_96 = arith.constant 0 : i32
        %dma_start3A_97 = tpu.memref_slice %arg9[%run_scoped3A, %dma_start3A_96] : memref<1x128xi32, #tpu.memory_space<vmem>> -> memref<1x64xi32, #tpu.memory_space<vmem>>
        %dma_start3A_98 = tpu.memref_squeeze %dma_start3A_97 : memref<1x64xi32, #tpu.memory_space<vmem>> -> memref<64xi32, #tpu.memory_space<vmem>>
        %dma_start3A_99 = arith.constant 0 : i32
        %dma_start3A_100 = arith.constant 0 : i32
        %dma_start3A_101 = tpu.memref_slice %arg7[%dma_start3A_99, %dma_start3A_100] : memref<12544x128xf32, #tpu.memory_space<vmem_shared>> -> memref<12544x128xf32, #tpu.memory_space<vmem_shared>>
        tpu.enqueue_indirect_dma source(%dma_start3A_95 : memref<64x128xf32, #tpu.memory_space<vmem>>) target(%dma_start3A_101 : memref<12544x128xf32, #tpu.memory_space<vmem_shared>>) offsets(%dma_start3A_98 : memref<64xi32, #tpu.memory_space<vmem>>) semaphore(%run_scoped3A_92 : memref<!tpu.dma_semaphore, #tpu.memory_space<semaphore_mem>>) {add = true}
        %dma_wait3A_102 = arith.constant 0 : i32
        %dma_wait3A_103 = arith.constant 0 : i32
        %dma_wait3A_104 = tpu.memref_slice %arg10[%dma_wait3A_102, %dma_wait3A_103] : memref<128x128xf32, #tpu.memory_space<vmem>> -> memref<64x128xf32, #tpu.memory_space<vmem>>
        %dma_wait3A_105 = arith.constant 0 : i32
        %dma_wait3A_106 = tpu.memref_slice %arg9[%run_scoped3A, %dma_wait3A_105] : memref<1x128xi32, #tpu.memory_space<vmem>> -> memref<1x64xi32, #tpu.memory_space<vmem>>
        %dma_wait3A_107 = tpu.memref_squeeze %dma_wait3A_106 : memref<1x64xi32, #tpu.memory_space<vmem>> -> memref<64xi32, #tpu.memory_space<vmem>>
        %dma_wait3A_108 = arith.constant 0 : i32
        %dma_wait3A_109 = arith.constant 0 : i32
        %dma_wait3A_110 = tpu.memref_slice %arg7[%dma_wait3A_108, %dma_wait3A_109] : memref<12544x128xf32, #tpu.memory_space<vmem_shared>> -> memref<12544x128xf32, #tpu.memory_space<vmem_shared>>
        tpu.wait_indirect_dma semaphore(%run_scoped3A_92 : memref<!tpu.dma_semaphore, #tpu.memory_space<semaphore_mem>>) src(%dma_wait3A_104 : memref<64x128xf32, #tpu.memory_space<vmem>>) dst(%dma_wait3A_110 : memref<12544x128xf32, #tpu.memory_space<vmem_shared>>)
        tpu.yield
      }) : () -> ()
      %dma_wait3A_80 = arith.constant 0 : i32
      %dma_wait3A_81 = arith.constant 64 : i32
      %dma_wait3A_82 = arith.constant 0 : i32
      %dma_wait3A_83 = tpu.memref_slice %arg10[%dma_wait3A_81, %dma_wait3A_82] : memref<128x128xf32, #tpu.memory_space<vmem>> -> memref<64x128xf32, #tpu.memory_space<vmem>>
      %dma_wait3A_84 = arith.constant 64 : i32
      %dma_wait3A_85 = tpu.memref_slice %arg8[%dma_wait3A_80, %dma_wait3A_84] : memref<1x128xi32, #tpu.memory_space<vmem>> -> memref<1x64xi32, #tpu.memory_space<vmem>>
      %dma_wait3A_86 = tpu.memref_squeeze %dma_wait3A_85 : memref<1x64xi32, #tpu.memory_space<vmem>> -> memref<64xi32, #tpu.memory_space<vmem>>
      %dma_wait3A_87 = arith.constant 0 : i32
      %dma_wait3A_88 = arith.constant 0 : i32
      %dma_wait3A_89 = tpu.memref_slice %arg2[%dma_wait3A_87, %dma_wait3A_88] : memref<50000x128xf32, #tpu.memory_space<hbm>> -> memref<50000x128xf32, #tpu.memory_space<hbm>>
      tpu.wait_indirect_dma semaphore(%arg12 : memref<!tpu.dma_semaphore, #tpu.memory_space<semaphore_mem>>) src(%dma_wait3A_89 : memref<50000x128xf32, #tpu.memory_space<hbm>>) dst(%dma_wait3A_83 : memref<64x128xf32, #tpu.memory_space<vmem>>)
      %run_scoped3A_90 = arith.constant 0 : i32
      "tpu.region"() ({
        %run_scoped3A_92 = tpu.sem_alloc : memref<!tpu.dma_semaphore, #tpu.memory_space<semaphore_mem>>
        %dma_start3A_93 = arith.constant 64 : i32
        %dma_start3A_94 = arith.constant 0 : i32
        %dma_start3A_95 = tpu.memref_slice %arg10[%dma_start3A_93, %dma_start3A_94] : memref<128x128xf32, #tpu.memory_space<vmem>> -> memref<64x128xf32, #tpu.memory_space<vmem>>
        %dma_start3A_96 = arith.constant 64 : i32
        %dma_start3A_97 = tpu.memref_slice %arg9[%run_scoped3A_90, %dma_start3A_96] : memref<1x128xi32, #tpu.memory_space<vmem>> -> memref<1x64xi32, #tpu.memory_space<vmem>>
        %dma_start3A_98 = tpu.memref_squeeze %dma_start3A_97 : memref<1x64xi32, #tpu.memory_space<vmem>> -> memref<64xi32, #tpu.memory_space<vmem>>
        %dma_start3A_99 = arith.constant 0 : i32
        %dma_start3A_100 = arith.constant 0 : i32
        %dma_start3A_101 = tpu.memref_slice %arg7[%dma_start3A_99, %dma_start3A_100] : memref<12544x128xf32, #tpu.memory_space<vmem_shared>> -> memref<12544x128xf32, #tpu.memory_space<vmem_shared>>
        tpu.enqueue_indirect_dma source(%dma_start3A_95 : memref<64x128xf32, #tpu.memory_space<vmem>>) target(%dma_start3A_101 : memref<12544x128xf32, #tpu.memory_space<vmem_shared>>) offsets(%dma_start3A_98 : memref<64xi32, #tpu.memory_space<vmem>>) semaphore(%run_scoped3A_92 : memref<!tpu.dma_semaphore, #tpu.memory_space<semaphore_mem>>) {add = true}
        %dma_wait3A_102 = arith.constant 64 : i32
        %dma_wait3A_103 = arith.constant 0 : i32
        %dma_wait3A_104 = tpu.memref_slice %arg10[%dma_wait3A_102, %dma_wait3A_103] : memref<128x128xf32, #tpu.memory_space<vmem>> -> memref<64x128xf32, #tpu.memory_space<vmem>>
        %dma_wait3A_105 = arith.constant 64 : i32
        %dma_wait3A_106 = tpu.memref_slice %arg9[%run_scoped3A_90, %dma_wait3A_105] : memref<1x128xi32, #tpu.memory_space<vmem>> -> memref<1x64xi32, #tpu.memory_space<vmem>>
        %dma_wait3A_107 = tpu.memref_squeeze %dma_wait3A_106 : memref<1x64xi32, #tpu.memory_space<vmem>> -> memref<64xi32, #tpu.memory_space<vmem>>
        %dma_wait3A_108 = arith.constant 0 : i32
        %dma_wait3A_109 = arith.constant 0 : i32
        %dma_wait3A_110 = tpu.memref_slice %arg7[%dma_wait3A_108, %dma_wait3A_109] : memref<12544x128xf32, #tpu.memory_space<vmem_shared>> -> memref<12544x128xf32, #tpu.memory_space<vmem_shared>>
        tpu.wait_indirect_dma semaphore(%run_scoped3A_92 : memref<!tpu.dma_semaphore, #tpu.memory_space<semaphore_mem>>) src(%dma_wait3A_104 : memref<64x128xf32, #tpu.memory_space<vmem>>) dst(%dma_wait3A_110 : memref<12544x128xf32, #tpu.memory_space<vmem_shared>>)
        tpu.yield
      }) : () -> ()
      %scan3A_91 = arith.constant 0 : i32
      scf.yield %scan3A_91 : i32
    }
    %scan3A_11 = arith.constant 392 : i32
    %barrier3A_12 = arith.constant 0 : index
    tpu.barrier barrier_id(%barrier3A_12)
    %mul3A_13 = arith.constant 784 : i32
    %mul3A_14 = arith.muli %arg1, %mul3A_13 : i32
    %mul3A_15 = arith.constant 784 : i32
    %mul3A_16 = arith.muli %arg1, %mul3A_15 : i32
    "tpu.region"() ({
      %run_scoped3A = tpu.sem_alloc : memref<!tpu.dma_semaphore, #tpu.memory_space<semaphore_mem>>
      %dma_start3A = arith.constant 0 : i32
      %dma_start3A_40 = tpu.memref_slice %arg6[%add3A_1, %mul3A_16, %dma_start3A] : memref<4x12544x128xf32, #tpu.memory_space<hbm>> -> memref<1x784x128xf32, #tpu.memory_space<hbm>>
      %dma_start3A_41 = tpu.memref_squeeze %dma_start3A_40 : memref<1x784x128xf32, #tpu.memory_space<hbm>> -> memref<784x128xf32, #tpu.memory_space<hbm>>
      %dma_start3A_42 = arith.constant 0 : i32
      %dma_start3A_43 = tpu.memref_slice %arg7[%mul3A_14, %dma_start3A_42] : memref<12544x128xf32, #tpu.memory_space<vmem_shared>> -> memref<784x128xf32, #tpu.memory_space<vmem_shared>>
      tpu.enqueue_dma source(%dma_start3A_43 : memref<784x128xf32, #tpu.memory_space<vmem_shared>>) target(%dma_start3A_41 : memref<784x128xf32, #tpu.memory_space<hbm>>) target_semaphore(%run_scoped3A : memref<!tpu.dma_semaphore, #tpu.memory_space<semaphore_mem>>)
      %dma_wait3A = arith.constant 0 : i32
      %dma_wait3A_44 = tpu.memref_slice %arg6[%add3A_1, %mul3A_16, %dma_wait3A] : memref<4x12544x128xf32, #tpu.memory_space<hbm>> -> memref<1x784x128xf32, #tpu.memory_space<hbm>>
      %dma_wait3A_45 = tpu.memref_squeeze %dma_wait3A_44 : memref<1x784x128xf32, #tpu.memory_space<hbm>> -> memref<784x128xf32, #tpu.memory_space<hbm>>
      %dma_wait3A_46 = arith.constant 0 : i32
      %dma_wait3A_47 = tpu.memref_slice %arg7[%mul3A_14, %dma_wait3A_46] : memref<12544x128xf32, #tpu.memory_space<vmem_shared>> -> memref<784x128xf32, #tpu.memory_space<vmem_shared>>
      tpu.wait_dma2 semaphore(%run_scoped3A : memref<!tpu.dma_semaphore, #tpu.memory_space<semaphore_mem>>) src(%dma_wait3A_47 : memref<784x128xf32, #tpu.memory_space<vmem_shared>>) dst(%dma_wait3A_45 : memref<784x128xf32, #tpu.memory_space<hbm>>)
      tpu.yield
    }) : () -> ()
    %barrier3A_17 = arith.constant 0 : index
    tpu.barrier barrier_id(%barrier3A_17)
    %mul3A_18 = arith.constant 2 : i32
    %mul3A_19 = arith.muli %arg0, %mul3A_18 : i32
    %add3A_20 = arith.constant 1 : i32
    %add3A_21 = arith.addi %mul3A_19, %add3A_20 : i32
    %mul3A_22 = arith.constant 12512 : i32
    %mul3A_23 = arith.muli %add3A_21, %mul3A_22 : i32
    %mul3A_24 = arith.constant 784 : i32
    %mul3A_25 = arith.muli %arg1, %mul3A_24 : i32
    "tpu.region"() ({
      %run_scoped3A = tpu.sem_alloc : memref<!tpu.dma_semaphore, #tpu.memory_space<semaphore_mem>>
      %dma_start3A = arith.constant 0 : i32
      %dma_start3A_40 = tpu.memref_slice %arg7[%mul3A_25, %dma_start3A] : memref<12544x128xf32, #tpu.memory_space<vmem_shared>> -> memref<784x128xf32, #tpu.memory_space<vmem_shared>>
      tpu.enqueue_dma source(%arg5 : memref<784x128xf32, #tpu.memory_space<hbm>>) target(%dma_start3A_40 : memref<784x128xf32, #tpu.memory_space<vmem_shared>>) target_semaphore(%run_scoped3A : memref<!tpu.dma_semaphore, #tpu.memory_space<semaphore_mem>>)
      %dma_wait3A = arith.constant 0 : i32
      %dma_wait3A_41 = tpu.memref_slice %arg7[%mul3A_25, %dma_wait3A] : memref<12544x128xf32, #tpu.memory_space<vmem_shared>> -> memref<784x128xf32, #tpu.memory_space<vmem_shared>>
      tpu.wait_dma2 semaphore(%run_scoped3A : memref<!tpu.dma_semaphore, #tpu.memory_space<semaphore_mem>>) src(%arg5 : memref<784x128xf32, #tpu.memory_space<hbm>>) dst(%dma_wait3A_41 : memref<784x128xf32, #tpu.memory_space<vmem_shared>>)
      tpu.yield
    }) : () -> ()
    %barrier3A_26 = arith.constant 0 : index
    tpu.barrier barrier_id(%barrier3A_26)
    %scan3A_27 = arith.constant 0 : i32
    %scan3A_28 = arith.constant 0 : i32
    %scan3A_29 = arith.constant 392 : i32
    %scan3A_30 = arith.addi %scan3A_28, %scan3A_29 : i32
    %scan3A_31 = arith.constant 1 : i32
    %scan3A_32 = scf.for %scan3A_40 = %scan3A_28 to %scan3A_30 step %scan3A_31 iter_args(%scan3A_41 = %scan3A_27) -> (i32)  : i32 {
      %mul3A_42 = arith.constant 392 : i32
      %mul3A_43 = arith.muli %arg1, %mul3A_42 : i32
      %add3A_44 = arith.addi %mul3A_43, %scan3A_40 : i32
      "tpu.region"() ({
        %run_scoped3A_92 = tpu.sem_alloc : memref<!tpu.dma_semaphore, #tpu.memory_space<semaphore_mem>>
        %dma_start3A_93 = arith.constant 0 : i32
        %dma_start3A_94 = tpu.memref_slice %arg3[%add3A_44, %dma_start3A_93] : memref<6272x128xi32, #tpu.memory_space<hbm>> -> memref<1x128xi32, #tpu.memory_space<hbm>>
        %dma_start3A_95 = arith.constant 0 : i32
        %dma_start3A_96 = tpu.memref_slice %arg3[%add3A_44, %dma_start3A_95] : memref<6272x128xi32, #tpu.memory_space<hbm>> -> memref<1x128xi32, #tpu.memory_space<hbm>>
        tpu.enqueue_dma source(%dma_start3A_96 : memref<1x128xi32, #tpu.memory_space<hbm>>) target(%arg8 : memref<1x128xi32, #tpu.memory_space<vmem>>) target_semaphore(%run_scoped3A_92 : memref<!tpu.dma_semaphore, #tpu.memory_space<semaphore_mem>>)
        %dma_wait3A_97 = arith.constant 0 : i32
        %dma_wait3A_98 = tpu.memref_slice %arg3[%add3A_44, %dma_wait3A_97] : memref<6272x128xi32, #tpu.memory_space<hbm>> -> memref<1x128xi32, #tpu.memory_space<hbm>>
        %dma_wait3A_99 = arith.constant 0 : i32
        %dma_wait3A_100 = tpu.memref_slice %arg3[%add3A_44, %dma_wait3A_99] : memref<6272x128xi32, #tpu.memory_space<hbm>> -> memref<1x128xi32, #tpu.memory_space<hbm>>
        tpu.wait_dma2 semaphore(%run_scoped3A_92 : memref<!tpu.dma_semaphore, #tpu.memory_space<semaphore_mem>>) src(%dma_wait3A_100 : memref<1x128xi32, #tpu.memory_space<hbm>>) dst(%arg8 : memref<1x128xi32, #tpu.memory_space<vmem>>)
        tpu.yield
      }) : () -> ()
      "tpu.region"() ({
        %run_scoped3A_92 = tpu.sem_alloc : memref<!tpu.dma_semaphore, #tpu.memory_space<semaphore_mem>>
        %dma_start3A_93 = arith.constant 0 : i32
        %dma_start3A_94 = tpu.memref_slice %arg4[%add3A_44, %dma_start3A_93] : memref<6272x128xi32, #tpu.memory_space<hbm>> -> memref<1x128xi32, #tpu.memory_space<hbm>>
        %dma_start3A_95 = arith.constant 0 : i32
        %dma_start3A_96 = tpu.memref_slice %arg4[%add3A_44, %dma_start3A_95] : memref<6272x128xi32, #tpu.memory_space<hbm>> -> memref<1x128xi32, #tpu.memory_space<hbm>>
        tpu.enqueue_dma source(%dma_start3A_96 : memref<1x128xi32, #tpu.memory_space<hbm>>) target(%arg9 : memref<1x128xi32, #tpu.memory_space<vmem>>) target_semaphore(%run_scoped3A_92 : memref<!tpu.dma_semaphore, #tpu.memory_space<semaphore_mem>>)
        %dma_wait3A_97 = arith.constant 0 : i32
        %dma_wait3A_98 = tpu.memref_slice %arg4[%add3A_44, %dma_wait3A_97] : memref<6272x128xi32, #tpu.memory_space<hbm>> -> memref<1x128xi32, #tpu.memory_space<hbm>>
        %dma_wait3A_99 = arith.constant 0 : i32
        %dma_wait3A_100 = tpu.memref_slice %arg4[%add3A_44, %dma_wait3A_99] : memref<6272x128xi32, #tpu.memory_space<hbm>> -> memref<1x128xi32, #tpu.memory_space<hbm>>
        tpu.wait_dma2 semaphore(%run_scoped3A_92 : memref<!tpu.dma_semaphore, #tpu.memory_space<semaphore_mem>>) src(%dma_wait3A_100 : memref<1x128xi32, #tpu.memory_space<hbm>>) dst(%arg9 : memref<1x128xi32, #tpu.memory_space<vmem>>)
        tpu.yield
      }) : () -> ()
      %scan3A_45 = arith.constant 0 : i32
      %scan3A_46 = arith.constant 0 : i32
      %scan3A_47 = arith.constant 8 : i32
      %scan3A_48 = arith.addi %scan3A_46, %scan3A_47 : i32
      %scan3A_49 = arith.constant 1 : i32
      %scan3A_50 = scf.for %scan3A_92 = %scan3A_46 to %scan3A_48 step %scan3A_49 iter_args(%scan3A_93 = %scan3A_45) -> (i32)  : i32 {
        %mul3A_94 = arith.constant 16 : i32
        %mul3A_95 = arith.muli %scan3A_92, %mul3A_94 : i32
        %multiple_of3A = tpu.assume_multiple %mul3A_95, 16 : i32
        %get3A = arith.constant 0 : i32
        %get3A_96 = arith.index_cast %get3A : i32 to index
        %get3A_97 = arith.index_cast %multiple_of3A : i32 to index
        %get3A_98 = tpu.vector_load %arg9[%get3A_96, %get3A_97] {strides = array<i32>} : memref<1x128xi32, #tpu.memory_space<vmem>>, vector<1x16xi32>,
        %get3A_99 = vector.shape_cast %get3A_98 : vector<1x16xi32> to vector<16xi32>
        %ge3A = vector.broadcast %mul3A_23 : i32 to vector<16xi32>
        %ge3A_100 = arith.cmpi sge, %get3A_99, %ge3A : vector<16xi32>
        %add3A_101 = arith.constant 12512 : i32
        %add3A_102 = arith.addi %mul3A_23, %add3A_101 : i32
        %lt3A = vector.broadcast %add3A_102 : i32 to vector<16xi32>
        %lt3A_103 = arith.cmpi slt, %get3A_99, %lt3A : vector<16xi32>
        %and3A = arith.andi %ge3A_100, %lt3A_103 : vector<16xi1>
        %sub3A = vector.broadcast %mul3A_23 : i32 to vector<16xi32>
        %sub3A_104 = arith.subi %get3A_99, %sub3A : vector<16xi32>
        %and3A_105 = arith.constant 31 : i32
        %and3A_106 = vector.broadcast %and3A_105 : i32 to vector<16xi32>
        %and3A_107 = arith.andi %get3A_99, %and3A_106 : vector<16xi32>
        %add3A_108 = arith.constant 12512 : i32
        %add3A_109 = vector.broadcast %add3A_108 : i32 to vector<16xi32>
        %add3A_110 = arith.addi %add3A_109, %and3A_107 : vector<16xi32>
        %select_n3A = arith.select %and3A, %sub3A_104, %add3A_110 : vector<16xi1>, vector<16xi32>
        %swap3A = arith.constant 0 : i32
        %swap3A_111 = arith.index_cast %swap3A : i32 to index
        %swap3A_112 = arith.index_cast %multiple_of3A : i32 to index
        %swap3A_113 = tpu.vector_load %arg9[%swap3A_111, %swap3A_112] {strides = array<i32>} : memref<1x128xi32, #tpu.memory_space<vmem>>, vector<1x16xi32>,
        %swap3A_114 = vector.shape_cast %swap3A_113 : vector<1x16xi32> to vector<16xi32>
        %swap3A_115 = vector.shape_cast %select_n3A : vector<16xi32> to vector<1x16xi32>
        tpu.vector_store %arg9[%swap3A_111, %swap3A_112], %swap3A_115 {strides = array<i32>} : memref<1x128xi32, #tpu.memory_space<vmem>>, vector<1x16xi32>,
        %scan3A_116 = arith.constant 0 : i32
        scf.yield %scan3A_116 : i32
      }
      %scan3A_51 = arith.constant 8 : i32
      %dma_start3A = arith.constant 0 : i32
      %dma_start3A_52 = arith.constant 0 : i32
      %dma_start3A_53 = arith.constant 0 : i32
      %dma_start3A_54 = tpu.memref_slice %arg10[%dma_start3A_52, %dma_start3A_53] : memref<128x128xf32, #tpu.memory_space<vmem>> -> memref<64x128xf32, #tpu.memory_space<vmem>>
      %dma_start3A_55 = arith.constant 0 : i32
      %dma_start3A_56 = tpu.memref_slice %arg8[%dma_start3A, %dma_start3A_55] : memref<1x128xi32, #tpu.memory_space<vmem>> -> memref<1x64xi32, #tpu.memory_space<vmem>>
      %dma_start3A_57 = tpu.memref_squeeze %dma_start3A_56 : memref<1x64xi32, #tpu.memory_space<vmem>> -> memref<64xi32, #tpu.memory_space<vmem>>
      %dma_start3A_58 = arith.constant 0 : i32
      %dma_start3A_59 = arith.constant 0 : i32
      %dma_start3A_60 = tpu.memref_slice %arg2[%dma_start3A_58, %dma_start3A_59] : memref<50000x128xf32, #tpu.memory_space<hbm>> -> memref<50000x128xf32, #tpu.memory_space<hbm>>
      tpu.enqueue_indirect_dma source(%dma_start3A_60 : memref<50000x128xf32, #tpu.memory_space<hbm>>) target(%dma_start3A_54 : memref<64x128xf32, #tpu.memory_space<vmem>>) offsets(%dma_start3A_57 : memref<64xi32, #tpu.memory_space<vmem>>) semaphore(%arg11 : memref<!tpu.dma_semaphore, #tpu.memory_space<semaphore_mem>>)
      %dma_start3A_61 = arith.constant 0 : i32
      %dma_start3A_62 = arith.constant 64 : i32
      %dma_start3A_63 = arith.constant 0 : i32
      %dma_start3A_64 = tpu.memref_slice %arg10[%dma_start3A_62, %dma_start3A_63] : memref<128x128xf32, #tpu.memory_space<vmem>> -> memref<64x128xf32, #tpu.memory_space<vmem>>
      %dma_start3A_65 = arith.constant 64 : i32
      %dma_start3A_66 = tpu.memref_slice %arg8[%dma_start3A_61, %dma_start3A_65] : memref<1x128xi32, #tpu.memory_space<vmem>> -> memref<1x64xi32, #tpu.memory_space<vmem>>
      %dma_start3A_67 = tpu.memref_squeeze %dma_start3A_66 : memref<1x64xi32, #tpu.memory_space<vmem>> -> memref<64xi32, #tpu.memory_space<vmem>>
      %dma_start3A_68 = arith.constant 0 : i32
      %dma_start3A_69 = arith.constant 0 : i32
      %dma_start3A_70 = tpu.memref_slice %arg2[%dma_start3A_68, %dma_start3A_69] : memref<50000x128xf32, #tpu.memory_space<hbm>> -> memref<50000x128xf32, #tpu.memory_space<hbm>>
      tpu.enqueue_indirect_dma source(%dma_start3A_70 : memref<50000x128xf32, #tpu.memory_space<hbm>>) target(%dma_start3A_64 : memref<64x128xf32, #tpu.memory_space<vmem>>) offsets(%dma_start3A_67 : memref<64xi32, #tpu.memory_space<vmem>>) semaphore(%arg12 : memref<!tpu.dma_semaphore, #tpu.memory_space<semaphore_mem>>)
      %dma_wait3A = arith.constant 0 : i32
      %dma_wait3A_71 = arith.constant 0 : i32
      %dma_wait3A_72 = arith.constant 0 : i32
      %dma_wait3A_73 = tpu.memref_slice %arg10[%dma_wait3A_71, %dma_wait3A_72] : memref<128x128xf32, #tpu.memory_space<vmem>> -> memref<64x128xf32, #tpu.memory_space<vmem>>
      %dma_wait3A_74 = arith.constant 0 : i32
      %dma_wait3A_75 = tpu.memref_slice %arg8[%dma_wait3A, %dma_wait3A_74] : memref<1x128xi32, #tpu.memory_space<vmem>> -> memref<1x64xi32, #tpu.memory_space<vmem>>
      %dma_wait3A_76 = tpu.memref_squeeze %dma_wait3A_75 : memref<1x64xi32, #tpu.memory_space<vmem>> -> memref<64xi32, #tpu.memory_space<vmem>>
      %dma_wait3A_77 = arith.constant 0 : i32
      %dma_wait3A_78 = arith.constant 0 : i32
      %dma_wait3A_79 = tpu.memref_slice %arg2[%dma_wait3A_77, %dma_wait3A_78] : memref<50000x128xf32, #tpu.memory_space<hbm>> -> memref<50000x128xf32, #tpu.memory_space<hbm>>
      tpu.wait_indirect_dma semaphore(%arg11 : memref<!tpu.dma_semaphore, #tpu.memory_space<semaphore_mem>>) src(%dma_wait3A_79 : memref<50000x128xf32, #tpu.memory_space<hbm>>) dst(%dma_wait3A_73 : memref<64x128xf32, #tpu.memory_space<vmem>>)
      %run_scoped3A = arith.constant 0 : i32
      "tpu.region"() ({
        %run_scoped3A_92 = tpu.sem_alloc : memref<!tpu.dma_semaphore, #tpu.memory_space<semaphore_mem>>
        %dma_start3A_93 = arith.constant 0 : i32
        %dma_start3A_94 = arith.constant 0 : i32
        %dma_start3A_95 = tpu.memref_slice %arg10[%dma_start3A_93, %dma_start3A_94] : memref<128x128xf32, #tpu.memory_space<vmem>> -> memref<64x128xf32, #tpu.memory_space<vmem>>
        %dma_start3A_96 = arith.constant 0 : i32
        %dma_start3A_97 = tpu.memref_slice %arg9[%run_scoped3A, %dma_start3A_96] : memref<1x128xi32, #tpu.memory_space<vmem>> -> memref<1x64xi32, #tpu.memory_space<vmem>>
        %dma_start3A_98 = tpu.memref_squeeze %dma_start3A_97 : memref<1x64xi32, #tpu.memory_space<vmem>> -> memref<64xi32, #tpu.memory_space<vmem>>
        %dma_start3A_99 = arith.constant 0 : i32
        %dma_start3A_100 = arith.constant 0 : i32
        %dma_start3A_101 = tpu.memref_slice %arg7[%dma_start3A_99, %dma_start3A_100] : memref<12544x128xf32, #tpu.memory_space<vmem_shared>> -> memref<12544x128xf32, #tpu.memory_space<vmem_shared>>
        tpu.enqueue_indirect_dma source(%dma_start3A_95 : memref<64x128xf32, #tpu.memory_space<vmem>>) target(%dma_start3A_101 : memref<12544x128xf32, #tpu.memory_space<vmem_shared>>) offsets(%dma_start3A_98 : memref<64xi32, #tpu.memory_space<vmem>>) semaphore(%run_scoped3A_92 : memref<!tpu.dma_semaphore, #tpu.memory_space<semaphore_mem>>) {add = true}
        %dma_wait3A_102 = arith.constant 0 : i32
        %dma_wait3A_103 = arith.constant 0 : i32
        %dma_wait3A_104 = tpu.memref_slice %arg10[%dma_wait3A_102, %dma_wait3A_103] : memref<128x128xf32, #tpu.memory_space<vmem>> -> memref<64x128xf32, #tpu.memory_space<vmem>>
        %dma_wait3A_105 = arith.constant 0 : i32
        %dma_wait3A_106 = tpu.memref_slice %arg9[%run_scoped3A, %dma_wait3A_105] : memref<1x128xi32, #tpu.memory_space<vmem>> -> memref<1x64xi32, #tpu.memory_space<vmem>>
        %dma_wait3A_107 = tpu.memref_squeeze %dma_wait3A_106 : memref<1x64xi32, #tpu.memory_space<vmem>> -> memref<64xi32, #tpu.memory_space<vmem>>
        %dma_wait3A_108 = arith.constant 0 : i32
        %dma_wait3A_109 = arith.constant 0 : i32
        %dma_wait3A_110 = tpu.memref_slice %arg7[%dma_wait3A_108, %dma_wait3A_109] : memref<12544x128xf32, #tpu.memory_space<vmem_shared>> -> memref<12544x128xf32, #tpu.memory_space<vmem_shared>>
        tpu.wait_indirect_dma semaphore(%run_scoped3A_92 : memref<!tpu.dma_semaphore, #tpu.memory_space<semaphore_mem>>) src(%dma_wait3A_104 : memref<64x128xf32, #tpu.memory_space<vmem>>) dst(%dma_wait3A_110 : memref<12544x128xf32, #tpu.memory_space<vmem_shared>>)
        tpu.yield
      }) : () -> ()
      %dma_wait3A_80 = arith.constant 0 : i32
      %dma_wait3A_81 = arith.constant 64 : i32
      %dma_wait3A_82 = arith.constant 0 : i32
      %dma_wait3A_83 = tpu.memref_slice %arg10[%dma_wait3A_81, %dma_wait3A_82] : memref<128x128xf32, #tpu.memory_space<vmem>> -> memref<64x128xf32, #tpu.memory_space<vmem>>
      %dma_wait3A_84 = arith.constant 64 : i32
      %dma_wait3A_85 = tpu.memref_slice %arg8[%dma_wait3A_80, %dma_wait3A_84] : memref<1x128xi32, #tpu.memory_space<vmem>> -> memref<1x64xi32, #tpu.memory_space<vmem>>
      %dma_wait3A_86 = tpu.memref_squeeze %dma_wait3A_85 : memref<1x64xi32, #tpu.memory_space<vmem>> -> memref<64xi32, #tpu.memory_space<vmem>>
      %dma_wait3A_87 = arith.constant 0 : i32
      %dma_wait3A_88 = arith.constant 0 : i32
      %dma_wait3A_89 = tpu.memref_slice %arg2[%dma_wait3A_87, %dma_wait3A_88] : memref<50000x128xf32, #tpu.memory_space<hbm>> -> memref<50000x128xf32, #tpu.memory_space<hbm>>
      tpu.wait_indirect_dma semaphore(%arg12 : memref<!tpu.dma_semaphore, #tpu.memory_space<semaphore_mem>>) src(%dma_wait3A_89 : memref<50000x128xf32, #tpu.memory_space<hbm>>) dst(%dma_wait3A_83 : memref<64x128xf32, #tpu.memory_space<vmem>>)
      %run_scoped3A_90 = arith.constant 0 : i32
      "tpu.region"() ({
        %run_scoped3A_92 = tpu.sem_alloc : memref<!tpu.dma_semaphore, #tpu.memory_space<semaphore_mem>>
        %dma_start3A_93 = arith.constant 64 : i32
        %dma_start3A_94 = arith.constant 0 : i32
        %dma_start3A_95 = tpu.memref_slice %arg10[%dma_start3A_93, %dma_start3A_94] : memref<128x128xf32, #tpu.memory_space<vmem>> -> memref<64x128xf32, #tpu.memory_space<vmem>>
        %dma_start3A_96 = arith.constant 64 : i32
        %dma_start3A_97 = tpu.memref_slice %arg9[%run_scoped3A_90, %dma_start3A_96] : memref<1x128xi32, #tpu.memory_space<vmem>> -> memref<1x64xi32, #tpu.memory_space<vmem>>
        %dma_start3A_98 = tpu.memref_squeeze %dma_start3A_97 : memref<1x64xi32, #tpu.memory_space<vmem>> -> memref<64xi32, #tpu.memory_space<vmem>>
        %dma_start3A_99 = arith.constant 0 : i32
        %dma_start3A_100 = arith.constant 0 : i32
        %dma_start3A_101 = tpu.memref_slice %arg7[%dma_start3A_99, %dma_start3A_100] : memref<12544x128xf32, #tpu.memory_space<vmem_shared>> -> memref<12544x128xf32, #tpu.memory_space<vmem_shared>>
        tpu.enqueue_indirect_dma source(%dma_start3A_95 : memref<64x128xf32, #tpu.memory_space<vmem>>) target(%dma_start3A_101 : memref<12544x128xf32, #tpu.memory_space<vmem_shared>>) offsets(%dma_start3A_98 : memref<64xi32, #tpu.memory_space<vmem>>) semaphore(%run_scoped3A_92 : memref<!tpu.dma_semaphore, #tpu.memory_space<semaphore_mem>>) {add = true}
        %dma_wait3A_102 = arith.constant 64 : i32
        %dma_wait3A_103 = arith.constant 0 : i32
        %dma_wait3A_104 = tpu.memref_slice %arg10[%dma_wait3A_102, %dma_wait3A_103] : memref<128x128xf32, #tpu.memory_space<vmem>> -> memref<64x128xf32, #tpu.memory_space<vmem>>
        %dma_wait3A_105 = arith.constant 64 : i32
        %dma_wait3A_106 = tpu.memref_slice %arg9[%run_scoped3A_90, %dma_wait3A_105] : memref<1x128xi32, #tpu.memory_space<vmem>> -> memref<1x64xi32, #tpu.memory_space<vmem>>
        %dma_wait3A_107 = tpu.memref_squeeze %dma_wait3A_106 : memref<1x64xi32, #tpu.memory_space<vmem>> -> memref<64xi32, #tpu.memory_space<vmem>>
        %dma_wait3A_108 = arith.constant 0 : i32
        %dma_wait3A_109 = arith.constant 0 : i32
        %dma_wait3A_110 = tpu.memref_slice %arg7[%dma_wait3A_108, %dma_wait3A_109] : memref<12544x128xf32, #tpu.memory_space<vmem_shared>> -> memref<12544x128xf32, #tpu.memory_space<vmem_shared>>
        tpu.wait_indirect_dma semaphore(%run_scoped3A_92 : memref<!tpu.dma_semaphore, #tpu.memory_space<semaphore_mem>>) src(%dma_wait3A_104 : memref<64x128xf32, #tpu.memory_space<vmem>>) dst(%dma_wait3A_110 : memref<12544x128xf32, #tpu.memory_space<vmem_shared>>)
        tpu.yield
      }) : () -> ()
      %scan3A_91 = arith.constant 0 : i32
      scf.yield %scan3A_91 : i32
    }
    %scan3A_33 = arith.constant 392 : i32
    %barrier3A_34 = arith.constant 0 : index
    tpu.barrier barrier_id(%barrier3A_34)
    %mul3A_35 = arith.constant 784 : i32
    %mul3A_36 = arith.muli %arg1, %mul3A_35 : i32
    %mul3A_37 = arith.constant 784 : i32
    %mul3A_38 = arith.muli %arg1, %mul3A_37 : i32
    "tpu.region"() ({
      %run_scoped3A = tpu.sem_alloc : memref<!tpu.dma_semaphore, #tpu.memory_space<semaphore_mem>>
      %dma_start3A = arith.constant 0 : i32
      %dma_start3A_40 = tpu.memref_slice %arg6[%add3A_21, %mul3A_38, %dma_start3A] : memref<4x12544x128xf32, #tpu.memory_space<hbm>> -> memref<1x784x128xf32, #tpu.memory_space<hbm>>
      %dma_start3A_41 = tpu.memref_squeeze %dma_start3A_40 : memref<1x784x128xf32, #tpu.memory_space<hbm>> -> memref<784x128xf32, #tpu.memory_space<hbm>>
      %dma_start3A_42 = arith.constant 0 : i32
      %dma_start3A_43 = tpu.memref_slice %arg7[%mul3A_36, %dma_start3A_42] : memref<12544x128xf32, #tpu.memory_space<vmem_shared>> -> memref<784x128xf32, #tpu.memory_space<vmem_shared>>
      tpu.enqueue_dma source(%dma_start3A_43 : memref<784x128xf32, #tpu.memory_space<vmem_shared>>) target(%dma_start3A_41 : memref<784x128xf32, #tpu.memory_space<hbm>>) target_semaphore(%run_scoped3A : memref<!tpu.dma_semaphore, #tpu.memory_space<semaphore_mem>>)
      %dma_wait3A = arith.constant 0 : i32
      %dma_wait3A_44 = tpu.memref_slice %arg6[%add3A_21, %mul3A_38, %dma_wait3A] : memref<4x12544x128xf32, #tpu.memory_space<hbm>> -> memref<1x784x128xf32, #tpu.memory_space<hbm>>
      %dma_wait3A_45 = tpu.memref_squeeze %dma_wait3A_44 : memref<1x784x128xf32, #tpu.memory_space<hbm>> -> memref<784x128xf32, #tpu.memory_space<hbm>>
      %dma_wait3A_46 = arith.constant 0 : i32
      %dma_wait3A_47 = tpu.memref_slice %arg7[%mul3A_36, %dma_wait3A_46] : memref<12544x128xf32, #tpu.memory_space<vmem_shared>> -> memref<784x128xf32, #tpu.memory_space<vmem_shared>>
      tpu.wait_dma2 semaphore(%run_scoped3A : memref<!tpu.dma_semaphore, #tpu.memory_space<semaphore_mem>>) src(%dma_wait3A_47 : memref<784x128xf32, #tpu.memory_space<vmem_shared>>) dst(%dma_wait3A_45 : memref<784x128xf32, #tpu.memory_space<hbm>>)
      tpu.yield
    }) : () -> ()
    %barrier3A_39 = arith.constant 0 : index
    tpu.barrier barrier_id(%barrier3A_39)
    return
  }
}

#map = affine_map<(d0, d1) -> (0, 0)>
#map1 = affine_map<(d0, d1) -> (0, 0, 0)>
module attributes {stable_mosaic.version = 14 : i64} {
  func.func @_sc_body(%arg0: i32, %arg1: i32, %arg2: memref<50000x128xf32, #tpu.memory_space<hbm>>, %arg3: memref<6272x128xi32, #tpu.memory_space<hbm>>, %arg4: memref<6272x128xi32, #tpu.memory_space<hbm>>, %arg5: memref<784x128xf32, #tpu.memory_space<hbm>>, %arg6: memref<4x12544x128xf32, #tpu.memory_space<hbm>>, %arg7: memref<12544x128xf32, #tpu.memory_space<vmem_shared>>, %arg8: memref<1x128xi32, #tpu.memory_space<vmem>>, %arg9: memref<1x128xi32, #tpu.memory_space<vmem>>, %arg10: memref<128x128xf32, #tpu.memory_space<vmem>>, %arg11: memref<!tpu.dma_semaphore, #tpu.memory_space<semaphore_mem>>, %arg12: memref<!tpu.dma_semaphore, #tpu.memory_space<semaphore_mem>>) attributes {dimension_semantics = [#tpu.dimension_semantics<core_parallel>, #tpu.dimension_semantics<subcore_parallel>], iteration_bounds = array<i64: 2, 16>, scalar_prefetch = 0 : i64, scratch_operands = 6 : i64, tpu.core_type = #tpu.core_type<sc_vector_subcore>, window_params = [{transform_indices = #map}, {transform_indices = #map}, {transform_indices = #map}, {transform_indices = #map}, {transform_indices = #map1}]} {
    %mul3A = arith.constant 2 : i32
    %mul3A_0 = arith.muli %arg0, %mul3A : i32
    %add3A = arith.constant 0 : i32
    %add3A_1 = arith.addi %mul3A_0, %add3A : i32
    %mul3A_2 = arith.constant 12512 : i32
    %mul3A_3 = arith.muli %add3A_1, %mul3A_2 : i32
    %mul3A_4 = arith.constant 784 : i32
    %mul3A_5 = arith.muli %arg1, %mul3A_4 : i32
    "tpu.region"() ({
      %run_scoped3A = tpu.sem_alloc : memref<!tpu.dma_semaphore, #tpu.memory_space<semaphore_mem>>
      %dma_start3A = arith.constant 0 : i32
      %dma_start3A_40 = tpu.memref_slice %arg7[%mul3A_5, %dma_start3A] : memref<12544x128xf32, #tpu.memory_space<vmem_shared>> -> memref<784x128xf32, #tpu.memory_space<vmem_shared>>
      tpu.enqueue_dma source(%arg5 : memref<784x128xf32, #tpu.memory_space<hbm>>) target(%dma_start3A_40 : memref<784x128xf32, #tpu.memory_space<vmem_shared>>) target_semaphore(%run_scoped3A : memref<!tpu.dma_semaphore, #tpu.memory_space<semaphore_mem>>)
      %dma_wait3A = arith.constant 0 : i32
      %dma_wait3A_41 = tpu.memref_slice %arg7[%mul3A_5, %dma_wait3A] : memref<12544x128xf32, #tpu.memory_space<vmem_shared>> -> memref<784x128xf32, #tpu.memory_space<vmem_shared>>
      tpu.wait_dma2 semaphore(%run_scoped3A : memref<!tpu.dma_semaphore, #tpu.memory_space<semaphore_mem>>) src(%arg5 : memref<784x128xf32, #tpu.memory_space<hbm>>) dst(%dma_wait3A_41 : memref<784x128xf32, #tpu.memory_space<vmem_shared>>)
      tpu.yield
    }) : () -> ()
    %barrier3A = arith.constant 0 : index
    tpu.barrier barrier_id(%barrier3A)
    %scan3A = arith.constant 0 : i32
    %scan3A_6 = arith.constant 0 : i32
    %scan3A_7 = arith.constant 392 : i32
    %scan3A_8 = arith.addi %scan3A_6, %scan3A_7 : i32
    %scan3A_9 = arith.constant 1 : i32
    %scan3A_10 = scf.for %scan3A_40 = %scan3A_6 to %scan3A_8 step %scan3A_9 iter_args(%scan3A_41 = %scan3A) -> (i32)  : i32 {
      %mul3A_42 = arith.constant 392 : i32
      %mul3A_43 = arith.muli %arg1, %mul3A_42 : i32
      %add3A_44 = arith.addi %mul3A_43, %scan3A_40 : i32
      "tpu.region"() ({
        %run_scoped3A_92 = tpu.sem_alloc : memref<!tpu.dma_semaphore, #tpu.memory_space<semaphore_mem>>
        %dma_start3A_93 = arith.constant 0 : i32
        %dma_start3A_94 = tpu.memref_slice %arg3[%add3A_44, %dma_start3A_93] : memref<6272x128xi32, #tpu.memory_space<hbm>> -> memref<1x128xi32, #tpu.memory_space<hbm>>
        %dma_start3A_95 = arith.constant 0 : i32
        %dma_start3A_96 = tpu.memref_slice %arg3[%add3A_44, %dma_start3A_95] : memref<6272x128xi32, #tpu.memory_space<hbm>> -> memref<1x128xi32, #tpu.memory_space<hbm>>
        tpu.enqueue_dma source(%dma_start3A_96 : memref<1x128xi32, #tpu.memory_space<hbm>>) target(%arg8 : memref<1x128xi32, #tpu.memory_space<vmem>>) target_semaphore(%run_scoped3A_92 : memref<!tpu.dma_semaphore, #tpu.memory_space<semaphore_mem>>)
        %dma_wait3A_97 = arith.constant 0 : i32
        %dma_wait3A_98 = tpu.memref_slice %arg3[%add3A_44, %dma_wait3A_97] : memref<6272x128xi32, #tpu.memory_space<hbm>> -> memref<1x128xi32, #tpu.memory_space<hbm>>
        %dma_wait3A_99 = arith.constant 0 : i32
        %dma_wait3A_100 = tpu.memref_slice %arg3[%add3A_44, %dma_wait3A_99] : memref<6272x128xi32, #tpu.memory_space<hbm>> -> memref<1x128xi32, #tpu.memory_space<hbm>>
        tpu.wait_dma2 semaphore(%run_scoped3A_92 : memref<!tpu.dma_semaphore, #tpu.memory_space<semaphore_mem>>) src(%dma_wait3A_100 : memref<1x128xi32, #tpu.memory_space<hbm>>) dst(%arg8 : memref<1x128xi32, #tpu.memory_space<vmem>>)
        tpu.yield
      }) : () -> ()
      "tpu.region"() ({
        %run_scoped3A_92 = tpu.sem_alloc : memref<!tpu.dma_semaphore, #tpu.memory_space<semaphore_mem>>
        %dma_start3A_93 = arith.constant 0 : i32
        %dma_start3A_94 = tpu.memref_slice %arg4[%add3A_44, %dma_start3A_93] : memref<6272x128xi32, #tpu.memory_space<hbm>> -> memref<1x128xi32, #tpu.memory_space<hbm>>
        %dma_start3A_95 = arith.constant 0 : i32
        %dma_start3A_96 = tpu.memref_slice %arg4[%add3A_44, %dma_start3A_95] : memref<6272x128xi32, #tpu.memory_space<hbm>> -> memref<1x128xi32, #tpu.memory_space<hbm>>
        tpu.enqueue_dma source(%dma_start3A_96 : memref<1x128xi32, #tpu.memory_space<hbm>>) target(%arg9 : memref<1x128xi32, #tpu.memory_space<vmem>>) target_semaphore(%run_scoped3A_92 : memref<!tpu.dma_semaphore, #tpu.memory_space<semaphore_mem>>)
        %dma_wait3A_97 = arith.constant 0 : i32
        %dma_wait3A_98 = tpu.memref_slice %arg4[%add3A_44, %dma_wait3A_97] : memref<6272x128xi32, #tpu.memory_space<hbm>> -> memref<1x128xi32, #tpu.memory_space<hbm>>
        %dma_wait3A_99 = arith.constant 0 : i32
        %dma_wait3A_100 = tpu.memref_slice %arg4[%add3A_44, %dma_wait3A_99] : memref<6272x128xi32, #tpu.memory_space<hbm>> -> memref<1x128xi32, #tpu.memory_space<hbm>>
        tpu.wait_dma2 semaphore(%run_scoped3A_92 : memref<!tpu.dma_semaphore, #tpu.memory_space<semaphore_mem>>) src(%dma_wait3A_100 : memref<1x128xi32, #tpu.memory_space<hbm>>) dst(%arg9 : memref<1x128xi32, #tpu.memory_space<vmem>>)
        tpu.yield
      }) : () -> ()
      %scan3A_45 = arith.constant 0 : i32
      %scan3A_46 = arith.constant 0 : i32
      %scan3A_47 = arith.constant 8 : i32
      %scan3A_48 = arith.addi %scan3A_46, %scan3A_47 : i32
      %scan3A_49 = arith.constant 1 : i32
      %scan3A_50 = scf.for %scan3A_92 = %scan3A_46 to %scan3A_48 step %scan3A_49 iter_args(%scan3A_93 = %scan3A_45) -> (i32)  : i32 {
        %mul3A_94 = arith.constant 16 : i32
        %mul3A_95 = arith.muli %scan3A_92, %mul3A_94 : i32
        %multiple_of3A = tpu.assume_multiple %mul3A_95, 16 : i32
        %get3A = arith.constant 0 : i32
        %get3A_96 = arith.index_cast %get3A : i32 to index
        %get3A_97 = arith.index_cast %multiple_of3A : i32 to index
        %get3A_98 = tpu.vector_load %arg9[%get3A_96, %get3A_97] {strides = array<i32>} : memref<1x128xi32, #tpu.memory_space<vmem>>, vector<1x16xi32>,
        %get3A_99 = vector.shape_cast %get3A_98 : vector<1x16xi32> to vector<16xi32>
        %ge3A = vector.broadcast %mul3A_3 : i32 to vector<16xi32>
        %ge3A_100 = arith.cmpi sge, %get3A_99, %ge3A : vector<16xi32>
        %add3A_101 = arith.constant 12512 : i32
        %add3A_102 = arith.addi %mul3A_3, %add3A_101 : i32
        %lt3A = vector.broadcast %add3A_102 : i32 to vector<16xi32>
        %lt3A_103 = arith.cmpi slt, %get3A_99, %lt3A : vector<16xi32>
        %and3A = arith.andi %ge3A_100, %lt3A_103 : vector<16xi1>
        %sub3A = vector.broadcast %mul3A_3 : i32 to vector<16xi32>
        %sub3A_104 = arith.subi %get3A_99, %sub3A : vector<16xi32>
        %and3A_105 = arith.constant 31 : i32
        %and3A_106 = vector.broadcast %and3A_105 : i32 to vector<16xi32>
        %and3A_107 = arith.andi %get3A_99, %and3A_106 : vector<16xi32>
        %add3A_108 = arith.constant 12512 : i32
        %add3A_109 = vector.broadcast %add3A_108 : i32 to vector<16xi32>
        %add3A_110 = arith.addi %add3A_109, %and3A_107 : vector<16xi32>
        %select_n3A = arith.select %and3A, %sub3A_104, %add3A_110 : vector<16xi1>, vector<16xi32>
        %swap3A = arith.constant 0 : i32
        %swap3A_111 = arith.index_cast %swap3A : i32 to index
        %swap3A_112 = arith.index_cast %multiple_of3A : i32 to index
        %swap3A_113 = tpu.vector_load %arg9[%swap3A_111, %swap3A_112] {strides = array<i32>} : memref<1x128xi32, #tpu.memory_space<vmem>>, vector<1x16xi32>,
        %swap3A_114 = vector.shape_cast %swap3A_113 : vector<1x16xi32> to vector<16xi32>
        %swap3A_115 = vector.shape_cast %select_n3A : vector<16xi32> to vector<1x16xi32>
        tpu.vector_store %arg9[%swap3A_111, %swap3A_112], %swap3A_115 {strides = array<i32>} : memref<1x128xi32, #tpu.memory_space<vmem>>, vector<1x16xi32>,
        %scan3A_116 = arith.constant 0 : i32
        scf.yield %scan3A_116 : i32
      }
      %scan3A_51 = arith.constant 8 : i32
      %dma_start3A = arith.constant 0 : i32
      %dma_start3A_52 = arith.constant 0 : i32
      %dma_start3A_53 = arith.constant 0 : i32
      %dma_start3A_54 = tpu.memref_slice %arg10[%dma_start3A_52, %dma_start3A_53] : memref<128x128xf32, #tpu.memory_space<vmem>> -> memref<64x128xf32, #tpu.memory_space<vmem>>
      %dma_start3A_55 = arith.constant 0 : i32
      %dma_start3A_56 = tpu.memref_slice %arg8[%dma_start3A, %dma_start3A_55] : memref<1x128xi32, #tpu.memory_space<vmem>> -> memref<1x64xi32, #tpu.memory_space<vmem>>
      %dma_start3A_57 = tpu.memref_squeeze %dma_start3A_56 : memref<1x64xi32, #tpu.memory_space<vmem>> -> memref<64xi32, #tpu.memory_space<vmem>>
      %dma_start3A_58 = arith.constant 0 : i32
      %dma_start3A_59 = arith.constant 0 : i32
      %dma_start3A_60 = tpu.memref_slice %arg2[%dma_start3A_58, %dma_start3A_59] : memref<50000x128xf32, #tpu.memory_space<hbm>> -> memref<50000x128xf32, #tpu.memory_space<hbm>>
      tpu.enqueue_indirect_dma source(%dma_start3A_60 : memref<50000x128xf32, #tpu.memory_space<hbm>>) target(%dma_start3A_54 : memref<64x128xf32, #tpu.memory_space<vmem>>) offsets(%dma_start3A_57 : memref<64xi32, #tpu.memory_space<vmem>>) semaphore(%arg11 : memref<!tpu.dma_semaphore, #tpu.memory_space<semaphore_mem>>)
      %dma_start3A_61 = arith.constant 0 : i32
      %dma_start3A_62 = arith.constant 64 : i32
      %dma_start3A_63 = arith.constant 0 : i32
      %dma_start3A_64 = tpu.memref_slice %arg10[%dma_start3A_62, %dma_start3A_63] : memref<128x128xf32, #tpu.memory_space<vmem>> -> memref<64x128xf32, #tpu.memory_space<vmem>>
      %dma_start3A_65 = arith.constant 64 : i32
      %dma_start3A_66 = tpu.memref_slice %arg8[%dma_start3A_61, %dma_start3A_65] : memref<1x128xi32, #tpu.memory_space<vmem>> -> memref<1x64xi32, #tpu.memory_space<vmem>>
      %dma_start3A_67 = tpu.memref_squeeze %dma_start3A_66 : memref<1x64xi32, #tpu.memory_space<vmem>> -> memref<64xi32, #tpu.memory_space<vmem>>
      %dma_start3A_68 = arith.constant 0 : i32
      %dma_start3A_69 = arith.constant 0 : i32
      %dma_start3A_70 = tpu.memref_slice %arg2[%dma_start3A_68, %dma_start3A_69] : memref<50000x128xf32, #tpu.memory_space<hbm>> -> memref<50000x128xf32, #tpu.memory_space<hbm>>
      tpu.enqueue_indirect_dma source(%dma_start3A_70 : memref<50000x128xf32, #tpu.memory_space<hbm>>) target(%dma_start3A_64 : memref<64x128xf32, #tpu.memory_space<vmem>>) offsets(%dma_start3A_67 : memref<64xi32, #tpu.memory_space<vmem>>) semaphore(%arg12 : memref<!tpu.dma_semaphore, #tpu.memory_space<semaphore_mem>>)
      %dma_wait3A = arith.constant 0 : i32
      %dma_wait3A_71 = arith.constant 0 : i32
      %dma_wait3A_72 = arith.constant 0 : i32
      %dma_wait3A_73 = tpu.memref_slice %arg10[%dma_wait3A_71, %dma_wait3A_72] : memref<128x128xf32, #tpu.memory_space<vmem>> -> memref<64x128xf32, #tpu.memory_space<vmem>>
      %dma_wait3A_74 = arith.constant 0 : i32
      %dma_wait3A_75 = tpu.memref_slice %arg8[%dma_wait3A, %dma_wait3A_74] : memref<1x128xi32, #tpu.memory_space<vmem>> -> memref<1x64xi32, #tpu.memory_space<vmem>>
      %dma_wait3A_76 = tpu.memref_squeeze %dma_wait3A_75 : memref<1x64xi32, #tpu.memory_space<vmem>> -> memref<64xi32, #tpu.memory_space<vmem>>
      %dma_wait3A_77 = arith.constant 0 : i32
      %dma_wait3A_78 = arith.constant 0 : i32
      %dma_wait3A_79 = tpu.memref_slice %arg2[%dma_wait3A_77, %dma_wait3A_78] : memref<50000x128xf32, #tpu.memory_space<hbm>> -> memref<50000x128xf32, #tpu.memory_space<hbm>>
      tpu.wait_indirect_dma semaphore(%arg11 : memref<!tpu.dma_semaphore, #tpu.memory_space<semaphore_mem>>) src(%dma_wait3A_79 : memref<50000x128xf32, #tpu.memory_space<hbm>>) dst(%dma_wait3A_73 : memref<64x128xf32, #tpu.memory_space<vmem>>)
      %run_scoped3A = arith.constant 0 : i32
      "tpu.region"() ({
        %run_scoped3A_92 = tpu.sem_alloc : memref<!tpu.dma_semaphore, #tpu.memory_space<semaphore_mem>>
        %dma_start3A_93 = arith.constant 0 : i32
        %dma_start3A_94 = arith.constant 0 : i32
        %dma_start3A_95 = tpu.memref_slice %arg10[%dma_start3A_93, %dma_start3A_94] : memref<128x128xf32, #tpu.memory_space<vmem>> -> memref<64x128xf32, #tpu.memory_space<vmem>>
        %dma_start3A_96 = arith.constant 0 : i32
        %dma_start3A_97 = tpu.memref_slice %arg9[%run_scoped3A, %dma_start3A_96] : memref<1x128xi32, #tpu.memory_space<vmem>> -> memref<1x64xi32, #tpu.memory_space<vmem>>
        %dma_start3A_98 = tpu.memref_squeeze %dma_start3A_97 : memref<1x64xi32, #tpu.memory_space<vmem>> -> memref<64xi32, #tpu.memory_space<vmem>>
        %dma_start3A_99 = arith.constant 0 : i32
        %dma_start3A_100 = arith.constant 0 : i32
        %dma_start3A_101 = tpu.memref_slice %arg7[%dma_start3A_99, %dma_start3A_100] : memref<12544x128xf32, #tpu.memory_space<vmem_shared>> -> memref<12544x128xf32, #tpu.memory_space<vmem_shared>>
        tpu.enqueue_indirect_dma source(%dma_start3A_95 : memref<64x128xf32, #tpu.memory_space<vmem>>) target(%dma_start3A_101 : memref<12544x128xf32, #tpu.memory_space<vmem_shared>>) offsets(%dma_start3A_98 : memref<64xi32, #tpu.memory_space<vmem>>) semaphore(%run_scoped3A_92 : memref<!tpu.dma_semaphore, #tpu.memory_space<semaphore_mem>>) {add = true}
        %dma_wait3A_102 = arith.constant 0 : i32
        %dma_wait3A_103 = arith.constant 0 : i32
        %dma_wait3A_104 = tpu.memref_slice %arg10[%dma_wait3A_102, %dma_wait3A_103] : memref<128x128xf32, #tpu.memory_space<vmem>> -> memref<64x128xf32, #tpu.memory_space<vmem>>
        %dma_wait3A_105 = arith.constant 0 : i32
        %dma_wait3A_106 = tpu.memref_slice %arg9[%run_scoped3A, %dma_wait3A_105] : memref<1x128xi32, #tpu.memory_space<vmem>> -> memref<1x64xi32, #tpu.memory_space<vmem>>
        %dma_wait3A_107 = tpu.memref_squeeze %dma_wait3A_106 : memref<1x64xi32, #tpu.memory_space<vmem>> -> memref<64xi32, #tpu.memory_space<vmem>>
        %dma_wait3A_108 = arith.constant 0 : i32
        %dma_wait3A_109 = arith.constant 0 : i32
        %dma_wait3A_110 = tpu.memref_slice %arg7[%dma_wait3A_108, %dma_wait3A_109] : memref<12544x128xf32, #tpu.memory_space<vmem_shared>> -> memref<12544x128xf32, #tpu.memory_space<vmem_shared>>
        tpu.wait_indirect_dma semaphore(%run_scoped3A_92 : memref<!tpu.dma_semaphore, #tpu.memory_space<semaphore_mem>>) src(%dma_wait3A_104 : memref<64x128xf32, #tpu.memory_space<vmem>>) dst(%dma_wait3A_110 : memref<12544x128xf32, #tpu.memory_space<vmem_shared>>)
        tpu.yield
      }) : () -> ()
      %dma_wait3A_80 = arith.constant 0 : i32
      %dma_wait3A_81 = arith.constant 64 : i32
      %dma_wait3A_82 = arith.constant 0 : i32
      %dma_wait3A_83 = tpu.memref_slice %arg10[%dma_wait3A_81, %dma_wait3A_82] : memref<128x128xf32, #tpu.memory_space<vmem>> -> memref<64x128xf32, #tpu.memory_space<vmem>>
      %dma_wait3A_84 = arith.constant 64 : i32
      %dma_wait3A_85 = tpu.memref_slice %arg8[%dma_wait3A_80, %dma_wait3A_84] : memref<1x128xi32, #tpu.memory_space<vmem>> -> memref<1x64xi32, #tpu.memory_space<vmem>>
      %dma_wait3A_86 = tpu.memref_squeeze %dma_wait3A_85 : memref<1x64xi32, #tpu.memory_space<vmem>> -> memref<64xi32, #tpu.memory_space<vmem>>
      %dma_wait3A_87 = arith.constant 0 : i32
      %dma_wait3A_88 = arith.constant 0 : i32
      %dma_wait3A_89 = tpu.memref_slice %arg2[%dma_wait3A_87, %dma_wait3A_88] : memref<50000x128xf32, #tpu.memory_space<hbm>> -> memref<50000x128xf32, #tpu.memory_space<hbm>>
      tpu.wait_indirect_dma semaphore(%arg12 : memref<!tpu.dma_semaphore, #tpu.memory_space<semaphore_mem>>) src(%dma_wait3A_89 : memref<50000x128xf32, #tpu.memory_space<hbm>>) dst(%dma_wait3A_83 : memref<64x128xf32, #tpu.memory_space<vmem>>)
      %run_scoped3A_90 = arith.constant 0 : i32
      "tpu.region"() ({
        %run_scoped3A_92 = tpu.sem_alloc : memref<!tpu.dma_semaphore, #tpu.memory_space<semaphore_mem>>
        %dma_start3A_93 = arith.constant 64 : i32
        %dma_start3A_94 = arith.constant 0 : i32
        %dma_start3A_95 = tpu.memref_slice %arg10[%dma_start3A_93, %dma_start3A_94] : memref<128x128xf32, #tpu.memory_space<vmem>> -> memref<64x128xf32, #tpu.memory_space<vmem>>
        %dma_start3A_96 = arith.constant 64 : i32
        %dma_start3A_97 = tpu.memref_slice %arg9[%run_scoped3A_90, %dma_start3A_96] : memref<1x128xi32, #tpu.memory_space<vmem>> -> memref<1x64xi32, #tpu.memory_space<vmem>>
        %dma_start3A_98 = tpu.memref_squeeze %dma_start3A_97 : memref<1x64xi32, #tpu.memory_space<vmem>> -> memref<64xi32, #tpu.memory_space<vmem>>
        %dma_start3A_99 = arith.constant 0 : i32
        %dma_start3A_100 = arith.constant 0 : i32
        %dma_start3A_101 = tpu.memref_slice %arg7[%dma_start3A_99, %dma_start3A_100] : memref<12544x128xf32, #tpu.memory_space<vmem_shared>> -> memref<12544x128xf32, #tpu.memory_space<vmem_shared>>
        tpu.enqueue_indirect_dma source(%dma_start3A_95 : memref<64x128xf32, #tpu.memory_space<vmem>>) target(%dma_start3A_101 : memref<12544x128xf32, #tpu.memory_space<vmem_shared>>) offsets(%dma_start3A_98 : memref<64xi32, #tpu.memory_space<vmem>>) semaphore(%run_scoped3A_92 : memref<!tpu.dma_semaphore, #tpu.memory_space<semaphore_mem>>) {add = true}
        %dma_wait3A_102 = arith.constant 64 : i32
        %dma_wait3A_103 = arith.constant 0 : i32
        %dma_wait3A_104 = tpu.memref_slice %arg10[%dma_wait3A_102, %dma_wait3A_103] : memref<128x128xf32, #tpu.memory_space<vmem>> -> memref<64x128xf32, #tpu.memory_space<vmem>>
        %dma_wait3A_105 = arith.constant 64 : i32
        %dma_wait3A_106 = tpu.memref_slice %arg9[%run_scoped3A_90, %dma_wait3A_105] : memref<1x128xi32, #tpu.memory_space<vmem>> -> memref<1x64xi32, #tpu.memory_space<vmem>>
        %dma_wait3A_107 = tpu.memref_squeeze %dma_wait3A_106 : memref<1x64xi32, #tpu.memory_space<vmem>> -> memref<64xi32, #tpu.memory_space<vmem>>
        %dma_wait3A_108 = arith.constant 0 : i32
        %dma_wait3A_109 = arith.constant 0 : i32
        %dma_wait3A_110 = tpu.memref_slice %arg7[%dma_wait3A_108, %dma_wait3A_109] : memref<12544x128xf32, #tpu.memory_space<vmem_shared>> -> memref<12544x128xf32, #tpu.memory_space<vmem_shared>>
        tpu.wait_indirect_dma semaphore(%run_scoped3A_92 : memref<!tpu.dma_semaphore, #tpu.memory_space<semaphore_mem>>) src(%dma_wait3A_104 : memref<64x128xf32, #tpu.memory_space<vmem>>) dst(%dma_wait3A_110 : memref<12544x128xf32, #tpu.memory_space<vmem_shared>>)
        tpu.yield
      }) : () -> ()
      %scan3A_91 = arith.constant 0 : i32
      scf.yield %scan3A_91 : i32
    }
    %scan3A_11 = arith.constant 392 : i32
    %barrier3A_12 = arith.constant 0 : index
    tpu.barrier barrier_id(%barrier3A_12)
    %mul3A_13 = arith.constant 784 : i32
    %mul3A_14 = arith.muli %arg1, %mul3A_13 : i32
    %mul3A_15 = arith.constant 784 : i32
    %mul3A_16 = arith.muli %arg1, %mul3A_15 : i32
    "tpu.region"() ({
      %run_scoped3A = tpu.sem_alloc : memref<!tpu.dma_semaphore, #tpu.memory_space<semaphore_mem>>
      %dma_start3A = arith.constant 0 : i32
      %dma_start3A_40 = tpu.memref_slice %arg6[%add3A_1, %mul3A_16, %dma_start3A] : memref<4x12544x128xf32, #tpu.memory_space<hbm>> -> memref<1x784x128xf32, #tpu.memory_space<hbm>>
      %dma_start3A_41 = tpu.memref_squeeze %dma_start3A_40 : memref<1x784x128xf32, #tpu.memory_space<hbm>> -> memref<784x128xf32, #tpu.memory_space<hbm>>
      %dma_start3A_42 = arith.constant 0 : i32
      %dma_start3A_43 = tpu.memref_slice %arg7[%mul3A_14, %dma_start3A_42] : memref<12544x128xf32, #tpu.memory_space<vmem_shared>> -> memref<784x128xf32, #tpu.memory_space<vmem_shared>>
      tpu.enqueue_dma source(%dma_start3A_43 : memref<784x128xf32, #tpu.memory_space<vmem_shared>>) target(%dma_start3A_41 : memref<784x128xf32, #tpu.memory_space<hbm>>) target_semaphore(%run_scoped3A : memref<!tpu.dma_semaphore, #tpu.memory_space<semaphore_mem>>)
      %dma_wait3A = arith.constant 0 : i32
      %dma_wait3A_44 = tpu.memref_slice %arg6[%add3A_1, %mul3A_16, %dma_wait3A] : memref<4x12544x128xf32, #tpu.memory_space<hbm>> -> memref<1x784x128xf32, #tpu.memory_space<hbm>>
      %dma_wait3A_45 = tpu.memref_squeeze %dma_wait3A_44 : memref<1x784x128xf32, #tpu.memory_space<hbm>> -> memref<784x128xf32, #tpu.memory_space<hbm>>
      %dma_wait3A_46 = arith.constant 0 : i32
      %dma_wait3A_47 = tpu.memref_slice %arg7[%mul3A_14, %dma_wait3A_46] : memref<12544x128xf32, #tpu.memory_space<vmem_shared>> -> memref<784x128xf32, #tpu.memory_space<vmem_shared>>
      tpu.wait_dma2 semaphore(%run_scoped3A : memref<!tpu.dma_semaphore, #tpu.memory_space<semaphore_mem>>) src(%dma_wait3A_47 : memref<784x128xf32, #tpu.memory_space<vmem_shared>>) dst(%dma_wait3A_45 : memref<784x128xf32, #tpu.memory_space<hbm>>)
      tpu.yield
    }) : () -> ()
    %barrier3A_17 = arith.constant 0 : index
    tpu.barrier barrier_id(%barrier3A_17)
    %mul3A_18 = arith.constant 2 : i32
    %mul3A_19 = arith.muli %arg0, %mul3A_18 : i32
    %add3A_20 = arith.constant 1 : i32
    %add3A_21 = arith.addi %mul3A_19, %add3A_20 : i32
    %mul3A_22 = arith.constant 12512 : i32
    %mul3A_23 = arith.muli %add3A_21, %mul3A_22 : i32
    %mul3A_24 = arith.constant 784 : i32
    %mul3A_25 = arith.muli %arg1, %mul3A_24 : i32
    "tpu.region"() ({
      %run_scoped3A = tpu.sem_alloc : memref<!tpu.dma_semaphore, #tpu.memory_space<semaphore_mem>>
      %dma_start3A = arith.constant 0 : i32
      %dma_start3A_40 = tpu.memref_slice %arg7[%mul3A_25, %dma_start3A] : memref<12544x128xf32, #tpu.memory_space<vmem_shared>> -> memref<784x128xf32, #tpu.memory_space<vmem_shared>>
      tpu.enqueue_dma source(%arg5 : memref<784x128xf32, #tpu.memory_space<hbm>>) target(%dma_start3A_40 : memref<784x128xf32, #tpu.memory_space<vmem_shared>>) target_semaphore(%run_scoped3A : memref<!tpu.dma_semaphore, #tpu.memory_space<semaphore_mem>>)
      %dma_wait3A = arith.constant 0 : i32
      %dma_wait3A_41 = tpu.memref_slice %arg7[%mul3A_25, %dma_wait3A] : memref<12544x128xf32, #tpu.memory_space<vmem_shared>> -> memref<784x128xf32, #tpu.memory_space<vmem_shared>>
      tpu.wait_dma2 semaphore(%run_scoped3A : memref<!tpu.dma_semaphore, #tpu.memory_space<semaphore_mem>>) src(%arg5 : memref<784x128xf32, #tpu.memory_space<hbm>>) dst(%dma_wait3A_41 : memref<784x128xf32, #tpu.memory_space<vmem_shared>>)
      tpu.yield
    }) : () -> ()
    %barrier3A_26 = arith.constant 0 : index
    tpu.barrier barrier_id(%barrier3A_26)
    %scan3A_27 = arith.constant 0 : i32
    %scan3A_28 = arith.constant 0 : i32
    %scan3A_29 = arith.constant 392 : i32
    %scan3A_30 = arith.addi %scan3A_28, %scan3A_29 : i32
    %scan3A_31 = arith.constant 1 : i32
    %scan3A_32 = scf.for %scan3A_40 = %scan3A_28 to %scan3A_30 step %scan3A_31 iter_args(%scan3A_41 = %scan3A_27) -> (i32)  : i32 {
      %mul3A_42 = arith.constant 392 : i32
      %mul3A_43 = arith.muli %arg1, %mul3A_42 : i32
      %add3A_44 = arith.addi %mul3A_43, %scan3A_40 : i32
      "tpu.region"() ({
        %run_scoped3A_92 = tpu.sem_alloc : memref<!tpu.dma_semaphore, #tpu.memory_space<semaphore_mem>>
        %dma_start3A_93 = arith.constant 0 : i32
        %dma_start3A_94 = tpu.memref_slice %arg3[%add3A_44, %dma_start3A_93] : memref<6272x128xi32, #tpu.memory_space<hbm>> -> memref<1x128xi32, #tpu.memory_space<hbm>>
        %dma_start3A_95 = arith.constant 0 : i32
        %dma_start3A_96 = tpu.memref_slice %arg3[%add3A_44, %dma_start3A_95] : memref<6272x128xi32, #tpu.memory_space<hbm>> -> memref<1x128xi32, #tpu.memory_space<hbm>>
        tpu.enqueue_dma source(%dma_start3A_96 : memref<1x128xi32, #tpu.memory_space<hbm>>) target(%arg8 : memref<1x128xi32, #tpu.memory_space<vmem>>) target_semaphore(%run_scoped3A_92 : memref<!tpu.dma_semaphore, #tpu.memory_space<semaphore_mem>>)
        %dma_wait3A_97 = arith.constant 0 : i32
        %dma_wait3A_98 = tpu.memref_slice %arg3[%add3A_44, %dma_wait3A_97] : memref<6272x128xi32, #tpu.memory_space<hbm>> -> memref<1x128xi32, #tpu.memory_space<hbm>>
        %dma_wait3A_99 = arith.constant 0 : i32
        %dma_wait3A_100 = tpu.memref_slice %arg3[%add3A_44, %dma_wait3A_99] : memref<6272x128xi32, #tpu.memory_space<hbm>> -> memref<1x128xi32, #tpu.memory_space<hbm>>
        tpu.wait_dma2 semaphore(%run_scoped3A_92 : memref<!tpu.dma_semaphore, #tpu.memory_space<semaphore_mem>>) src(%dma_wait3A_100 : memref<1x128xi32, #tpu.memory_space<hbm>>) dst(%arg8 : memref<1x128xi32, #tpu.memory_space<vmem>>)
        tpu.yield
      }) : () -> ()
      "tpu.region"() ({
        %run_scoped3A_92 = tpu.sem_alloc : memref<!tpu.dma_semaphore, #tpu.memory_space<semaphore_mem>>
        %dma_start3A_93 = arith.constant 0 : i32
        %dma_start3A_94 = tpu.memref_slice %arg4[%add3A_44, %dma_start3A_93] : memref<6272x128xi32, #tpu.memory_space<hbm>> -> memref<1x128xi32, #tpu.memory_space<hbm>>
        %dma_start3A_95 = arith.constant 0 : i32
        %dma_start3A_96 = tpu.memref_slice %arg4[%add3A_44, %dma_start3A_95] : memref<6272x128xi32, #tpu.memory_space<hbm>> -> memref<1x128xi32, #tpu.memory_space<hbm>>
        tpu.enqueue_dma source(%dma_start3A_96 : memref<1x128xi32, #tpu.memory_space<hbm>>) target(%arg9 : memref<1x128xi32, #tpu.memory_space<vmem>>) target_semaphore(%run_scoped3A_92 : memref<!tpu.dma_semaphore, #tpu.memory_space<semaphore_mem>>)
        %dma_wait3A_97 = arith.constant 0 : i32
        %dma_wait3A_98 = tpu.memref_slice %arg4[%add3A_44, %dma_wait3A_97] : memref<6272x128xi32, #tpu.memory_space<hbm>> -> memref<1x128xi32, #tpu.memory_space<hbm>>
        %dma_wait3A_99 = arith.constant 0 : i32
        %dma_wait3A_100 = tpu.memref_slice %arg4[%add3A_44, %dma_wait3A_99] : memref<6272x128xi32, #tpu.memory_space<hbm>> -> memref<1x128xi32, #tpu.memory_space<hbm>>
        tpu.wait_dma2 semaphore(%run_scoped3A_92 : memref<!tpu.dma_semaphore, #tpu.memory_space<semaphore_mem>>) src(%dma_wait3A_100 : memref<1x128xi32, #tpu.memory_space<hbm>>) dst(%arg9 : memref<1x128xi32, #tpu.memory_space<vmem>>)
        tpu.yield
      }) : () -> ()
      %scan3A_45 = arith.constant 0 : i32
      %scan3A_46 = arith.constant 0 : i32
      %scan3A_47 = arith.constant 8 : i32
      %scan3A_48 = arith.addi %scan3A_46, %scan3A_47 : i32
      %scan3A_49 = arith.constant 1 : i32
      %scan3A_50 = scf.for %scan3A_92 = %scan3A_46 to %scan3A_48 step %scan3A_49 iter_args(%scan3A_93 = %scan3A_45) -> (i32)  : i32 {
        %mul3A_94 = arith.constant 16 : i32
        %mul3A_95 = arith.muli %scan3A_92, %mul3A_94 : i32
        %multiple_of3A = tpu.assume_multiple %mul3A_95, 16 : i32
        %get3A = arith.constant 0 : i32
        %get3A_96 = arith.index_cast %get3A : i32 to index
        %get3A_97 = arith.index_cast %multiple_of3A : i32 to index
        %get3A_98 = tpu.vector_load %arg9[%get3A_96, %get3A_97] {strides = array<i32>} : memref<1x128xi32, #tpu.memory_space<vmem>>, vector<1x16xi32>,
        %get3A_99 = vector.shape_cast %get3A_98 : vector<1x16xi32> to vector<16xi32>
        %ge3A = vector.broadcast %mul3A_23 : i32 to vector<16xi32>
        %ge3A_100 = arith.cmpi sge, %get3A_99, %ge3A : vector<16xi32>
        %add3A_101 = arith.constant 12512 : i32
        %add3A_102 = arith.addi %mul3A_23, %add3A_101 : i32
        %lt3A = vector.broadcast %add3A_102 : i32 to vector<16xi32>
        %lt3A_103 = arith.cmpi slt, %get3A_99, %lt3A : vector<16xi32>
        %and3A = arith.andi %ge3A_100, %lt3A_103 : vector<16xi1>
        %sub3A = vector.broadcast %mul3A_23 : i32 to vector<16xi32>
        %sub3A_104 = arith.subi %get3A_99, %sub3A : vector<16xi32>
        %and3A_105 = arith.constant 31 : i32
        %and3A_106 = vector.broadcast %and3A_105 : i32 to vector<16xi32>
        %and3A_107 = arith.andi %get3A_99, %and3A_106 : vector<16xi32>
        %add3A_108 = arith.constant 12512 : i32
        %add3A_109 = vector.broadcast %add3A_108 : i32 to vector<16xi32>
        %add3A_110 = arith.addi %add3A_109, %and3A_107 : vector<16xi32>
        %select_n3A = arith.select %and3A, %sub3A_104, %add3A_110 : vector<16xi1>, vector<16xi32>
        %swap3A = arith.constant 0 : i32
        %swap3A_111 = arith.index_cast %swap3A : i32 to index
        %swap3A_112 = arith.index_cast %multiple_of3A : i32 to index
        %swap3A_113 = tpu.vector_load %arg9[%swap3A_111, %swap3A_112] {strides = array<i32>} : memref<1x128xi32, #tpu.memory_space<vmem>>, vector<1x16xi32>,
        %swap3A_114 = vector.shape_cast %swap3A_113 : vector<1x16xi32> to vector<16xi32>
        %swap3A_115 = vector.shape_cast %select_n3A : vector<16xi32> to vector<1x16xi32>
        tpu.vector_store %arg9[%swap3A_111, %swap3A_112], %swap3A_115 {strides = array<i32>} : memref<1x128xi32, #tpu.memory_space<vmem>>, vector<1x16xi32>,
        %scan3A_116 = arith.constant 0 : i32
        scf.yield %scan3A_116 : i32
      }
      %scan3A_51 = arith.constant 8 : i32
      %dma_start3A = arith.constant 0 : i32
      %dma_start3A_52 = arith.constant 0 : i32
      %dma_start3A_53 = arith.constant 0 : i32
      %dma_start3A_54 = tpu.memref_slice %arg10[%dma_start3A_52, %dma_start3A_53] : memref<128x128xf32, #tpu.memory_space<vmem>> -> memref<64x128xf32, #tpu.memory_space<vmem>>
      %dma_start3A_55 = arith.constant 0 : i32
      %dma_start3A_56 = tpu.memref_slice %arg8[%dma_start3A, %dma_start3A_55] : memref<1x128xi32, #tpu.memory_space<vmem>> -> memref<1x64xi32, #tpu.memory_space<vmem>>
      %dma_start3A_57 = tpu.memref_squeeze %dma_start3A_56 : memref<1x64xi32, #tpu.memory_space<vmem>> -> memref<64xi32, #tpu.memory_space<vmem>>
      %dma_start3A_58 = arith.constant 0 : i32
      %dma_start3A_59 = arith.constant 0 : i32
      %dma_start3A_60 = tpu.memref_slice %arg2[%dma_start3A_58, %dma_start3A_59] : memref<50000x128xf32, #tpu.memory_space<hbm>> -> memref<50000x128xf32, #tpu.memory_space<hbm>>
      tpu.enqueue_indirect_dma source(%dma_start3A_60 : memref<50000x128xf32, #tpu.memory_space<hbm>>) target(%dma_start3A_54 : memref<64x128xf32, #tpu.memory_space<vmem>>) offsets(%dma_start3A_57 : memref<64xi32, #tpu.memory_space<vmem>>) semaphore(%arg11 : memref<!tpu.dma_semaphore, #tpu.memory_space<semaphore_mem>>)
      %dma_start3A_61 = arith.constant 0 : i32
      %dma_start3A_62 = arith.constant 64 : i32
      %dma_start3A_63 = arith.constant 0 : i32
      %dma_start3A_64 = tpu.memref_slice %arg10[%dma_start3A_62, %dma_start3A_63] : memref<128x128xf32, #tpu.memory_space<vmem>> -> memref<64x128xf32, #tpu.memory_space<vmem>>
      %dma_start3A_65 = arith.constant 64 : i32
      %dma_start3A_66 = tpu.memref_slice %arg8[%dma_start3A_61, %dma_start3A_65] : memref<1x128xi32, #tpu.memory_space<vmem>> -> memref<1x64xi32, #tpu.memory_space<vmem>>
      %dma_start3A_67 = tpu.memref_squeeze %dma_start3A_66 : memref<1x64xi32, #tpu.memory_space<vmem>> -> memref<64xi32, #tpu.memory_space<vmem>>
      %dma_start3A_68 = arith.constant 0 : i32
      %dma_start3A_69 = arith.constant 0 : i32
      %dma_start3A_70 = tpu.memref_slice %arg2[%dma_start3A_68, %dma_start3A_69] : memref<50000x128xf32, #tpu.memory_space<hbm>> -> memref<50000x128xf32, #tpu.memory_space<hbm>>
      tpu.enqueue_indirect_dma source(%dma_start3A_70 : memref<50000x128xf32, #tpu.memory_space<hbm>>) target(%dma_start3A_64 : memref<64x128xf32, #tpu.memory_space<vmem>>) offsets(%dma_start3A_67 : memref<64xi32, #tpu.memory_space<vmem>>) semaphore(%arg12 : memref<!tpu.dma_semaphore, #tpu.memory_space<semaphore_mem>>)
      %dma_wait3A = arith.constant 0 : i32
      %dma_wait3A_71 = arith.constant 0 : i32
      %dma_wait3A_72 = arith.constant 0 : i32
      %dma_wait3A_73 = tpu.memref_slice %arg10[%dma_wait3A_71, %dma_wait3A_72] : memref<128x128xf32, #tpu.memory_space<vmem>> -> memref<64x128xf32, #tpu.memory_space<vmem>>
      %dma_wait3A_74 = arith.constant 0 : i32
      %dma_wait3A_75 = tpu.memref_slice %arg8[%dma_wait3A, %dma_wait3A_74] : memref<1x128xi32, #tpu.memory_space<vmem>> -> memref<1x64xi32, #tpu.memory_space<vmem>>
      %dma_wait3A_76 = tpu.memref_squeeze %dma_wait3A_75 : memref<1x64xi32, #tpu.memory_space<vmem>> -> memref<64xi32, #tpu.memory_space<vmem>>
      %dma_wait3A_77 = arith.constant 0 : i32
      %dma_wait3A_78 = arith.constant 0 : i32
      %dma_wait3A_79 = tpu.memref_slice %arg2[%dma_wait3A_77, %dma_wait3A_78] : memref<50000x128xf32, #tpu.memory_space<hbm>> -> memref<50000x128xf32, #tpu.memory_space<hbm>>
      tpu.wait_indirect_dma semaphore(%arg11 : memref<!tpu.dma_semaphore, #tpu.memory_space<semaphore_mem>>) src(%dma_wait3A_79 : memref<50000x128xf32, #tpu.memory_space<hbm>>) dst(%dma_wait3A_73 : memref<64x128xf32, #tpu.memory_space<vmem>>)
      %run_scoped3A = arith.constant 0 : i32
      "tpu.region"() ({
        %run_scoped3A_92 = tpu.sem_alloc : memref<!tpu.dma_semaphore, #tpu.memory_space<semaphore_mem>>
        %dma_start3A_93 = arith.constant 0 : i32
        %dma_start3A_94 = arith.constant 0 : i32
        %dma_start3A_95 = tpu.memref_slice %arg10[%dma_start3A_93, %dma_start3A_94] : memref<128x128xf32, #tpu.memory_space<vmem>> -> memref<64x128xf32, #tpu.memory_space<vmem>>
        %dma_start3A_96 = arith.constant 0 : i32
        %dma_start3A_97 = tpu.memref_slice %arg9[%run_scoped3A, %dma_start3A_96] : memref<1x128xi32, #tpu.memory_space<vmem>> -> memref<1x64xi32, #tpu.memory_space<vmem>>
        %dma_start3A_98 = tpu.memref_squeeze %dma_start3A_97 : memref<1x64xi32, #tpu.memory_space<vmem>> -> memref<64xi32, #tpu.memory_space<vmem>>
        %dma_start3A_99 = arith.constant 0 : i32
        %dma_start3A_100 = arith.constant 0 : i32
        %dma_start3A_101 = tpu.memref_slice %arg7[%dma_start3A_99, %dma_start3A_100] : memref<12544x128xf32, #tpu.memory_space<vmem_shared>> -> memref<12544x128xf32, #tpu.memory_space<vmem_shared>>
        tpu.enqueue_indirect_dma source(%dma_start3A_95 : memref<64x128xf32, #tpu.memory_space<vmem>>) target(%dma_start3A_101 : memref<12544x128xf32, #tpu.memory_space<vmem_shared>>) offsets(%dma_start3A_98 : memref<64xi32, #tpu.memory_space<vmem>>) semaphore(%run_scoped3A_92 : memref<!tpu.dma_semaphore, #tpu.memory_space<semaphore_mem>>) {add = true}
        %dma_wait3A_102 = arith.constant 0 : i32
        %dma_wait3A_103 = arith.constant 0 : i32
        %dma_wait3A_104 = tpu.memref_slice %arg10[%dma_wait3A_102, %dma_wait3A_103] : memref<128x128xf32, #tpu.memory_space<vmem>> -> memref<64x128xf32, #tpu.memory_space<vmem>>
        %dma_wait3A_105 = arith.constant 0 : i32
        %dma_wait3A_106 = tpu.memref_slice %arg9[%run_scoped3A, %dma_wait3A_105] : memref<1x128xi32, #tpu.memory_space<vmem>> -> memref<1x64xi32, #tpu.memory_space<vmem>>
        %dma_wait3A_107 = tpu.memref_squeeze %dma_wait3A_106 : memref<1x64xi32, #tpu.memory_space<vmem>> -> memref<64xi32, #tpu.memory_space<vmem>>
        %dma_wait3A_108 = arith.constant 0 : i32
        %dma_wait3A_109 = arith.constant 0 : i32
        %dma_wait3A_110 = tpu.memref_slice %arg7[%dma_wait3A_108, %dma_wait3A_109] : memref<12544x128xf32, #tpu.memory_space<vmem_shared>> -> memref<12544x128xf32, #tpu.memory_space<vmem_shared>>
        tpu.wait_indirect_dma semaphore(%run_scoped3A_92 : memref<!tpu.dma_semaphore, #tpu.memory_space<semaphore_mem>>) src(%dma_wait3A_104 : memref<64x128xf32, #tpu.memory_space<vmem>>) dst(%dma_wait3A_110 : memref<12544x128xf32, #tpu.memory_space<vmem_shared>>)
        tpu.yield
      }) : () -> ()
      %dma_wait3A_80 = arith.constant 0 : i32
      %dma_wait3A_81 = arith.constant 64 : i32
      %dma_wait3A_82 = arith.constant 0 : i32
      %dma_wait3A_83 = tpu.memref_slice %arg10[%dma_wait3A_81, %dma_wait3A_82] : memref<128x128xf32, #tpu.memory_space<vmem>> -> memref<64x128xf32, #tpu.memory_space<vmem>>
      %dma_wait3A_84 = arith.constant 64 : i32
      %dma_wait3A_85 = tpu.memref_slice %arg8[%dma_wait3A_80, %dma_wait3A_84] : memref<1x128xi32, #tpu.memory_space<vmem>> -> memref<1x64xi32, #tpu.memory_space<vmem>>
      %dma_wait3A_86 = tpu.memref_squeeze %dma_wait3A_85 : memref<1x64xi32, #tpu.memory_space<vmem>> -> memref<64xi32, #tpu.memory_space<vmem>>
      %dma_wait3A_87 = arith.constant 0 : i32
      %dma_wait3A_88 = arith.constant 0 : i32
      %dma_wait3A_89 = tpu.memref_slice %arg2[%dma_wait3A_87, %dma_wait3A_88] : memref<50000x128xf32, #tpu.memory_space<hbm>> -> memref<50000x128xf32, #tpu.memory_space<hbm>>
      tpu.wait_indirect_dma semaphore(%arg12 : memref<!tpu.dma_semaphore, #tpu.memory_space<semaphore_mem>>) src(%dma_wait3A_89 : memref<50000x128xf32, #tpu.memory_space<hbm>>) dst(%dma_wait3A_83 : memref<64x128xf32, #tpu.memory_space<vmem>>)
      %run_scoped3A_90 = arith.constant 0 : i32
      "tpu.region"() ({
        %run_scoped3A_92 = tpu.sem_alloc : memref<!tpu.dma_semaphore, #tpu.memory_space<semaphore_mem>>
        %dma_start3A_93 = arith.constant 64 : i32
        %dma_start3A_94 = arith.constant 0 : i32
        %dma_start3A_95 = tpu.memref_slice %arg10[%dma_start3A_93, %dma_start3A_94] : memref<128x128xf32, #tpu.memory_space<vmem>> -> memref<64x128xf32, #tpu.memory_space<vmem>>
        %dma_start3A_96 = arith.constant 64 : i32
        %dma_start3A_97 = tpu.memref_slice %arg9[%run_scoped3A_90, %dma_start3A_96] : memref<1x128xi32, #tpu.memory_space<vmem>> -> memref<1x64xi32, #tpu.memory_space<vmem>>
        %dma_start3A_98 = tpu.memref_squeeze %dma_start3A_97 : memref<1x64xi32, #tpu.memory_space<vmem>> -> memref<64xi32, #tpu.memory_space<vmem>>
        %dma_start3A_99 = arith.constant 0 : i32
        %dma_start3A_100 = arith.constant 0 : i32
        %dma_start3A_101 = tpu.memref_slice %arg7[%dma_start3A_99, %dma_start3A_100] : memref<12544x128xf32, #tpu.memory_space<vmem_shared>> -> memref<12544x128xf32, #tpu.memory_space<vmem_shared>>
        tpu.enqueue_indirect_dma source(%dma_start3A_95 : memref<64x128xf32, #tpu.memory_space<vmem>>) target(%dma_start3A_101 : memref<12544x128xf32, #tpu.memory_space<vmem_shared>>) offsets(%dma_start3A_98 : memref<64xi32, #tpu.memory_space<vmem>>) semaphore(%run_scoped3A_92 : memref<!tpu.dma_semaphore, #tpu.memory_space<semaphore_mem>>) {add = true}
        %dma_wait3A_102 = arith.constant 64 : i32
        %dma_wait3A_103 = arith.constant 0 : i32
        %dma_wait3A_104 = tpu.memref_slice %arg10[%dma_wait3A_102, %dma_wait3A_103] : memref<128x128xf32, #tpu.memory_space<vmem>> -> memref<64x128xf32, #tpu.memory_space<vmem>>
        %dma_wait3A_105 = arith.constant 64 : i32
        %dma_wait3A_106 = tpu.memref_slice %arg9[%run_scoped3A_90, %dma_wait3A_105] : memref<1x128xi32, #tpu.memory_space<vmem>> -> memref<1x64xi32, #tpu.memory_space<vmem>>
        %dma_wait3A_107 = tpu.memref_squeeze %dma_wait3A_106 : memref<1x64xi32, #tpu.memory_space<vmem>> -> memref<64xi32, #tpu.memory_space<vmem>>
        %dma_wait3A_108 = arith.constant 0 : i32
        %dma_wait3A_109 = arith.constant 0 : i32
        %dma_wait3A_110 = tpu.memref_slice %arg7[%dma_wait3A_108, %dma_wait3A_109] : memref<12544x128xf32, #tpu.memory_space<vmem_shared>> -> memref<12544x128xf32, #tpu.memory_space<vmem_shared>>
        tpu.wait_indirect_dma semaphore(%run_scoped3A_92 : memref<!tpu.dma_semaphore, #tpu.memory_space<semaphore_mem>>) src(%dma_wait3A_104 : memref<64x128xf32, #tpu.memory_space<vmem>>) dst(%dma_wait3A_110 : memref<12544x128xf32, #tpu.memory_space<vmem_shared>>)
        tpu.yield
      }) : () -> ()
      %scan3A_91 = arith.constant 0 : i32
      scf.yield %scan3A_91 : i32
    }
    %scan3A_33 = arith.constant 392 : i32
    %barrier3A_34 = arith.constant 0 : index
    tpu.barrier barrier_id(%barrier3A_34)
    %mul3A_35 = arith.constant 784 : i32
    %mul3A_36 = arith.muli %arg1, %mul3A_35 : i32
    %mul3A_37 = arith.constant 784 : i32
    %mul3A_38 = arith.muli %arg1, %mul3A_37 : i32
    "tpu.region"() ({
      %run_scoped3A = tpu.sem_alloc : memref<!tpu.dma_semaphore, #tpu.memory_space<semaphore_mem>>
      %dma_start3A = arith.constant 0 : i32
      %dma_start3A_40 = tpu.memref_slice %arg6[%add3A_21, %mul3A_38, %dma_start3A] : memref<4x12544x128xf32, #tpu.memory_space<hbm>> -> memref<1x784x128xf32, #tpu.memory_space<hbm>>
      %dma_start3A_41 = tpu.memref_squeeze %dma_start3A_40 : memref<1x784x128xf32, #tpu.memory_space<hbm>> -> memref<784x128xf32, #tpu.memory_space<hbm>>
      %dma_start3A_42 = arith.constant 0 : i32
      %dma_start3A_43 = tpu.memref_slice %arg7[%mul3A_36, %dma_start3A_42] : memref<12544x128xf32, #tpu.memory_space<vmem_shared>> -> memref<784x128xf32, #tpu.memory_space<vmem_shared>>
      tpu.enqueue_dma source(%dma_start3A_43 : memref<784x128xf32, #tpu.memory_space<vmem_shared>>) target(%dma_start3A_41 : memref<784x128xf32, #tpu.memory_space<hbm>>) target_semaphore(%run_scoped3A : memref<!tpu.dma_semaphore, #tpu.memory_space<semaphore_mem>>)
      %dma_wait3A = arith.constant 0 : i32
      %dma_wait3A_44 = tpu.memref_slice %arg6[%add3A_21, %mul3A_38, %dma_wait3A] : memref<4x12544x128xf32, #tpu.memory_space<hbm>> -> memref<1x784x128xf32, #tpu.memory_space<hbm>>
      %dma_wait3A_45 = tpu.memref_squeeze %dma_wait3A_44 : memref<1x784x128xf32, #tpu.memory_space<hbm>> -> memref<784x128xf32, #tpu.memory_space<hbm>>
      %dma_wait3A_46 = arith.constant 0 : i32
      %dma_wait3A_47 = tpu.memref_slice %arg7[%mul3A_36, %dma_wait3A_46] : memref<12544x128xf32, #tpu.memory_space<vmem_shared>> -> memref<784x128xf32, #tpu.memory_space<vmem_shared>>
      tpu.wait_dma2 semaphore(%run_scoped3A : memref<!tpu.dma_semaphore, #tpu.memory_space<semaphore_mem>>) src(%dma_wait3A_47 : memref<784x128xf32, #tpu.memory_space<vmem_shared>>) dst(%dma_wait3A_45 : memref<784x128xf32, #tpu.memory_space<hbm>>)
      tpu.yield
    }) : () -> ()
    %barrier3A_39 = arith.constant 0 : index
    tpu.barrier barrier_id(%barrier3A_39)
    return
  }
}

#map = affine_map<(d0, d1) -> (0, 0)>
#map1 = affine_map<(d0, d1) -> (0, 0, 0)>
module attributes {stable_mosaic.version = 14 : i64} {
  func.func @_sc_body(%arg0: i32, %arg1: i32, %arg2: memref<50000x128xf32, #tpu.memory_space<hbm>>, %arg3: memref<6272x128xi32, #tpu.memory_space<hbm>>, %arg4: memref<6272x128xi32, #tpu.memory_space<hbm>>, %arg5: memref<784x128xf32, #tpu.memory_space<hbm>>, %arg6: memref<4x12544x128xf32, #tpu.memory_space<hbm>>, %arg7: memref<12544x128xf32, #tpu.memory_space<vmem_shared>>, %arg8: memref<1x128xi32, #tpu.memory_space<vmem>>, %arg9: memref<1x128xi32, #tpu.memory_space<vmem>>, %arg10: memref<128x128xf32, #tpu.memory_space<vmem>>, %arg11: memref<!tpu.dma_semaphore, #tpu.memory_space<semaphore_mem>>, %arg12: memref<!tpu.dma_semaphore, #tpu.memory_space<semaphore_mem>>) attributes {dimension_semantics = [#tpu.dimension_semantics<core_parallel>, #tpu.dimension_semantics<subcore_parallel>], iteration_bounds = array<i64: 2, 16>, scalar_prefetch = 0 : i64, scratch_operands = 6 : i64, tpu.core_type = #tpu.core_type<sc_vector_subcore>, window_params = [{transform_indices = #map}, {transform_indices = #map}, {transform_indices = #map}, {transform_indices = #map}, {transform_indices = #map1}]} {
    %mul3A = arith.constant 2 : i32
    %mul3A_0 = arith.muli %arg0, %mul3A : i32
    %add3A = arith.constant 0 : i32
    %add3A_1 = arith.addi %mul3A_0, %add3A : i32
    %mul3A_2 = arith.constant 12512 : i32
    %mul3A_3 = arith.muli %add3A_1, %mul3A_2 : i32
    %mul3A_4 = arith.constant 784 : i32
    %mul3A_5 = arith.muli %arg1, %mul3A_4 : i32
    "tpu.region"() ({
      %run_scoped3A = tpu.sem_alloc : memref<!tpu.dma_semaphore, #tpu.memory_space<semaphore_mem>>
      %dma_start3A = arith.constant 0 : i32
      %dma_start3A_40 = tpu.memref_slice %arg7[%mul3A_5, %dma_start3A] : memref<12544x128xf32, #tpu.memory_space<vmem_shared>> -> memref<784x128xf32, #tpu.memory_space<vmem_shared>>
      tpu.enqueue_dma source(%arg5 : memref<784x128xf32, #tpu.memory_space<hbm>>) target(%dma_start3A_40 : memref<784x128xf32, #tpu.memory_space<vmem_shared>>) target_semaphore(%run_scoped3A : memref<!tpu.dma_semaphore, #tpu.memory_space<semaphore_mem>>)
      %dma_wait3A = arith.constant 0 : i32
      %dma_wait3A_41 = tpu.memref_slice %arg7[%mul3A_5, %dma_wait3A] : memref<12544x128xf32, #tpu.memory_space<vmem_shared>> -> memref<784x128xf32, #tpu.memory_space<vmem_shared>>
      tpu.wait_dma2 semaphore(%run_scoped3A : memref<!tpu.dma_semaphore, #tpu.memory_space<semaphore_mem>>) src(%arg5 : memref<784x128xf32, #tpu.memory_space<hbm>>) dst(%dma_wait3A_41 : memref<784x128xf32, #tpu.memory_space<vmem_shared>>)
      tpu.yield
    }) : () -> ()
    %barrier3A = arith.constant 0 : index
    tpu.barrier barrier_id(%barrier3A)
    %scan3A = arith.constant 0 : i32
    %scan3A_6 = arith.constant 0 : i32
    %scan3A_7 = arith.constant 392 : i32
    %scan3A_8 = arith.addi %scan3A_6, %scan3A_7 : i32
    %scan3A_9 = arith.constant 1 : i32
    %scan3A_10 = scf.for %scan3A_40 = %scan3A_6 to %scan3A_8 step %scan3A_9 iter_args(%scan3A_41 = %scan3A) -> (i32)  : i32 {
      %mul3A_42 = arith.constant 392 : i32
      %mul3A_43 = arith.muli %arg1, %mul3A_42 : i32
      %add3A_44 = arith.addi %mul3A_43, %scan3A_40 : i32
      "tpu.region"() ({
        %run_scoped3A_92 = tpu.sem_alloc : memref<!tpu.dma_semaphore, #tpu.memory_space<semaphore_mem>>
        %dma_start3A_93 = arith.constant 0 : i32
        %dma_start3A_94 = tpu.memref_slice %arg3[%add3A_44, %dma_start3A_93] : memref<6272x128xi32, #tpu.memory_space<hbm>> -> memref<1x128xi32, #tpu.memory_space<hbm>>
        %dma_start3A_95 = arith.constant 0 : i32
        %dma_start3A_96 = tpu.memref_slice %arg3[%add3A_44, %dma_start3A_95] : memref<6272x128xi32, #tpu.memory_space<hbm>> -> memref<1x128xi32, #tpu.memory_space<hbm>>
        tpu.enqueue_dma source(%dma_start3A_96 : memref<1x128xi32, #tpu.memory_space<hbm>>) target(%arg8 : memref<1x128xi32, #tpu.memory_space<vmem>>) target_semaphore(%run_scoped3A_92 : memref<!tpu.dma_semaphore, #tpu.memory_space<semaphore_mem>>)
        %dma_wait3A_97 = arith.constant 0 : i32
        %dma_wait3A_98 = tpu.memref_slice %arg3[%add3A_44, %dma_wait3A_97] : memref<6272x128xi32, #tpu.memory_space<hbm>> -> memref<1x128xi32, #tpu.memory_space<hbm>>
        %dma_wait3A_99 = arith.constant 0 : i32
        %dma_wait3A_100 = tpu.memref_slice %arg3[%add3A_44, %dma_wait3A_99] : memref<6272x128xi32, #tpu.memory_space<hbm>> -> memref<1x128xi32, #tpu.memory_space<hbm>>
        tpu.wait_dma2 semaphore(%run_scoped3A_92 : memref<!tpu.dma_semaphore, #tpu.memory_space<semaphore_mem>>) src(%dma_wait3A_100 : memref<1x128xi32, #tpu.memory_space<hbm>>) dst(%arg8 : memref<1x128xi32, #tpu.memory_space<vmem>>)
        tpu.yield
      }) : () -> ()
      "tpu.region"() ({
        %run_scoped3A_92 = tpu.sem_alloc : memref<!tpu.dma_semaphore, #tpu.memory_space<semaphore_mem>>
        %dma_start3A_93 = arith.constant 0 : i32
        %dma_start3A_94 = tpu.memref_slice %arg4[%add3A_44, %dma_start3A_93] : memref<6272x128xi32, #tpu.memory_space<hbm>> -> memref<1x128xi32, #tpu.memory_space<hbm>>
        %dma_start3A_95 = arith.constant 0 : i32
        %dma_start3A_96 = tpu.memref_slice %arg4[%add3A_44, %dma_start3A_95] : memref<6272x128xi32, #tpu.memory_space<hbm>> -> memref<1x128xi32, #tpu.memory_space<hbm>>
        tpu.enqueue_dma source(%dma_start3A_96 : memref<1x128xi32, #tpu.memory_space<hbm>>) target(%arg9 : memref<1x128xi32, #tpu.memory_space<vmem>>) target_semaphore(%run_scoped3A_92 : memref<!tpu.dma_semaphore, #tpu.memory_space<semaphore_mem>>)
        %dma_wait3A_97 = arith.constant 0 : i32
        %dma_wait3A_98 = tpu.memref_slice %arg4[%add3A_44, %dma_wait3A_97] : memref<6272x128xi32, #tpu.memory_space<hbm>> -> memref<1x128xi32, #tpu.memory_space<hbm>>
        %dma_wait3A_99 = arith.constant 0 : i32
        %dma_wait3A_100 = tpu.memref_slice %arg4[%add3A_44, %dma_wait3A_99] : memref<6272x128xi32, #tpu.memory_space<hbm>> -> memref<1x128xi32, #tpu.memory_space<hbm>>
        tpu.wait_dma2 semaphore(%run_scoped3A_92 : memref<!tpu.dma_semaphore, #tpu.memory_space<semaphore_mem>>) src(%dma_wait3A_100 : memref<1x128xi32, #tpu.memory_space<hbm>>) dst(%arg9 : memref<1x128xi32, #tpu.memory_space<vmem>>)
        tpu.yield
      }) : () -> ()
      %scan3A_45 = arith.constant 0 : i32
      %scan3A_46 = arith.constant 0 : i32
      %scan3A_47 = arith.constant 8 : i32
      %scan3A_48 = arith.addi %scan3A_46, %scan3A_47 : i32
      %scan3A_49 = arith.constant 1 : i32
      %scan3A_50 = scf.for %scan3A_92 = %scan3A_46 to %scan3A_48 step %scan3A_49 iter_args(%scan3A_93 = %scan3A_45) -> (i32)  : i32 {
        %mul3A_94 = arith.constant 16 : i32
        %mul3A_95 = arith.muli %scan3A_92, %mul3A_94 : i32
        %multiple_of3A = tpu.assume_multiple %mul3A_95, 16 : i32
        %get3A = arith.constant 0 : i32
        %get3A_96 = arith.index_cast %get3A : i32 to index
        %get3A_97 = arith.index_cast %multiple_of3A : i32 to index
        %get3A_98 = tpu.vector_load %arg9[%get3A_96, %get3A_97] {strides = array<i32>} : memref<1x128xi32, #tpu.memory_space<vmem>>, vector<1x16xi32>,
        %get3A_99 = vector.shape_cast %get3A_98 : vector<1x16xi32> to vector<16xi32>
        %ge3A = vector.broadcast %mul3A_3 : i32 to vector<16xi32>
        %ge3A_100 = arith.cmpi sge, %get3A_99, %ge3A : vector<16xi32>
        %add3A_101 = arith.constant 12512 : i32
        %add3A_102 = arith.addi %mul3A_3, %add3A_101 : i32
        %lt3A = vector.broadcast %add3A_102 : i32 to vector<16xi32>
        %lt3A_103 = arith.cmpi slt, %get3A_99, %lt3A : vector<16xi32>
        %and3A = arith.andi %ge3A_100, %lt3A_103 : vector<16xi1>
        %sub3A = vector.broadcast %mul3A_3 : i32 to vector<16xi32>
        %sub3A_104 = arith.subi %get3A_99, %sub3A : vector<16xi32>
        %and3A_105 = arith.constant 31 : i32
        %and3A_106 = vector.broadcast %and3A_105 : i32 to vector<16xi32>
        %and3A_107 = arith.andi %get3A_99, %and3A_106 : vector<16xi32>
        %add3A_108 = arith.constant 12512 : i32
        %add3A_109 = vector.broadcast %add3A_108 : i32 to vector<16xi32>
        %add3A_110 = arith.addi %add3A_109, %and3A_107 : vector<16xi32>
        %select_n3A = arith.select %and3A, %sub3A_104, %add3A_110 : vector<16xi1>, vector<16xi32>
        %swap3A = arith.constant 0 : i32
        %swap3A_111 = arith.index_cast %swap3A : i32 to index
        %swap3A_112 = arith.index_cast %multiple_of3A : i32 to index
        %swap3A_113 = tpu.vector_load %arg9[%swap3A_111, %swap3A_112] {strides = array<i32>} : memref<1x128xi32, #tpu.memory_space<vmem>>, vector<1x16xi32>,
        %swap3A_114 = vector.shape_cast %swap3A_113 : vector<1x16xi32> to vector<16xi32>
        %swap3A_115 = vector.shape_cast %select_n3A : vector<16xi32> to vector<1x16xi32>
        tpu.vector_store %arg9[%swap3A_111, %swap3A_112], %swap3A_115 {strides = array<i32>} : memref<1x128xi32, #tpu.memory_space<vmem>>, vector<1x16xi32>,
        %scan3A_116 = arith.constant 0 : i32
        scf.yield %scan3A_116 : i32
      }
      %scan3A_51 = arith.constant 8 : i32
      %dma_start3A = arith.constant 0 : i32
      %dma_start3A_52 = arith.constant 0 : i32
      %dma_start3A_53 = arith.constant 0 : i32
      %dma_start3A_54 = tpu.memref_slice %arg10[%dma_start3A_52, %dma_start3A_53] : memref<128x128xf32, #tpu.memory_space<vmem>> -> memref<64x128xf32, #tpu.memory_space<vmem>>
      %dma_start3A_55 = arith.constant 0 : i32
      %dma_start3A_56 = tpu.memref_slice %arg8[%dma_start3A, %dma_start3A_55] : memref<1x128xi32, #tpu.memory_space<vmem>> -> memref<1x64xi32, #tpu.memory_space<vmem>>
      %dma_start3A_57 = tpu.memref_squeeze %dma_start3A_56 : memref<1x64xi32, #tpu.memory_space<vmem>> -> memref<64xi32, #tpu.memory_space<vmem>>
      %dma_start3A_58 = arith.constant 0 : i32
      %dma_start3A_59 = arith.constant 0 : i32
      %dma_start3A_60 = tpu.memref_slice %arg2[%dma_start3A_58, %dma_start3A_59] : memref<50000x128xf32, #tpu.memory_space<hbm>> -> memref<50000x128xf32, #tpu.memory_space<hbm>>
      tpu.enqueue_indirect_dma source(%dma_start3A_60 : memref<50000x128xf32, #tpu.memory_space<hbm>>) target(%dma_start3A_54 : memref<64x128xf32, #tpu.memory_space<vmem>>) offsets(%dma_start3A_57 : memref<64xi32, #tpu.memory_space<vmem>>) semaphore(%arg11 : memref<!tpu.dma_semaphore, #tpu.memory_space<semaphore_mem>>)
      %dma_start3A_61 = arith.constant 0 : i32
      %dma_start3A_62 = arith.constant 64 : i32
      %dma_start3A_63 = arith.constant 0 : i32
      %dma_start3A_64 = tpu.memref_slice %arg10[%dma_start3A_62, %dma_start3A_63] : memref<128x128xf32, #tpu.memory_space<vmem>> -> memref<64x128xf32, #tpu.memory_space<vmem>>
      %dma_start3A_65 = arith.constant 64 : i32
      %dma_start3A_66 = tpu.memref_slice %arg8[%dma_start3A_61, %dma_start3A_65] : memref<1x128xi32, #tpu.memory_space<vmem>> -> memref<1x64xi32, #tpu.memory_space<vmem>>
      %dma_start3A_67 = tpu.memref_squeeze %dma_start3A_66 : memref<1x64xi32, #tpu.memory_space<vmem>> -> memref<64xi32, #tpu.memory_space<vmem>>
      %dma_start3A_68 = arith.constant 0 : i32
      %dma_start3A_69 = arith.constant 0 : i32
      %dma_start3A_70 = tpu.memref_slice %arg2[%dma_start3A_68, %dma_start3A_69] : memref<50000x128xf32, #tpu.memory_space<hbm>> -> memref<50000x128xf32, #tpu.memory_space<hbm>>
      tpu.enqueue_indirect_dma source(%dma_start3A_70 : memref<50000x128xf32, #tpu.memory_space<hbm>>) target(%dma_start3A_64 : memref<64x128xf32, #tpu.memory_space<vmem>>) offsets(%dma_start3A_67 : memref<64xi32, #tpu.memory_space<vmem>>) semaphore(%arg12 : memref<!tpu.dma_semaphore, #tpu.memory_space<semaphore_mem>>)
      %dma_wait3A = arith.constant 0 : i32
      %dma_wait3A_71 = arith.constant 0 : i32
      %dma_wait3A_72 = arith.constant 0 : i32
      %dma_wait3A_73 = tpu.memref_slice %arg10[%dma_wait3A_71, %dma_wait3A_72] : memref<128x128xf32, #tpu.memory_space<vmem>> -> memref<64x128xf32, #tpu.memory_space<vmem>>
      %dma_wait3A_74 = arith.constant 0 : i32
      %dma_wait3A_75 = tpu.memref_slice %arg8[%dma_wait3A, %dma_wait3A_74] : memref<1x128xi32, #tpu.memory_space<vmem>> -> memref<1x64xi32, #tpu.memory_space<vmem>>
      %dma_wait3A_76 = tpu.memref_squeeze %dma_wait3A_75 : memref<1x64xi32, #tpu.memory_space<vmem>> -> memref<64xi32, #tpu.memory_space<vmem>>
      %dma_wait3A_77 = arith.constant 0 : i32
      %dma_wait3A_78 = arith.constant 0 : i32
      %dma_wait3A_79 = tpu.memref_slice %arg2[%dma_wait3A_77, %dma_wait3A_78] : memref<50000x128xf32, #tpu.memory_space<hbm>> -> memref<50000x128xf32, #tpu.memory_space<hbm>>
      tpu.wait_indirect_dma semaphore(%arg11 : memref<!tpu.dma_semaphore, #tpu.memory_space<semaphore_mem>>) src(%dma_wait3A_79 : memref<50000x128xf32, #tpu.memory_space<hbm>>) dst(%dma_wait3A_73 : memref<64x128xf32, #tpu.memory_space<vmem>>)
      %run_scoped3A = arith.constant 0 : i32
      "tpu.region"() ({
        %run_scoped3A_92 = tpu.sem_alloc : memref<!tpu.dma_semaphore, #tpu.memory_space<semaphore_mem>>
        %dma_start3A_93 = arith.constant 0 : i32
        %dma_start3A_94 = arith.constant 0 : i32
        %dma_start3A_95 = tpu.memref_slice %arg10[%dma_start3A_93, %dma_start3A_94] : memref<128x128xf32, #tpu.memory_space<vmem>> -> memref<64x128xf32, #tpu.memory_space<vmem>>
        %dma_start3A_96 = arith.constant 0 : i32
        %dma_start3A_97 = tpu.memref_slice %arg9[%run_scoped3A, %dma_start3A_96] : memref<1x128xi32, #tpu.memory_space<vmem>> -> memref<1x64xi32, #tpu.memory_space<vmem>>
        %dma_start3A_98 = tpu.memref_squeeze %dma_start3A_97 : memref<1x64xi32, #tpu.memory_space<vmem>> -> memref<64xi32, #tpu.memory_space<vmem>>
        %dma_start3A_99 = arith.constant 0 : i32
        %dma_start3A_100 = arith.constant 0 : i32
        %dma_start3A_101 = tpu.memref_slice %arg7[%dma_start3A_99, %dma_start3A_100] : memref<12544x128xf32, #tpu.memory_space<vmem_shared>> -> memref<12544x128xf32, #tpu.memory_space<vmem_shared>>
        tpu.enqueue_indirect_dma source(%dma_start3A_95 : memref<64x128xf32, #tpu.memory_space<vmem>>) target(%dma_start3A_101 : memref<12544x128xf32, #tpu.memory_space<vmem_shared>>) offsets(%dma_start3A_98 : memref<64xi32, #tpu.memory_space<vmem>>) semaphore(%run_scoped3A_92 : memref<!tpu.dma_semaphore, #tpu.memory_space<semaphore_mem>>) {add = true}
        %dma_wait3A_102 = arith.constant 0 : i32
        %dma_wait3A_103 = arith.constant 0 : i32
        %dma_wait3A_104 = tpu.memref_slice %arg10[%dma_wait3A_102, %dma_wait3A_103] : memref<128x128xf32, #tpu.memory_space<vmem>> -> memref<64x128xf32, #tpu.memory_space<vmem>>
        %dma_wait3A_105 = arith.constant 0 : i32
        %dma_wait3A_106 = tpu.memref_slice %arg9[%run_scoped3A, %dma_wait3A_105] : memref<1x128xi32, #tpu.memory_space<vmem>> -> memref<1x64xi32, #tpu.memory_space<vmem>>
        %dma_wait3A_107 = tpu.memref_squeeze %dma_wait3A_106 : memref<1x64xi32, #tpu.memory_space<vmem>> -> memref<64xi32, #tpu.memory_space<vmem>>
        %dma_wait3A_108 = arith.constant 0 : i32
        %dma_wait3A_109 = arith.constant 0 : i32
        %dma_wait3A_110 = tpu.memref_slice %arg7[%dma_wait3A_108, %dma_wait3A_109] : memref<12544x128xf32, #tpu.memory_space<vmem_shared>> -> memref<12544x128xf32, #tpu.memory_space<vmem_shared>>
        tpu.wait_indirect_dma semaphore(%run_scoped3A_92 : memref<!tpu.dma_semaphore, #tpu.memory_space<semaphore_mem>>) src(%dma_wait3A_104 : memref<64x128xf32, #tpu.memory_space<vmem>>) dst(%dma_wait3A_110 : memref<12544x128xf32, #tpu.memory_space<vmem_shared>>)
        tpu.yield
      }) : () -> ()
      %dma_wait3A_80 = arith.constant 0 : i32
      %dma_wait3A_81 = arith.constant 64 : i32
      %dma_wait3A_82 = arith.constant 0 : i32
      %dma_wait3A_83 = tpu.memref_slice %arg10[%dma_wait3A_81, %dma_wait3A_82] : memref<128x128xf32, #tpu.memory_space<vmem>> -> memref<64x128xf32, #tpu.memory_space<vmem>>
      %dma_wait3A_84 = arith.constant 64 : i32
      %dma_wait3A_85 = tpu.memref_slice %arg8[%dma_wait3A_80, %dma_wait3A_84] : memref<1x128xi32, #tpu.memory_space<vmem>> -> memref<1x64xi32, #tpu.memory_space<vmem>>
      %dma_wait3A_86 = tpu.memref_squeeze %dma_wait3A_85 : memref<1x64xi32, #tpu.memory_space<vmem>> -> memref<64xi32, #tpu.memory_space<vmem>>
      %dma_wait3A_87 = arith.constant 0 : i32
      %dma_wait3A_88 = arith.constant 0 : i32
      %dma_wait3A_89 = tpu.memref_slice %arg2[%dma_wait3A_87, %dma_wait3A_88] : memref<50000x128xf32, #tpu.memory_space<hbm>> -> memref<50000x128xf32, #tpu.memory_space<hbm>>
      tpu.wait_indirect_dma semaphore(%arg12 : memref<!tpu.dma_semaphore, #tpu.memory_space<semaphore_mem>>) src(%dma_wait3A_89 : memref<50000x128xf32, #tpu.memory_space<hbm>>) dst(%dma_wait3A_83 : memref<64x128xf32, #tpu.memory_space<vmem>>)
      %run_scoped3A_90 = arith.constant 0 : i32
      "tpu.region"() ({
        %run_scoped3A_92 = tpu.sem_alloc : memref<!tpu.dma_semaphore, #tpu.memory_space<semaphore_mem>>
        %dma_start3A_93 = arith.constant 64 : i32
        %dma_start3A_94 = arith.constant 0 : i32
        %dma_start3A_95 = tpu.memref_slice %arg10[%dma_start3A_93, %dma_start3A_94] : memref<128x128xf32, #tpu.memory_space<vmem>> -> memref<64x128xf32, #tpu.memory_space<vmem>>
        %dma_start3A_96 = arith.constant 64 : i32
        %dma_start3A_97 = tpu.memref_slice %arg9[%run_scoped3A_90, %dma_start3A_96] : memref<1x128xi32, #tpu.memory_space<vmem>> -> memref<1x64xi32, #tpu.memory_space<vmem>>
        %dma_start3A_98 = tpu.memref_squeeze %dma_start3A_97 : memref<1x64xi32, #tpu.memory_space<vmem>> -> memref<64xi32, #tpu.memory_space<vmem>>
        %dma_start3A_99 = arith.constant 0 : i32
        %dma_start3A_100 = arith.constant 0 : i32
        %dma_start3A_101 = tpu.memref_slice %arg7[%dma_start3A_99, %dma_start3A_100] : memref<12544x128xf32, #tpu.memory_space<vmem_shared>> -> memref<12544x128xf32, #tpu.memory_space<vmem_shared>>
        tpu.enqueue_indirect_dma source(%dma_start3A_95 : memref<64x128xf32, #tpu.memory_space<vmem>>) target(%dma_start3A_101 : memref<12544x128xf32, #tpu.memory_space<vmem_shared>>) offsets(%dma_start3A_98 : memref<64xi32, #tpu.memory_space<vmem>>) semaphore(%run_scoped3A_92 : memref<!tpu.dma_semaphore, #tpu.memory_space<semaphore_mem>>) {add = true}
        %dma_wait3A_102 = arith.constant 64 : i32
        %dma_wait3A_103 = arith.constant 0 : i32
        %dma_wait3A_104 = tpu.memref_slice %arg10[%dma_wait3A_102, %dma_wait3A_103] : memref<128x128xf32, #tpu.memory_space<vmem>> -> memref<64x128xf32, #tpu.memory_space<vmem>>
        %dma_wait3A_105 = arith.constant 64 : i32
        %dma_wait3A_106 = tpu.memref_slice %arg9[%run_scoped3A_90, %dma_wait3A_105] : memref<1x128xi32, #tpu.memory_space<vmem>> -> memref<1x64xi32, #tpu.memory_space<vmem>>
        %dma_wait3A_107 = tpu.memref_squeeze %dma_wait3A_106 : memref<1x64xi32, #tpu.memory_space<vmem>> -> memref<64xi32, #tpu.memory_space<vmem>>
        %dma_wait3A_108 = arith.constant 0 : i32
        %dma_wait3A_109 = arith.constant 0 : i32
        %dma_wait3A_110 = tpu.memref_slice %arg7[%dma_wait3A_108, %dma_wait3A_109] : memref<12544x128xf32, #tpu.memory_space<vmem_shared>> -> memref<12544x128xf32, #tpu.memory_space<vmem_shared>>
        tpu.wait_indirect_dma semaphore(%run_scoped3A_92 : memref<!tpu.dma_semaphore, #tpu.memory_space<semaphore_mem>>) src(%dma_wait3A_104 : memref<64x128xf32, #tpu.memory_space<vmem>>) dst(%dma_wait3A_110 : memref<12544x128xf32, #tpu.memory_space<vmem_shared>>)
        tpu.yield
      }) : () -> ()
      %scan3A_91 = arith.constant 0 : i32
      scf.yield %scan3A_91 : i32
    }
    %scan3A_11 = arith.constant 392 : i32
    %barrier3A_12 = arith.constant 0 : index
    tpu.barrier barrier_id(%barrier3A_12)
    %mul3A_13 = arith.constant 784 : i32
    %mul3A_14 = arith.muli %arg1, %mul3A_13 : i32
    %mul3A_15 = arith.constant 784 : i32
    %mul3A_16 = arith.muli %arg1, %mul3A_15 : i32
    "tpu.region"() ({
      %run_scoped3A = tpu.sem_alloc : memref<!tpu.dma_semaphore, #tpu.memory_space<semaphore_mem>>
      %dma_start3A = arith.constant 0 : i32
      %dma_start3A_40 = tpu.memref_slice %arg6[%add3A_1, %mul3A_16, %dma_start3A] : memref<4x12544x128xf32, #tpu.memory_space<hbm>> -> memref<1x784x128xf32, #tpu.memory_space<hbm>>
      %dma_start3A_41 = tpu.memref_squeeze %dma_start3A_40 : memref<1x784x128xf32, #tpu.memory_space<hbm>> -> memref<784x128xf32, #tpu.memory_space<hbm>>
      %dma_start3A_42 = arith.constant 0 : i32
      %dma_start3A_43 = tpu.memref_slice %arg7[%mul3A_14, %dma_start3A_42] : memref<12544x128xf32, #tpu.memory_space<vmem_shared>> -> memref<784x128xf32, #tpu.memory_space<vmem_shared>>
      tpu.enqueue_dma source(%dma_start3A_43 : memref<784x128xf32, #tpu.memory_space<vmem_shared>>) target(%dma_start3A_41 : memref<784x128xf32, #tpu.memory_space<hbm>>) target_semaphore(%run_scoped3A : memref<!tpu.dma_semaphore, #tpu.memory_space<semaphore_mem>>)
      %dma_wait3A = arith.constant 0 : i32
      %dma_wait3A_44 = tpu.memref_slice %arg6[%add3A_1, %mul3A_16, %dma_wait3A] : memref<4x12544x128xf32, #tpu.memory_space<hbm>> -> memref<1x784x128xf32, #tpu.memory_space<hbm>>
      %dma_wait3A_45 = tpu.memref_squeeze %dma_wait3A_44 : memref<1x784x128xf32, #tpu.memory_space<hbm>> -> memref<784x128xf32, #tpu.memory_space<hbm>>
      %dma_wait3A_46 = arith.constant 0 : i32
      %dma_wait3A_47 = tpu.memref_slice %arg7[%mul3A_14, %dma_wait3A_46] : memref<12544x128xf32, #tpu.memory_space<vmem_shared>> -> memref<784x128xf32, #tpu.memory_space<vmem_shared>>
      tpu.wait_dma2 semaphore(%run_scoped3A : memref<!tpu.dma_semaphore, #tpu.memory_space<semaphore_mem>>) src(%dma_wait3A_47 : memref<784x128xf32, #tpu.memory_space<vmem_shared>>) dst(%dma_wait3A_45 : memref<784x128xf32, #tpu.memory_space<hbm>>)
      tpu.yield
    }) : () -> ()
    %barrier3A_17 = arith.constant 0 : index
    tpu.barrier barrier_id(%barrier3A_17)
    %mul3A_18 = arith.constant 2 : i32
    %mul3A_19 = arith.muli %arg0, %mul3A_18 : i32
    %add3A_20 = arith.constant 1 : i32
    %add3A_21 = arith.addi %mul3A_19, %add3A_20 : i32
    %mul3A_22 = arith.constant 12512 : i32
    %mul3A_23 = arith.muli %add3A_21, %mul3A_22 : i32
    %mul3A_24 = arith.constant 784 : i32
    %mul3A_25 = arith.muli %arg1, %mul3A_24 : i32
    "tpu.region"() ({
      %run_scoped3A = tpu.sem_alloc : memref<!tpu.dma_semaphore, #tpu.memory_space<semaphore_mem>>
      %dma_start3A = arith.constant 0 : i32
      %dma_start3A_40 = tpu.memref_slice %arg7[%mul3A_25, %dma_start3A] : memref<12544x128xf32, #tpu.memory_space<vmem_shared>> -> memref<784x128xf32, #tpu.memory_space<vmem_shared>>
      tpu.enqueue_dma source(%arg5 : memref<784x128xf32, #tpu.memory_space<hbm>>) target(%dma_start3A_40 : memref<784x128xf32, #tpu.memory_space<vmem_shared>>) target_semaphore(%run_scoped3A : memref<!tpu.dma_semaphore, #tpu.memory_space<semaphore_mem>>)
      %dma_wait3A = arith.constant 0 : i32
      %dma_wait3A_41 = tpu.memref_slice %arg7[%mul3A_25, %dma_wait3A] : memref<12544x128xf32, #tpu.memory_space<vmem_shared>> -> memref<784x128xf32, #tpu.memory_space<vmem_shared>>
      tpu.wait_dma2 semaphore(%run_scoped3A : memref<!tpu.dma_semaphore, #tpu.memory_space<semaphore_mem>>) src(%arg5 : memref<784x128xf32, #tpu.memory_space<hbm>>) dst(%dma_wait3A_41 : memref<784x128xf32, #tpu.memory_space<vmem_shared>>)
      tpu.yield
    }) : () -> ()
    %barrier3A_26 = arith.constant 0 : index
    tpu.barrier barrier_id(%barrier3A_26)
    %scan3A_27 = arith.constant 0 : i32
    %scan3A_28 = arith.constant 0 : i32
    %scan3A_29 = arith.constant 392 : i32
    %scan3A_30 = arith.addi %scan3A_28, %scan3A_29 : i32
    %scan3A_31 = arith.constant 1 : i32
    %scan3A_32 = scf.for %scan3A_40 = %scan3A_28 to %scan3A_30 step %scan3A_31 iter_args(%scan3A_41 = %scan3A_27) -> (i32)  : i32 {
      %mul3A_42 = arith.constant 392 : i32
      %mul3A_43 = arith.muli %arg1, %mul3A_42 : i32
      %add3A_44 = arith.addi %mul3A_43, %scan3A_40 : i32
      "tpu.region"() ({
        %run_scoped3A_92 = tpu.sem_alloc : memref<!tpu.dma_semaphore, #tpu.memory_space<semaphore_mem>>
        %dma_start3A_93 = arith.constant 0 : i32
        %dma_start3A_94 = tpu.memref_slice %arg3[%add3A_44, %dma_start3A_93] : memref<6272x128xi32, #tpu.memory_space<hbm>> -> memref<1x128xi32, #tpu.memory_space<hbm>>
        %dma_start3A_95 = arith.constant 0 : i32
        %dma_start3A_96 = tpu.memref_slice %arg3[%add3A_44, %dma_start3A_95] : memref<6272x128xi32, #tpu.memory_space<hbm>> -> memref<1x128xi32, #tpu.memory_space<hbm>>
        tpu.enqueue_dma source(%dma_start3A_96 : memref<1x128xi32, #tpu.memory_space<hbm>>) target(%arg8 : memref<1x128xi32, #tpu.memory_space<vmem>>) target_semaphore(%run_scoped3A_92 : memref<!tpu.dma_semaphore, #tpu.memory_space<semaphore_mem>>)
        %dma_wait3A_97 = arith.constant 0 : i32
        %dma_wait3A_98 = tpu.memref_slice %arg3[%add3A_44, %dma_wait3A_97] : memref<6272x128xi32, #tpu.memory_space<hbm>> -> memref<1x128xi32, #tpu.memory_space<hbm>>
        %dma_wait3A_99 = arith.constant 0 : i32
        %dma_wait3A_100 = tpu.memref_slice %arg3[%add3A_44, %dma_wait3A_99] : memref<6272x128xi32, #tpu.memory_space<hbm>> -> memref<1x128xi32, #tpu.memory_space<hbm>>
        tpu.wait_dma2 semaphore(%run_scoped3A_92 : memref<!tpu.dma_semaphore, #tpu.memory_space<semaphore_mem>>) src(%dma_wait3A_100 : memref<1x128xi32, #tpu.memory_space<hbm>>) dst(%arg8 : memref<1x128xi32, #tpu.memory_space<vmem>>)
        tpu.yield
      }) : () -> ()
      "tpu.region"() ({
        %run_scoped3A_92 = tpu.sem_alloc : memref<!tpu.dma_semaphore, #tpu.memory_space<semaphore_mem>>
        %dma_start3A_93 = arith.constant 0 : i32
        %dma_start3A_94 = tpu.memref_slice %arg4[%add3A_44, %dma_start3A_93] : memref<6272x128xi32, #tpu.memory_space<hbm>> -> memref<1x128xi32, #tpu.memory_space<hbm>>
        %dma_start3A_95 = arith.constant 0 : i32
        %dma_start3A_96 = tpu.memref_slice %arg4[%add3A_44, %dma_start3A_95] : memref<6272x128xi32, #tpu.memory_space<hbm>> -> memref<1x128xi32, #tpu.memory_space<hbm>>
        tpu.enqueue_dma source(%dma_start3A_96 : memref<1x128xi32, #tpu.memory_space<hbm>>) target(%arg9 : memref<1x128xi32, #tpu.memory_space<vmem>>) target_semaphore(%run_scoped3A_92 : memref<!tpu.dma_semaphore, #tpu.memory_space<semaphore_mem>>)
        %dma_wait3A_97 = arith.constant 0 : i32
        %dma_wait3A_98 = tpu.memref_slice %arg4[%add3A_44, %dma_wait3A_97] : memref<6272x128xi32, #tpu.memory_space<hbm>> -> memref<1x128xi32, #tpu.memory_space<hbm>>
        %dma_wait3A_99 = arith.constant 0 : i32
        %dma_wait3A_100 = tpu.memref_slice %arg4[%add3A_44, %dma_wait3A_99] : memref<6272x128xi32, #tpu.memory_space<hbm>> -> memref<1x128xi32, #tpu.memory_space<hbm>>
        tpu.wait_dma2 semaphore(%run_scoped3A_92 : memref<!tpu.dma_semaphore, #tpu.memory_space<semaphore_mem>>) src(%dma_wait3A_100 : memref<1x128xi32, #tpu.memory_space<hbm>>) dst(%arg9 : memref<1x128xi32, #tpu.memory_space<vmem>>)
        tpu.yield
      }) : () -> ()
      %scan3A_45 = arith.constant 0 : i32
      %scan3A_46 = arith.constant 0 : i32
      %scan3A_47 = arith.constant 8 : i32
      %scan3A_48 = arith.addi %scan3A_46, %scan3A_47 : i32
      %scan3A_49 = arith.constant 1 : i32
      %scan3A_50 = scf.for %scan3A_92 = %scan3A_46 to %scan3A_48 step %scan3A_49 iter_args(%scan3A_93 = %scan3A_45) -> (i32)  : i32 {
        %mul3A_94 = arith.constant 16 : i32
        %mul3A_95 = arith.muli %scan3A_92, %mul3A_94 : i32
        %multiple_of3A = tpu.assume_multiple %mul3A_95, 16 : i32
        %get3A = arith.constant 0 : i32
        %get3A_96 = arith.index_cast %get3A : i32 to index
        %get3A_97 = arith.index_cast %multiple_of3A : i32 to index
        %get3A_98 = tpu.vector_load %arg9[%get3A_96, %get3A_97] {strides = array<i32>} : memref<1x128xi32, #tpu.memory_space<vmem>>, vector<1x16xi32>,
        %get3A_99 = vector.shape_cast %get3A_98 : vector<1x16xi32> to vector<16xi32>
        %ge3A = vector.broadcast %mul3A_23 : i32 to vector<16xi32>
        %ge3A_100 = arith.cmpi sge, %get3A_99, %ge3A : vector<16xi32>
        %add3A_101 = arith.constant 12512 : i32
        %add3A_102 = arith.addi %mul3A_23, %add3A_101 : i32
        %lt3A = vector.broadcast %add3A_102 : i32 to vector<16xi32>
        %lt3A_103 = arith.cmpi slt, %get3A_99, %lt3A : vector<16xi32>
        %and3A = arith.andi %ge3A_100, %lt3A_103 : vector<16xi1>
        %sub3A = vector.broadcast %mul3A_23 : i32 to vector<16xi32>
        %sub3A_104 = arith.subi %get3A_99, %sub3A : vector<16xi32>
        %and3A_105 = arith.constant 31 : i32
        %and3A_106 = vector.broadcast %and3A_105 : i32 to vector<16xi32>
        %and3A_107 = arith.andi %get3A_99, %and3A_106 : vector<16xi32>
        %add3A_108 = arith.constant 12512 : i32
        %add3A_109 = vector.broadcast %add3A_108 : i32 to vector<16xi32>
        %add3A_110 = arith.addi %add3A_109, %and3A_107 : vector<16xi32>
        %select_n3A = arith.select %and3A, %sub3A_104, %add3A_110 : vector<16xi1>, vector<16xi32>
        %swap3A = arith.constant 0 : i32
        %swap3A_111 = arith.index_cast %swap3A : i32 to index
        %swap3A_112 = arith.index_cast %multiple_of3A : i32 to index
        %swap3A_113 = tpu.vector_load %arg9[%swap3A_111, %swap3A_112] {strides = array<i32>} : memref<1x128xi32, #tpu.memory_space<vmem>>, vector<1x16xi32>,
        %swap3A_114 = vector.shape_cast %swap3A_113 : vector<1x16xi32> to vector<16xi32>
        %swap3A_115 = vector.shape_cast %select_n3A : vector<16xi32> to vector<1x16xi32>
        tpu.vector_store %arg9[%swap3A_111, %swap3A_112], %swap3A_115 {strides = array<i32>} : memref<1x128xi32, #tpu.memory_space<vmem>>, vector<1x16xi32>,
        %scan3A_116 = arith.constant 0 : i32
        scf.yield %scan3A_116 : i32
      }
      %scan3A_51 = arith.constant 8 : i32
      %dma_start3A = arith.constant 0 : i32
      %dma_start3A_52 = arith.constant 0 : i32
      %dma_start3A_53 = arith.constant 0 : i32
      %dma_start3A_54 = tpu.memref_slice %arg10[%dma_start3A_52, %dma_start3A_53] : memref<128x128xf32, #tpu.memory_space<vmem>> -> memref<64x128xf32, #tpu.memory_space<vmem>>
      %dma_start3A_55 = arith.constant 0 : i32
      %dma_start3A_56 = tpu.memref_slice %arg8[%dma_start3A, %dma_start3A_55] : memref<1x128xi32, #tpu.memory_space<vmem>> -> memref<1x64xi32, #tpu.memory_space<vmem>>
      %dma_start3A_57 = tpu.memref_squeeze %dma_start3A_56 : memref<1x64xi32, #tpu.memory_space<vmem>> -> memref<64xi32, #tpu.memory_space<vmem>>
      %dma_start3A_58 = arith.constant 0 : i32
      %dma_start3A_59 = arith.constant 0 : i32
      %dma_start3A_60 = tpu.memref_slice %arg2[%dma_start3A_58, %dma_start3A_59] : memref<50000x128xf32, #tpu.memory_space<hbm>> -> memref<50000x128xf32, #tpu.memory_space<hbm>>
      tpu.enqueue_indirect_dma source(%dma_start3A_60 : memref<50000x128xf32, #tpu.memory_space<hbm>>) target(%dma_start3A_54 : memref<64x128xf32, #tpu.memory_space<vmem>>) offsets(%dma_start3A_57 : memref<64xi32, #tpu.memory_space<vmem>>) semaphore(%arg11 : memref<!tpu.dma_semaphore, #tpu.memory_space<semaphore_mem>>)
      %dma_start3A_61 = arith.constant 0 : i32
      %dma_start3A_62 = arith.constant 64 : i32
      %dma_start3A_63 = arith.constant 0 : i32
      %dma_start3A_64 = tpu.memref_slice %arg10[%dma_start3A_62, %dma_start3A_63] : memref<128x128xf32, #tpu.memory_space<vmem>> -> memref<64x128xf32, #tpu.memory_space<vmem>>
      %dma_start3A_65 = arith.constant 64 : i32
      %dma_start3A_66 = tpu.memref_slice %arg8[%dma_start3A_61, %dma_start3A_65] : memref<1x128xi32, #tpu.memory_space<vmem>> -> memref<1x64xi32, #tpu.memory_space<vmem>>
      %dma_start3A_67 = tpu.memref_squeeze %dma_start3A_66 : memref<1x64xi32, #tpu.memory_space<vmem>> -> memref<64xi32, #tpu.memory_space<vmem>>
      %dma_start3A_68 = arith.constant 0 : i32
      %dma_start3A_69 = arith.constant 0 : i32
      %dma_start3A_70 = tpu.memref_slice %arg2[%dma_start3A_68, %dma_start3A_69] : memref<50000x128xf32, #tpu.memory_space<hbm>> -> memref<50000x128xf32, #tpu.memory_space<hbm>>
      tpu.enqueue_indirect_dma source(%dma_start3A_70 : memref<50000x128xf32, #tpu.memory_space<hbm>>) target(%dma_start3A_64 : memref<64x128xf32, #tpu.memory_space<vmem>>) offsets(%dma_start3A_67 : memref<64xi32, #tpu.memory_space<vmem>>) semaphore(%arg12 : memref<!tpu.dma_semaphore, #tpu.memory_space<semaphore_mem>>)
      %dma_wait3A = arith.constant 0 : i32
      %dma_wait3A_71 = arith.constant 0 : i32
      %dma_wait3A_72 = arith.constant 0 : i32
      %dma_wait3A_73 = tpu.memref_slice %arg10[%dma_wait3A_71, %dma_wait3A_72] : memref<128x128xf32, #tpu.memory_space<vmem>> -> memref<64x128xf32, #tpu.memory_space<vmem>>
      %dma_wait3A_74 = arith.constant 0 : i32
      %dma_wait3A_75 = tpu.memref_slice %arg8[%dma_wait3A, %dma_wait3A_74] : memref<1x128xi32, #tpu.memory_space<vmem>> -> memref<1x64xi32, #tpu.memory_space<vmem>>
      %dma_wait3A_76 = tpu.memref_squeeze %dma_wait3A_75 : memref<1x64xi32, #tpu.memory_space<vmem>> -> memref<64xi32, #tpu.memory_space<vmem>>
      %dma_wait3A_77 = arith.constant 0 : i32
      %dma_wait3A_78 = arith.constant 0 : i32
      %dma_wait3A_79 = tpu.memref_slice %arg2[%dma_wait3A_77, %dma_wait3A_78] : memref<50000x128xf32, #tpu.memory_space<hbm>> -> memref<50000x128xf32, #tpu.memory_space<hbm>>
      tpu.wait_indirect_dma semaphore(%arg11 : memref<!tpu.dma_semaphore, #tpu.memory_space<semaphore_mem>>) src(%dma_wait3A_79 : memref<50000x128xf32, #tpu.memory_space<hbm>>) dst(%dma_wait3A_73 : memref<64x128xf32, #tpu.memory_space<vmem>>)
      %run_scoped3A = arith.constant 0 : i32
      "tpu.region"() ({
        %run_scoped3A_92 = tpu.sem_alloc : memref<!tpu.dma_semaphore, #tpu.memory_space<semaphore_mem>>
        %dma_start3A_93 = arith.constant 0 : i32
        %dma_start3A_94 = arith.constant 0 : i32
        %dma_start3A_95 = tpu.memref_slice %arg10[%dma_start3A_93, %dma_start3A_94] : memref<128x128xf32, #tpu.memory_space<vmem>> -> memref<64x128xf32, #tpu.memory_space<vmem>>
        %dma_start3A_96 = arith.constant 0 : i32
        %dma_start3A_97 = tpu.memref_slice %arg9[%run_scoped3A, %dma_start3A_96] : memref<1x128xi32, #tpu.memory_space<vmem>> -> memref<1x64xi32, #tpu.memory_space<vmem>>
        %dma_start3A_98 = tpu.memref_squeeze %dma_start3A_97 : memref<1x64xi32, #tpu.memory_space<vmem>> -> memref<64xi32, #tpu.memory_space<vmem>>
        %dma_start3A_99 = arith.constant 0 : i32
        %dma_start3A_100 = arith.constant 0 : i32
        %dma_start3A_101 = tpu.memref_slice %arg7[%dma_start3A_99, %dma_start3A_100] : memref<12544x128xf32, #tpu.memory_space<vmem_shared>> -> memref<12544x128xf32, #tpu.memory_space<vmem_shared>>
        tpu.enqueue_indirect_dma source(%dma_start3A_95 : memref<64x128xf32, #tpu.memory_space<vmem>>) target(%dma_start3A_101 : memref<12544x128xf32, #tpu.memory_space<vmem_shared>>) offsets(%dma_start3A_98 : memref<64xi32, #tpu.memory_space<vmem>>) semaphore(%run_scoped3A_92 : memref<!tpu.dma_semaphore, #tpu.memory_space<semaphore_mem>>) {add = true}
        %dma_wait3A_102 = arith.constant 0 : i32
        %dma_wait3A_103 = arith.constant 0 : i32
        %dma_wait3A_104 = tpu.memref_slice %arg10[%dma_wait3A_102, %dma_wait3A_103] : memref<128x128xf32, #tpu.memory_space<vmem>> -> memref<64x128xf32, #tpu.memory_space<vmem>>
        %dma_wait3A_105 = arith.constant 0 : i32
        %dma_wait3A_106 = tpu.memref_slice %arg9[%run_scoped3A, %dma_wait3A_105] : memref<1x128xi32, #tpu.memory_space<vmem>> -> memref<1x64xi32, #tpu.memory_space<vmem>>
        %dma_wait3A_107 = tpu.memref_squeeze %dma_wait3A_106 : memref<1x64xi32, #tpu.memory_space<vmem>> -> memref<64xi32, #tpu.memory_space<vmem>>
        %dma_wait3A_108 = arith.constant 0 : i32
        %dma_wait3A_109 = arith.constant 0 : i32
        %dma_wait3A_110 = tpu.memref_slice %arg7[%dma_wait3A_108, %dma_wait3A_109] : memref<12544x128xf32, #tpu.memory_space<vmem_shared>> -> memref<12544x128xf32, #tpu.memory_space<vmem_shared>>
        tpu.wait_indirect_dma semaphore(%run_scoped3A_92 : memref<!tpu.dma_semaphore, #tpu.memory_space<semaphore_mem>>) src(%dma_wait3A_104 : memref<64x128xf32, #tpu.memory_space<vmem>>) dst(%dma_wait3A_110 : memref<12544x128xf32, #tpu.memory_space<vmem_shared>>)
        tpu.yield
      }) : () -> ()
      %dma_wait3A_80 = arith.constant 0 : i32
      %dma_wait3A_81 = arith.constant 64 : i32
      %dma_wait3A_82 = arith.constant 0 : i32
      %dma_wait3A_83 = tpu.memref_slice %arg10[%dma_wait3A_81, %dma_wait3A_82] : memref<128x128xf32, #tpu.memory_space<vmem>> -> memref<64x128xf32, #tpu.memory_space<vmem>>
      %dma_wait3A_84 = arith.constant 64 : i32
      %dma_wait3A_85 = tpu.memref_slice %arg8[%dma_wait3A_80, %dma_wait3A_84] : memref<1x128xi32, #tpu.memory_space<vmem>> -> memref<1x64xi32, #tpu.memory_space<vmem>>
      %dma_wait3A_86 = tpu.memref_squeeze %dma_wait3A_85 : memref<1x64xi32, #tpu.memory_space<vmem>> -> memref<64xi32, #tpu.memory_space<vmem>>
      %dma_wait3A_87 = arith.constant 0 : i32
      %dma_wait3A_88 = arith.constant 0 : i32
      %dma_wait3A_89 = tpu.memref_slice %arg2[%dma_wait3A_87, %dma_wait3A_88] : memref<50000x128xf32, #tpu.memory_space<hbm>> -> memref<50000x128xf32, #tpu.memory_space<hbm>>
      tpu.wait_indirect_dma semaphore(%arg12 : memref<!tpu.dma_semaphore, #tpu.memory_space<semaphore_mem>>) src(%dma_wait3A_89 : memref<50000x128xf32, #tpu.memory_space<hbm>>) dst(%dma_wait3A_83 : memref<64x128xf32, #tpu.memory_space<vmem>>)
      %run_scoped3A_90 = arith.constant 0 : i32
      "tpu.region"() ({
        %run_scoped3A_92 = tpu.sem_alloc : memref<!tpu.dma_semaphore, #tpu.memory_space<semaphore_mem>>
        %dma_start3A_93 = arith.constant 64 : i32
        %dma_start3A_94 = arith.constant 0 : i32
        %dma_start3A_95 = tpu.memref_slice %arg10[%dma_start3A_93, %dma_start3A_94] : memref<128x128xf32, #tpu.memory_space<vmem>> -> memref<64x128xf32, #tpu.memory_space<vmem>>
        %dma_start3A_96 = arith.constant 64 : i32
        %dma_start3A_97 = tpu.memref_slice %arg9[%run_scoped3A_90, %dma_start3A_96] : memref<1x128xi32, #tpu.memory_space<vmem>> -> memref<1x64xi32, #tpu.memory_space<vmem>>
        %dma_start3A_98 = tpu.memref_squeeze %dma_start3A_97 : memref<1x64xi32, #tpu.memory_space<vmem>> -> memref<64xi32, #tpu.memory_space<vmem>>
        %dma_start3A_99 = arith.constant 0 : i32
        %dma_start3A_100 = arith.constant 0 : i32
        %dma_start3A_101 = tpu.memref_slice %arg7[%dma_start3A_99, %dma_start3A_100] : memref<12544x128xf32, #tpu.memory_space<vmem_shared>> -> memref<12544x128xf32, #tpu.memory_space<vmem_shared>>
        tpu.enqueue_indirect_dma source(%dma_start3A_95 : memref<64x128xf32, #tpu.memory_space<vmem>>) target(%dma_start3A_101 : memref<12544x128xf32, #tpu.memory_space<vmem_shared>>) offsets(%dma_start3A_98 : memref<64xi32, #tpu.memory_space<vmem>>) semaphore(%run_scoped3A_92 : memref<!tpu.dma_semaphore, #tpu.memory_space<semaphore_mem>>) {add = true}
        %dma_wait3A_102 = arith.constant 64 : i32
        %dma_wait3A_103 = arith.constant 0 : i32
        %dma_wait3A_104 = tpu.memref_slice %arg10[%dma_wait3A_102, %dma_wait3A_103] : memref<128x128xf32, #tpu.memory_space<vmem>> -> memref<64x128xf32, #tpu.memory_space<vmem>>
        %dma_wait3A_105 = arith.constant 64 : i32
        %dma_wait3A_106 = tpu.memref_slice %arg9[%run_scoped3A_90, %dma_wait3A_105] : memref<1x128xi32, #tpu.memory_space<vmem>> -> memref<1x64xi32, #tpu.memory_space<vmem>>
        %dma_wait3A_107 = tpu.memref_squeeze %dma_wait3A_106 : memref<1x64xi32, #tpu.memory_space<vmem>> -> memref<64xi32, #tpu.memory_space<vmem>>
        %dma_wait3A_108 = arith.constant 0 : i32
        %dma_wait3A_109 = arith.constant 0 : i32
        %dma_wait3A_110 = tpu.memref_slice %arg7[%dma_wait3A_108, %dma_wait3A_109] : memref<12544x128xf32, #tpu.memory_space<vmem_shared>> -> memref<12544x128xf32, #tpu.memory_space<vmem_shared>>
        tpu.wait_indirect_dma semaphore(%run_scoped3A_92 : memref<!tpu.dma_semaphore, #tpu.memory_space<semaphore_mem>>) src(%dma_wait3A_104 : memref<64x128xf32, #tpu.memory_space<vmem>>) dst(%dma_wait3A_110 : memref<12544x128xf32, #tpu.memory_space<vmem_shared>>)
        tpu.yield
      }) : () -> ()
      %scan3A_91 = arith.constant 0 : i32
      scf.yield %scan3A_91 : i32
    }
    %scan3A_33 = arith.constant 392 : i32
    %barrier3A_34 = arith.constant 0 : index
    tpu.barrier barrier_id(%barrier3A_34)
    %mul3A_35 = arith.constant 784 : i32
    %mul3A_36 = arith.muli %arg1, %mul3A_35 : i32
    %mul3A_37 = arith.constant 784 : i32
    %mul3A_38 = arith.muli %arg1, %mul3A_37 : i32
    "tpu.region"() ({
      %run_scoped3A = tpu.sem_alloc : memref<!tpu.dma_semaphore, #tpu.memory_space<semaphore_mem>>
      %dma_start3A = arith.constant 0 : i32
      %dma_start3A_40 = tpu.memref_slice %arg6[%add3A_21, %mul3A_38, %dma_start3A] : memref<4x12544x128xf32, #tpu.memory_space<hbm>> -> memref<1x784x128xf32, #tpu.memory_space<hbm>>
      %dma_start3A_41 = tpu.memref_squeeze %dma_start3A_40 : memref<1x784x128xf32, #tpu.memory_space<hbm>> -> memref<784x128xf32, #tpu.memory_space<hbm>>
      %dma_start3A_42 = arith.constant 0 : i32
      %dma_start3A_43 = tpu.memref_slice %arg7[%mul3A_36, %dma_start3A_42] : memref<12544x128xf32, #tpu.memory_space<vmem_shared>> -> memref<784x128xf32, #tpu.memory_space<vmem_shared>>
      tpu.enqueue_dma source(%dma_start3A_43 : memref<784x128xf32, #tpu.memory_space<vmem_shared>>) target(%dma_start3A_41 : memref<784x128xf32, #tpu.memory_space<hbm>>) target_semaphore(%run_scoped3A : memref<!tpu.dma_semaphore, #tpu.memory_space<semaphore_mem>>)
      %dma_wait3A = arith.constant 0 : i32
      %dma_wait3A_44 = tpu.memref_slice %arg6[%add3A_21, %mul3A_38, %dma_wait3A] : memref<4x12544x128xf32, #tpu.memory_space<hbm>> -> memref<1x784x128xf32, #tpu.memory_space<hbm>>
      %dma_wait3A_45 = tpu.memref_squeeze %dma_wait3A_44 : memref<1x784x128xf32, #tpu.memory_space<hbm>> -> memref<784x128xf32, #tpu.memory_space<hbm>>
      %dma_wait3A_46 = arith.constant 0 : i32
      %dma_wait3A_47 = tpu.memref_slice %arg7[%mul3A_36, %dma_wait3A_46] : memref<12544x128xf32, #tpu.memory_space<vmem_shared>> -> memref<784x128xf32, #tpu.memory_space<vmem_shared>>
      tpu.wait_dma2 semaphore(%run_scoped3A : memref<!tpu.dma_semaphore, #tpu.memory_space<semaphore_mem>>) src(%dma_wait3A_47 : memref<784x128xf32, #tpu.memory_space<vmem_shared>>) dst(%dma_wait3A_45 : memref<784x128xf32, #tpu.memory_space<hbm>>)
      tpu.yield
    }) : () -> ()
    %barrier3A_39 = arith.constant 0 : index
    tpu.barrier barrier_id(%barrier3A_39)
    return
  }
}

module attributes {stable_mosaic.version = 14 : i64} {
  func.func @_k_gram(%arg0: i32, %arg1: memref<2000x256xf32, #tpu.memory_space<vmem>>, %arg2: memref<256x256xf32, #tpu.memory_space<vmem>>) attributes {dimension_semantics = [#tpu.dimension_semantics<arbitrary>], iteration_bounds = array<i64: 25>, scalar_prefetch = 0 : i64, scratch_operands = 0 : i64, tpu.core_type = #tpu.core_type<tc>, window_params = [{transform_indices = @transform_0, window_bounds = array<i64: 2000, 256>}, {pipeline_mode = #tpu.pipeline_mode<synchronous>, transform_indices = @transform_1, window_bounds = array<i64: 256, 256>}]} {
    %eq3A = arith.constant 0 : i32
    %eq3A_0 = arith.cmpi eq, %arg0, %eq3A : i32
    %convert_element_type3A = arith.extui %eq3A_0 : i1 to i32
    %cond3A = arith.constant 0 : i32
    %cond3A_1 = arith.cmpi ne, %convert_element_type3A, %cond3A : i32
    scf.if %cond3A_1 {
      %iota3A = tpu.iota {dimensions = array<i32: 0>} : vector<256x256xi32>
      %iota3A_10 = tpu.iota {dimensions = array<i32: 1>} : vector<256x256xi32>
      %eq3A_11 = arith.cmpi eq, %iota3A, %iota3A_10 : vector<256x256xi32>
      %jit3A = arith.constant 9.99999997E-7 : f32
      %jit3A_12 = arith.constant 0.000000e+00 : f32
      %broadcast_in_dim3A = vector.broadcast %jit3A : f32 to vector<256x256xf32>
      %broadcast_in_dim3A_13 = vector.broadcast %jit3A_12 : f32 to vector<256x256xf32>
      %select_n3A = arith.select %eq3A_11, %broadcast_in_dim3A, %broadcast_in_dim3A_13 : vector<256x256xi1>, vector<256x256xf32>
      %swap3A_14 = arith.constant 0 : index
      %swap3A_15 = arith.constant 0 : index
      %swap3A_16 = vector.load %arg2[%swap3A_14, %swap3A_15] : memref<256x256xf32, #tpu.memory_space<vmem>>, vector<256x256xf32>
      tpu.vector_store %arg2[%swap3A_14, %swap3A_15], %select_n3A {strides = array<i32>} : memref<256x256xf32, #tpu.memory_space<vmem>>, vector<256x256xf32>,
    } else {
    }
    %get3A = arith.constant 0 : index
    %get3A_2 = arith.constant 0 : index
    %get3A_3 = vector.load %arg1[%get3A, %get3A_2] : memref<2000x256xf32, #tpu.memory_space<vmem>>, vector<2000x256xf32>
    %get3A_4 = arith.constant 0 : index
    %get3A_5 = arith.constant 0 : index
    %get3A_6 = vector.load %arg2[%get3A_4, %get3A_5] : memref<256x256xf32, #tpu.memory_space<vmem>>, vector<256x256xf32>
    %dot_general3A = arith.constant dense<0.000000e+00> : vector<256x256xf32>
    %dot_general3A_7 = tpu.matmul %get3A_3, %get3A_3, %dot_general3A {dimension_numbers = #tpu.dot_dimension_numbers<[0], [0], [1], [1], [0, 1, 1, 1], [], []>, transpose_lhs_hint = false} : vector<2000x256xf32>, vector<2000x256xf32>, vector<256x256xf32> -> vector<256x256xf32>
    %add3A = arith.addf %get3A_6, %dot_general3A_7 : vector<256x256xf32>
    %swap3A = arith.constant 0 : index
    %swap3A_8 = arith.constant 0 : index
    %swap3A_9 = vector.load %arg2[%swap3A, %swap3A_8] : memref<256x256xf32, #tpu.memory_space<vmem>>, vector<256x256xf32>
    tpu.vector_store %arg2[%swap3A, %swap3A_8], %add3A {strides = array<i32>} : memref<256x256xf32, #tpu.memory_space<vmem>>, vector<256x256xf32>,
    return
  }
  func.func @transform_0(%arg0: i32) -> (i32, i32) {
    %c0_i32 = arith.constant 0 : i32
    %c0_i32_0 = arith.constant 0 : i32
    return %arg0, %c0_i32 : i32, i32
  }
  func.func @transform_1(%arg0: i32) -> (i32, i32) {
    %c0_i32 = arith.constant 0 : i32
    %c0_i32_0 = arith.constant 0 : i32
    %c0_i32_1 = arith.constant 0 : i32
    return %c0_i32, %c0_i32_0 : i32, i32
  }
}

module attributes {stable_mosaic.version = 14 : i64} {
  func.func @_k_solve(%arg0: memref<256x256xf32, #tpu.memory_space<vmem>>, %arg1: memref<256x128xf32, #tpu.memory_space<vmem>>, %arg2: memref<64x128xf32, #tpu.memory_space<vmem>>, %arg3: memref<256x64xf32, #tpu.memory_space<vmem>>) attributes {dimension_semantics = [], scalar_prefetch = 0 : i64, scratch_operands = 0 : i64, tpu.core_type = #tpu.core_type<tc>} {
    %get3A = arith.constant 0 : index
    %get3A_0 = arith.constant 0 : index
    %get3A_1 = vector.load %arg0[%get3A, %get3A_0] : memref<256x256xf32, #tpu.memory_space<vmem>>, vector<256x256xf32>
    %get3A_2 = arith.constant 0 : index
    %get3A_3 = arith.constant 0 : index
    %get3A_4 = vector.load %arg1[%get3A_2, %get3A_3] : memref<256x128xf32, #tpu.memory_space<vmem>>, vector<256x128xf32>
    %concatenate3A = tpu.concatenate %get3A_1, %get3A_4 in 1 : vector<256x256xf32>, vector<256x128xf32> -> vector<256x384xf32>
    %iota3A = tpu.iota {dimensions = array<i32: 1>} : vector<256x384xi32>
    %slice3A = vector.extract_strided_slice %iota3A {offsets = [0, 0], sizes = [1, 384], strides = [1, 1]} : vector<256x384xi32> to vector<1x384xi32>
    %iota3A_5 = tpu.iota {dimensions = array<i32: 0>} : vector<256x1xi32>
    %scan3A = arith.constant 0 : i32
    %scan3A_6 = arith.constant 256 : i32
    %scan3A_7 = arith.addi %scan3A, %scan3A_6 : i32
    %scan3A_8 = arith.constant 1 : i32
    %scan3A_9 = scf.for %scan3A_18 = %scan3A to %scan3A_7 step %scan3A_8 iter_args(%scan3A_19 = %concatenate3A) -> (vector<256x384xf32>)  : i32 {
      %eq3A = vector.broadcast %scan3A_18 : i32 to vector<256x1xi32>
      %eq3A_20 = arith.cmpi eq, %iota3A_5, %eq3A : vector<256x1xi32>
      %convert_element_type3A = arith.extui %eq3A_20 : vector<256x1xi1> to vector<256x1xi32>
      %convert_element_type3A_21 = arith.sitofp %convert_element_type3A : vector<256x1xi32> to vector<256x1xf32>
      %mul3A = vector.broadcast %convert_element_type3A_21 : vector<256x1xf32> to vector<256x384xf32>
      %mul3A_22 = arith.mulf %scan3A_19, %mul3A : vector<256x384xf32>
      %reduce_sum3A = arith.constant dense<0.000000e+00> : vector<384xf32>
      %reduce_sum3A_23 = vector.multi_reduction <add>, %mul3A_22, %reduce_sum3A [0] : vector<256x384xf32> to vector<384xf32>
      %broadcast_in_dim3A = vector.shape_cast %reduce_sum3A_23 : vector<384xf32> to vector<1x384xf32>
      %eq3A_24 = vector.broadcast %scan3A_18 : i32 to vector<1x384xi32>
      %eq3A_25 = arith.cmpi eq, %slice3A, %eq3A_24 : vector<1x384xi32>
      %convert_element_type3A_26 = arith.extui %eq3A_25 : vector<1x384xi1> to vector<1x384xi32>
      %convert_element_type3A_27 = arith.sitofp %convert_element_type3A_26 : vector<1x384xi32> to vector<1x384xf32>
      %mul3A_28 = arith.mulf %broadcast_in_dim3A, %convert_element_type3A_27 : vector<1x384xf32>
      %reduce_sum3A_29 = vector.shape_cast %mul3A_28 : vector<1x384xf32> to vector<1x1x384xf32>
      %reduce_sum3A_30 = arith.constant dense<0.000000e+00> : vector<1xf32>
      %reduce_sum3A_31 = vector.multi_reduction <add>, %reduce_sum3A_29, %reduce_sum3A_30 [1, 2] : vector<1x1x384xf32> to vector<1xf32>
      %reduce_sum3A_32 = vector.shape_cast %reduce_sum3A_31 : vector<1xf32> to vector<1x1x1xf32>
      %reduce_sum3A_33 = vector.extract %reduce_sum3A_32[0, 0, 0] : f32 from vector<1x1x1xf32>
      %div3A = vector.broadcast %reduce_sum3A_33 : f32 to vector<1x384xf32>
      %div3A_34 = arith.divf %broadcast_in_dim3A, %div3A : vector<1x384xf32>
      %eq3A_35 = vector.broadcast %scan3A_18 : i32 to vector<256x384xi32>
      %eq3A_36 = arith.cmpi eq, %iota3A, %eq3A_35 : vector<256x384xi32>
      %convert_element_type3A_37 = arith.extui %eq3A_36 : vector<256x384xi1> to vector<256x384xi32>
      %convert_element_type3A_38 = arith.sitofp %convert_element_type3A_37 : vector<256x384xi32> to vector<256x384xf32>
      %mul3A_39 = arith.mulf %scan3A_19, %convert_element_type3A_38 : vector<256x384xf32>
      %reduce_sum3A_40 = arith.constant dense<0.000000e+00> : vector<256xf32>
      %reduce_sum3A_41 = vector.multi_reduction <add>, %mul3A_39, %reduce_sum3A_40 [1] : vector<256x384xf32> to vector<256xf32>
      %broadcast_in_dim3A_42 = vector.shape_cast %reduce_sum3A_41 : vector<256xf32> to vector<256x1xf32>
      %sub3A = arith.subf %broadcast_in_dim3A_42, %convert_element_type3A_21 : vector<256x1xf32>
      %mul3A_43 = vector.broadcast %sub3A : vector<256x1xf32> to vector<256x384xf32>
      %mul3A_44 = vector.broadcast %div3A_34 : vector<1x384xf32> to vector<256x384xf32>
      %mul3A_45 = arith.mulf %mul3A_43, %mul3A_44 : vector<256x384xf32>
      %sub3A_46 = arith.subf %scan3A_19, %mul3A_45 : vector<256x384xf32>
      scf.yield %sub3A_46 : vector<256x384xf32>
    }
    %scan3A_10 = arith.constant 256 : i32
    %slice3A_11 = vector.extract_strided_slice %scan3A_9 {offsets = [0, 256], sizes = [256, 128], strides = [1, 1]} : vector<256x384xf32> to vector<256x128xf32>
    %get3A_12 = arith.constant 0 : index
    %get3A_13 = arith.constant 0 : index
    %get3A_14 = vector.load %arg2[%get3A_12, %get3A_13] : memref<64x128xf32, #tpu.memory_space<vmem>>, vector<64x128xf32>
    %dot_general3A = arith.constant dense<0.000000e+00> : vector<256x64xf32>
    %dot_general3A_15 = tpu.matmul %slice3A_11, %get3A_14, %dot_general3A {dimension_numbers = #tpu.dot_dimension_numbers<[1], [1], [0], [0], [0, 0, 1, 0], [], []>, transpose_lhs_hint = false} : vector<256x128xf32>, vector<64x128xf32>, vector<256x64xf32> -> vector<256x64xf32>
    %swap3A = arith.constant 0 : index
    %swap3A_16 = arith.constant 0 : index
    %swap3A_17 = vector.load %arg3[%swap3A, %swap3A_16] : memref<256x64xf32, #tpu.memory_space<vmem>>, vector<256x64xf32>
    tpu.vector_store %arg3[%swap3A, %swap3A_16], %dot_general3A_15 {strides = array<i32>} : memref<256x64xf32, #tpu.memory_space<vmem>>, vector<256x64xf32>,
    return
  }
}

module attributes {stable_mosaic.version = 14 : i64} {
  func.func @_k_x0(%arg0: i32, %arg1: memref<2000x256xf32, #tpu.memory_space<vmem>>, %arg2: memref<256x64xf32, #tpu.memory_space<vmem>>, %arg3: memref<2000x16xf32, #tpu.memory_space<vmem>>, %arg4: memref<64x16xf32, #tpu.memory_space<vmem>>, %arg5: memref<1x64xf32, #tpu.memory_space<vmem>>, %arg6: memref<2000x128xf32, #tpu.memory_space<vmem>>) attributes {dimension_semantics = [#tpu.dimension_semantics<arbitrary>], iteration_bounds = array<i64: 25>, scalar_prefetch = 0 : i64, scratch_operands = 0 : i64, tpu.core_type = #tpu.core_type<tc>, window_params = [{transform_indices = @transform_0, window_bounds = array<i64: 2000, 256>}, {pipeline_mode = #tpu.pipeline_mode<synchronous>, transform_indices = @transform_1, window_bounds = array<i64: 256, 64>}, {transform_indices = @transform_2, window_bounds = array<i64: 2000, 16>}, {pipeline_mode = #tpu.pipeline_mode<synchronous>, transform_indices = @transform_3, window_bounds = array<i64: 64, 16>}, {pipeline_mode = #tpu.pipeline_mode<synchronous>, transform_indices = @transform_4, window_bounds = array<i64: 1, 64>}, {transform_indices = @transform_5, window_bounds = array<i64: 2000, 128>}]} {
    %get3A = arith.constant 0 : index
    %get3A_0 = arith.constant 0 : index
    %get3A_1 = vector.load %arg1[%get3A, %get3A_0] : memref<2000x256xf32, #tpu.memory_space<vmem>>, vector<2000x256xf32>
    %get3A_2 = arith.constant 0 : index
    %get3A_3 = arith.constant 0 : index
    %get3A_4 = vector.load %arg2[%get3A_2, %get3A_3] : memref<256x64xf32, #tpu.memory_space<vmem>>, vector<256x64xf32>
    %dot_general3A = arith.constant dense<0.000000e+00> : vector<2000x64xf32>
    %dot_general3A_5 = tpu.matmul %get3A_1, %get3A_4, %dot_general3A {dimension_numbers = #tpu.dot_dimension_numbers<[1], [0], [0], [1], [0, 0, 1, 1], [], []>, transpose_lhs_hint = false} : vector<2000x256xf32>, vector<256x64xf32>, vector<2000x64xf32> -> vector<2000x64xf32>
    %get3A_6 = arith.constant 0 : index
    %get3A_7 = arith.constant 0 : index
    %get3A_8 = vector.load %arg3[%get3A_6, %get3A_7] : memref<2000x16xf32, #tpu.memory_space<vmem>>, vector<2000x16xf32>
    %get3A_9 = arith.constant 0 : index
    %get3A_10 = arith.constant 0 : index
    %get3A_11 = vector.load %arg4[%get3A_9, %get3A_10] : memref<64x16xf32, #tpu.memory_space<vmem>>, vector<64x16xf32>
    %dot_general3A_12 = arith.constant dense<0.000000e+00> : vector<2000x64xf32>
    %dot_general3A_13 = tpu.matmul %get3A_8, %get3A_11, %dot_general3A_12 {dimension_numbers = #tpu.dot_dimension_numbers<[1], [1], [0], [0], [0, 0, 1, 0], [], []>, transpose_lhs_hint = false} : vector<2000x16xf32>, vector<64x16xf32>, vector<2000x64xf32> -> vector<2000x64xf32>
    %add3A = arith.addf %dot_general3A_5, %dot_general3A_13 : vector<2000x64xf32>
    %get3A_14 = arith.constant 0 : index
    %get3A_15 = arith.constant 0 : index
    %get3A_16 = vector.load %arg5[%get3A_14, %get3A_15] : memref<1x64xf32, #tpu.memory_space<vmem>>, vector<1x64xf32>
    %add3A_17 = vector.broadcast %get3A_16 : vector<1x64xf32> to vector<2000x64xf32>
    %add3A_18 = arith.addf %add3A, %add3A_17 : vector<2000x64xf32>
    %broadcast_in_dim3A = arith.constant 1.000000e+00 : f32
    %broadcast_in_dim3A_19 = vector.broadcast %broadcast_in_dim3A : f32 to vector<2000x1xf32>
    %broadcast_in_dim3A_20 = arith.constant 0.000000e+00 : f32
    %broadcast_in_dim3A_21 = vector.broadcast %broadcast_in_dim3A_20 : f32 to vector<2000x63xf32>
    %concatenate3A = tpu.concatenate %add3A_18, %broadcast_in_dim3A_19, %broadcast_in_dim3A_21 in 1 : vector<2000x64xf32>, vector<2000x1xf32>, vector<2000x63xf32> -> vector<2000x128xf32>
    %swap3A = arith.constant 0 : index
    %swap3A_22 = arith.constant 0 : index
    %swap3A_23 = vector.load %arg6[%swap3A, %swap3A_22] : memref<2000x128xf32, #tpu.memory_space<vmem>>, vector<2000x128xf32>
    tpu.vector_store %arg6[%swap3A, %swap3A_22], %concatenate3A {strides = array<i32>} : memref<2000x128xf32, #tpu.memory_space<vmem>>, vector<2000x128xf32>,
    return
  }
  func.func @transform_0(%arg0: i32) -> (i32, i32) {
    %c0_i32 = arith.constant 0 : i32
    %c0_i32_0 = arith.constant 0 : i32
    return %arg0, %c0_i32 : i32, i32
  }
  func.func @transform_1(%arg0: i32) -> (i32, i32) {
    %c0_i32 = arith.constant 0 : i32
    %c0_i32_0 = arith.constant 0 : i32
    %c0_i32_1 = arith.constant 0 : i32
    return %c0_i32, %c0_i32_0 : i32, i32
  }
  func.func @transform_2(%arg0: i32) -> (i32, i32) {
    %c0_i32 = arith.constant 0 : i32
    %c0_i32_0 = arith.constant 0 : i32
    return %arg0, %c0_i32 : i32, i32
  }
  func.func @transform_3(%arg0: i32) -> (i32, i32) {
    %c0_i32 = arith.constant 0 : i32
    %c0_i32_0 = arith.constant 0 : i32
    %c0_i32_1 = arith.constant 0 : i32
    return %c0_i32, %c0_i32_0 : i32, i32
  }
  func.func @transform_4(%arg0: i32) -> (i32, i32) {
    %c0_i32 = arith.constant 0 : i32
    %c0_i32_0 = arith.constant 0 : i32
    %c0_i32_1 = arith.constant 0 : i32
    return %c0_i32, %c0_i32_0 : i32, i32
  }
  func.func @transform_5(%arg0: i32) -> (i32, i32) {
    %c0_i32 = arith.constant 0 : i32
    %c0_i32_0 = arith.constant 0 : i32
    return %arg0, %c0_i32 : i32, i32
  }
}

module attributes {stable_mosaic.version = 14 : i64} {
  func.func @body(%arg0: i32, %arg1: memref<2000x128xf32, #tpu.memory_space<vmem>>, %arg2: memref<2000x128xf32, #tpu.memory_space<vmem>>, %arg3: memref<64x64xf32, #tpu.memory_space<vmem>>, %arg4: memref<64x64xf32, #tpu.memory_space<vmem>>, %arg5: memref<1x64xf32, #tpu.memory_space<vmem>>, %arg6: memref<2000x128xf32, #tpu.memory_space<vmem>>) attributes {dimension_semantics = [#tpu.dimension_semantics<arbitrary>], iteration_bounds = array<i64: 25>, scalar_prefetch = 0 : i64, scratch_operands = 0 : i64, tpu.core_type = #tpu.core_type<tc>, window_params = [{transform_indices = @transform_0, window_bounds = array<i64: 2000, 128>}, {transform_indices = @transform_1, window_bounds = array<i64: 2000, 128>}, {pipeline_mode = #tpu.pipeline_mode<synchronous>, transform_indices = @transform_2, window_bounds = array<i64: 64, 64>}, {pipeline_mode = #tpu.pipeline_mode<synchronous>, transform_indices = @transform_3, window_bounds = array<i64: 64, 64>}, {pipeline_mode = #tpu.pipeline_mode<synchronous>, transform_indices = @transform_4, window_bounds = array<i64: 1, 64>}, {transform_indices = @transform_5, window_bounds = array<i64: 2000, 128>}]} {
    %get3A = arith.constant 0 : index
    %get3A_0 = arith.constant 0 : index
    %get3A_1 = vector.load %arg1[%get3A, %get3A_0] : memref<2000x128xf32, #tpu.memory_space<vmem>>, vector<2000x128xf32>
    %slice3A = vector.extract_strided_slice %get3A_1 {offsets = [0, 0], sizes = [2000, 64], strides = [1, 1]} : vector<2000x128xf32> to vector<2000x64xf32>
    %get3A_2 = arith.constant 0 : index
    %get3A_3 = arith.constant 0 : index
    %get3A_4 = vector.load %arg2[%get3A_2, %get3A_3] : memref<2000x128xf32, #tpu.memory_space<vmem>>, vector<2000x128xf32>
    %slice3A_5 = vector.extract_strided_slice %get3A_4 {offsets = [0, 64], sizes = [2000, 1], strides = [1, 1]} : vector<2000x128xf32> to vector<2000x1xf32>
    %max3A = arith.constant 1.000000e+00 : f32
    %max3A_6 = vector.broadcast %max3A : f32 to vector<2000x1xf32>
    %max3A_7 = arith.maximumf %slice3A_5, %max3A_6 : vector<2000x1xf32>
    %div3A = arith.constant 1.000000e+00 : f32
    %div3A_8 = vector.broadcast %div3A : f32 to vector<2000x1xf32>
    %div3A_9 = arith.divf %div3A_8, %max3A_7 : vector<2000x1xf32>
    %slice3A_10 = vector.extract_strided_slice %get3A_4 {offsets = [0, 0], sizes = [2000, 64], strides = [1, 1]} : vector<2000x128xf32> to vector<2000x64xf32>
    %mul3A = vector.broadcast %div3A_9 : vector<2000x1xf32> to vector<2000x64xf32>
    %mul3A_11 = arith.mulf %slice3A_10, %mul3A : vector<2000x64xf32>
    %get3A_12 = arith.constant 0 : index
    %get3A_13 = arith.constant 0 : index
    %get3A_14 = vector.load %arg3[%get3A_12, %get3A_13] : memref<64x64xf32, #tpu.memory_space<vmem>>, vector<64x64xf32>
    %dot_general3A = arith.constant dense<0.000000e+00> : vector<2000x64xf32>
    %dot_general3A_15 = tpu.matmul %slice3A, %get3A_14, %dot_general3A {dimension_numbers = #tpu.dot_dimension_numbers<[1], [0], [0], [1], [0, 0, 1, 1], [], []>, transpose_lhs_hint = false} : vector<2000x64xf32>, vector<64x64xf32>, vector<2000x64xf32> -> vector<2000x64xf32>
    %get3A_16 = arith.constant 0 : index
    %get3A_17 = arith.constant 0 : index
    %get3A_18 = vector.load %arg4[%get3A_16, %get3A_17] : memref<64x64xf32, #tpu.memory_space<vmem>>, vector<64x64xf32>
    %dot_general3A_19 = arith.constant dense<0.000000e+00> : vector<2000x64xf32>
    %dot_general3A_20 = tpu.matmul %mul3A_11, %get3A_18, %dot_general3A_19 {dimension_numbers = #tpu.dot_dimension_numbers<[1], [0], [0], [1], [0, 0, 1, 1], [], []>, transpose_lhs_hint = false} : vector<2000x64xf32>, vector<64x64xf32>, vector<2000x64xf32> -> vector<2000x64xf32>
    %add3A = arith.addf %dot_general3A_15, %dot_general3A_20 : vector<2000x64xf32>
    %get3A_21 = arith.constant 0 : index
    %get3A_22 = arith.constant 0 : index
    %get3A_23 = vector.load %arg5[%get3A_21, %get3A_22] : memref<1x64xf32, #tpu.memory_space<vmem>>, vector<1x64xf32>
    %add3A_24 = vector.broadcast %get3A_23 : vector<1x64xf32> to vector<2000x64xf32>
    %add3A_25 = arith.addf %add3A, %add3A_24 : vector<2000x64xf32>
    %max3A_26 = arith.constant 0.000000e+00 : f32
    %max3A_27 = vector.broadcast %max3A_26 : f32 to vector<2000x64xf32>
    %max3A_28 = arith.maximumf %add3A_25, %max3A_27 : vector<2000x64xf32>
    %broadcast_in_dim3A = arith.constant 1.000000e+00 : f32
    %broadcast_in_dim3A_29 = vector.broadcast %broadcast_in_dim3A : f32 to vector<2000x1xf32>
    %broadcast_in_dim3A_30 = arith.constant 0.000000e+00 : f32
    %broadcast_in_dim3A_31 = vector.broadcast %broadcast_in_dim3A_30 : f32 to vector<2000x63xf32>
    %concatenate3A = tpu.concatenate %max3A_28, %broadcast_in_dim3A_29, %broadcast_in_dim3A_31 in 1 : vector<2000x64xf32>, vector<2000x1xf32>, vector<2000x63xf32> -> vector<2000x128xf32>
    %swap3A = arith.constant 0 : index
    %swap3A_32 = arith.constant 0 : index
    %swap3A_33 = vector.load %arg6[%swap3A, %swap3A_32] : memref<2000x128xf32, #tpu.memory_space<vmem>>, vector<2000x128xf32>
    tpu.vector_store %arg6[%swap3A, %swap3A_32], %concatenate3A {strides = array<i32>} : memref<2000x128xf32, #tpu.memory_space<vmem>>, vector<2000x128xf32>,
    return
  }
  func.func @transform_0(%arg0: i32) -> (i32, i32) {
    %c0_i32 = arith.constant 0 : i32
    %c0_i32_0 = arith.constant 0 : i32
    return %arg0, %c0_i32 : i32, i32
  }
  func.func @transform_1(%arg0: i32) -> (i32, i32) {
    %c0_i32 = arith.constant 0 : i32
    %c0_i32_0 = arith.constant 0 : i32
    return %arg0, %c0_i32 : i32, i32
  }
  func.func @transform_2(%arg0: i32) -> (i32, i32) {
    %c0_i32 = arith.constant 0 : i32
    %c0_i32_0 = arith.constant 0 : i32
    %c0_i32_1 = arith.constant 0 : i32
    return %c0_i32, %c0_i32_0 : i32, i32
  }
  func.func @transform_3(%arg0: i32) -> (i32, i32) {
    %c0_i32 = arith.constant 0 : i32
    %c0_i32_0 = arith.constant 0 : i32
    %c0_i32_1 = arith.constant 0 : i32
    return %c0_i32, %c0_i32_0 : i32, i32
  }
  func.func @transform_4(%arg0: i32) -> (i32, i32) {
    %c0_i32 = arith.constant 0 : i32
    %c0_i32_0 = arith.constant 0 : i32
    %c0_i32_1 = arith.constant 0 : i32
    return %c0_i32, %c0_i32_0 : i32, i32
  }
  func.func @transform_5(%arg0: i32) -> (i32, i32) {
    %c0_i32 = arith.constant 0 : i32
    %c0_i32_0 = arith.constant 0 : i32
    return %arg0, %c0_i32 : i32, i32
  }
}

module attributes {stable_mosaic.version = 14 : i64} {
  func.func @body(%arg0: i32, %arg1: memref<2000x128xf32, #tpu.memory_space<vmem>>, %arg2: memref<2000x128xf32, #tpu.memory_space<vmem>>, %arg3: memref<64x64xf32, #tpu.memory_space<vmem>>, %arg4: memref<64x64xf32, #tpu.memory_space<vmem>>, %arg5: memref<1x64xf32, #tpu.memory_space<vmem>>, %arg6: memref<128x64xf32, #tpu.memory_space<vmem>>, %arg7: memref<1x128xf32, #tpu.memory_space<vmem>>, %arg8: memref<2000x128xf32, #tpu.memory_space<vmem>>) attributes {dimension_semantics = [#tpu.dimension_semantics<arbitrary>], iteration_bounds = array<i64: 25>, scalar_prefetch = 0 : i64, scratch_operands = 0 : i64, tpu.core_type = #tpu.core_type<tc>, window_params = [{transform_indices = @transform_0, window_bounds = array<i64: 2000, 128>}, {transform_indices = @transform_1, window_bounds = array<i64: 2000, 128>}, {pipeline_mode = #tpu.pipeline_mode<synchronous>, transform_indices = @transform_2, window_bounds = array<i64: 64, 64>}, {pipeline_mode = #tpu.pipeline_mode<synchronous>, transform_indices = @transform_3, window_bounds = array<i64: 64, 64>}, {pipeline_mode = #tpu.pipeline_mode<synchronous>, transform_indices = @transform_4, window_bounds = array<i64: 1, 64>}, {pipeline_mode = #tpu.pipeline_mode<synchronous>, transform_indices = @transform_5, window_bounds = array<i64: 128, 64>}, {pipeline_mode = #tpu.pipeline_mode<synchronous>, transform_indices = @transform_6, window_bounds = array<i64: 1, 128>}, {transform_indices = @transform_7, window_bounds = array<i64: 2000, 128>}]} {
    %get3A = arith.constant 0 : index
    %get3A_0 = arith.constant 0 : index
    %get3A_1 = vector.load %arg1[%get3A, %get3A_0] : memref<2000x128xf32, #tpu.memory_space<vmem>>, vector<2000x128xf32>
    %slice3A = vector.extract_strided_slice %get3A_1 {offsets = [0, 0], sizes = [2000, 64], strides = [1, 1]} : vector<2000x128xf32> to vector<2000x64xf32>
    %get3A_2 = arith.constant 0 : index
    %get3A_3 = arith.constant 0 : index
    %get3A_4 = vector.load %arg2[%get3A_2, %get3A_3] : memref<2000x128xf32, #tpu.memory_space<vmem>>, vector<2000x128xf32>
    %slice3A_5 = vector.extract_strided_slice %get3A_4 {offsets = [0, 64], sizes = [2000, 1], strides = [1, 1]} : vector<2000x128xf32> to vector<2000x1xf32>
    %max3A = arith.constant 1.000000e+00 : f32
    %max3A_6 = vector.broadcast %max3A : f32 to vector<2000x1xf32>
    %max3A_7 = arith.maximumf %slice3A_5, %max3A_6 : vector<2000x1xf32>
    %div3A = arith.constant 1.000000e+00 : f32
    %div3A_8 = vector.broadcast %div3A : f32 to vector<2000x1xf32>
    %div3A_9 = arith.divf %div3A_8, %max3A_7 : vector<2000x1xf32>
    %slice3A_10 = vector.extract_strided_slice %get3A_4 {offsets = [0, 0], sizes = [2000, 64], strides = [1, 1]} : vector<2000x128xf32> to vector<2000x64xf32>
    %mul3A = vector.broadcast %div3A_9 : vector<2000x1xf32> to vector<2000x64xf32>
    %mul3A_11 = arith.mulf %slice3A_10, %mul3A : vector<2000x64xf32>
    %get3A_12 = arith.constant 0 : index
    %get3A_13 = arith.constant 0 : index
    %get3A_14 = vector.load %arg3[%get3A_12, %get3A_13] : memref<64x64xf32, #tpu.memory_space<vmem>>, vector<64x64xf32>
    %dot_general3A = arith.constant dense<0.000000e+00> : vector<2000x64xf32>
    %dot_general3A_15 = tpu.matmul %slice3A, %get3A_14, %dot_general3A {dimension_numbers = #tpu.dot_dimension_numbers<[1], [0], [0], [1], [0, 0, 1, 1], [], []>, transpose_lhs_hint = false} : vector<2000x64xf32>, vector<64x64xf32>, vector<2000x64xf32> -> vector<2000x64xf32>
    %get3A_16 = arith.constant 0 : index
    %get3A_17 = arith.constant 0 : index
    %get3A_18 = vector.load %arg4[%get3A_16, %get3A_17] : memref<64x64xf32, #tpu.memory_space<vmem>>, vector<64x64xf32>
    %dot_general3A_19 = arith.constant dense<0.000000e+00> : vector<2000x64xf32>
    %dot_general3A_20 = tpu.matmul %mul3A_11, %get3A_18, %dot_general3A_19 {dimension_numbers = #tpu.dot_dimension_numbers<[1], [0], [0], [1], [0, 0, 1, 1], [], []>, transpose_lhs_hint = false} : vector<2000x64xf32>, vector<64x64xf32>, vector<2000x64xf32> -> vector<2000x64xf32>
    %add3A = arith.addf %dot_general3A_15, %dot_general3A_20 : vector<2000x64xf32>
    %get3A_21 = arith.constant 0 : index
    %get3A_22 = arith.constant 0 : index
    %get3A_23 = vector.load %arg5[%get3A_21, %get3A_22] : memref<1x64xf32, #tpu.memory_space<vmem>>, vector<1x64xf32>
    %add3A_24 = vector.broadcast %get3A_23 : vector<1x64xf32> to vector<2000x64xf32>
    %add3A_25 = arith.addf %add3A, %add3A_24 : vector<2000x64xf32>
    %max3A_26 = arith.constant 0.000000e+00 : f32
    %max3A_27 = vector.broadcast %max3A_26 : f32 to vector<2000x64xf32>
    %max3A_28 = arith.maximumf %add3A_25, %max3A_27 : vector<2000x64xf32>
    %get3A_29 = arith.constant 0 : index
    %get3A_30 = arith.constant 0 : index
    %get3A_31 = vector.load %arg6[%get3A_29, %get3A_30] : memref<128x64xf32, #tpu.memory_space<vmem>>, vector<128x64xf32>
    %dot_general3A_32 = arith.constant dense<0.000000e+00> : vector<2000x128xf32>
    %dot_general3A_33 = tpu.matmul %max3A_28, %get3A_31, %dot_general3A_32 {dimension_numbers = #tpu.dot_dimension_numbers<[1], [1], [0], [0], [0, 0, 1, 0], [], []>, transpose_lhs_hint = false} : vector<2000x64xf32>, vector<128x64xf32>, vector<2000x128xf32> -> vector<2000x128xf32>
    %get3A_34 = arith.constant 0 : index
    %get3A_35 = arith.constant 0 : index
    %get3A_36 = vector.load %arg7[%get3A_34, %get3A_35] : memref<1x128xf32, #tpu.memory_space<vmem>>, vector<1x128xf32>
    %add3A_37 = vector.broadcast %get3A_36 : vector<1x128xf32> to vector<2000x128xf32>
    %add3A_38 = arith.addf %dot_general3A_33, %add3A_37 : vector<2000x128xf32>
    %swap3A = arith.constant 0 : index
    %swap3A_39 = arith.constant 0 : index
    %swap3A_40 = vector.load %arg8[%swap3A, %swap3A_39] : memref<2000x128xf32, #tpu.memory_space<vmem>>, vector<2000x128xf32>
    tpu.vector_store %arg8[%swap3A, %swap3A_39], %add3A_38 {strides = array<i32>} : memref<2000x128xf32, #tpu.memory_space<vmem>>, vector<2000x128xf32>,
    return
  }
  func.func @transform_0(%arg0: i32) -> (i32, i32) {
    %c0_i32 = arith.constant 0 : i32
    %c0_i32_0 = arith.constant 0 : i32
    return %arg0, %c0_i32 : i32, i32
  }
  func.func @transform_1(%arg0: i32) -> (i32, i32) {
    %c0_i32 = arith.constant 0 : i32
    %c0_i32_0 = arith.constant 0 : i32
    return %arg0, %c0_i32 : i32, i32
  }
  func.func @transform_2(%arg0: i32) -> (i32, i32) {
    %c0_i32 = arith.constant 0 : i32
    %c0_i32_0 = arith.constant 0 : i32
    %c0_i32_1 = arith.constant 0 : i32
    return %c0_i32, %c0_i32_0 : i32, i32
  }
  func.func @transform_3(%arg0: i32) -> (i32, i32) {
    %c0_i32 = arith.constant 0 : i32
    %c0_i32_0 = arith.constant 0 : i32
    %c0_i32_1 = arith.constant 0 : i32
    return %c0_i32, %c0_i32_0 : i32, i32
  }
  func.func @transform_4(%arg0: i32) -> (i32, i32) {
    %c0_i32 = arith.constant 0 : i32
    %c0_i32_0 = arith.constant 0 : i32
    %c0_i32_1 = arith.constant 0 : i32
    return %c0_i32, %c0_i32_0 : i32, i32
  }
  func.func @transform_5(%arg0: i32) -> (i32, i32) {
    %c0_i32 = arith.constant 0 : i32
    %c0_i32_0 = arith.constant 0 : i32
    %c0_i32_1 = arith.constant 0 : i32
    return %c0_i32, %c0_i32_0 : i32, i32
  }
  func.func @transform_6(%arg0: i32) -> (i32, i32) {
    %c0_i32 = arith.constant 0 : i32
    %c0_i32_0 = arith.constant 0 : i32
    %c0_i32_1 = arith.constant 0 : i32
    return %c0_i32, %c0_i32_0 : i32, i32
  }
  func.func @transform_7(%arg0: i32) -> (i32, i32) {
    %c0_i32 = arith.constant 0 : i32
    %c0_i32_0 = arith.constant 0 : i32
    return %arg0, %c0_i32 : i32, i32
  }
}

</mosaic_0001>

<sc_bundles>
// kernel: kernel.11.cloned.1.call-start
scs
__scs_entry_jumppad:
0x0: {  	(pc) =	sbr.rel $0x88, $3  }
0x1: {  	(tag) =	ssettag $0x0;
	lr =	simm.s32 $0x1  }
0x2: {  	[smem:$0x3F8F] =	sst lr;
	_ =	strace $0xD0000000  }
0x3: {  	_ = 	snop  }
0x4: {  	_ = 	snop  }
0x5: {  	_ = 	snop  }
0x6: {  	_ = 	snop  }
0x7: {  	_ = 	snop  }
__scs_overlays_trampoline_lowered:
0x8: {  	[smem:$0x3F9E] =	sst s0  }
0x9: {  	[smem:$0x3F9F] =	sst s1  }
0xa: {  	[smem:$0x3FA0] =	sst s2  }
0xb: {  	[smem:$0x3FA1] =	sst s3  }
0xc: {  	[smem:$0x3FA2] =	sst s4  }
0xd: {  	[smem:$0x3FA3] =	sst s5  }
0xe: {  	[smem:$0x3FA4] =	sst s6  }
0xf: {  	[smem:$0x3FA5] =	sst s7  }
0x10: {  	[smem:$0x3FA6] =	sst s8  }
0x11: {  	[smem:$0x3FA7] =	sst s9;
	s0 =	simm.s32 @!p0 $0x0  }
0x12: {  	s1 =	sld [smem:$0x3F8D];
	s0 =	simm.s32 @p0 $0x1  }
0x13: {  	[smem:$0x3FA8] =	sst s0;
	s0 =	simm.s32 @!p1 $0x0  }
0x14: {  	s2 =	sld [smem:$0x3F8C];
	s0 =	simm.s32 @p1 $0x1  }
0x15: {  	[smem:$0x3FA9] =	sst s0;
	s0 =	simm.s32 @!p2 $0x0  }
0x16: {  	s3 =	sld [smem:$0x3FDB];
	s0 =	simm.s32 @p2 $0x1  }
0x17: {  	s4 =	simm.s32 $0x1BF5;
	[smem:$0x3FAB] =	sst s0  }
0x18: {  	s0 =	sld [smem:$0x3F8E];
	_ =	swait.ge [sflag:s4], $0x0  }
0x19: {  	s7 =	sld [smem:$0x3F8F]  }
0x1a: {  	s8 =	sadd.s32 $0xFFFFE003, lr  }
0x1b: {  	s9 =	sadd.s32 $0xFFFFFEF7, lr;
	s5 =	simm.s32 $0xFFFFFFFF;
	p2 =	slt.u32 s8, $0xFFFFF086  }
0x1c: {  	p1 =	slt.u32 s9, $0xF7A;
	s5 =	simm.s32 @!p2 $0x0  }
0x1d: {  	s5 =	simm.s32 @p1 $0x1;
	p0 =	seq.s32 s7, s2  }
0x1e: {  	s7 =	smul.u32 @!p0 $0xF7A, s2;
	p2 =	seq.s32 @!p0 s5, $0x0  }
0x1f: {  	s9 =	smul.u32 $0xF7A, s1;
	s8 =	simm.s32 @!p0 $0x1BF5;
	p2 =	por !p2, p0  }
0x20: {  	[sflag:s8] =	ssyncset.s32 @!p0 $0xFFFFF086;
	s6 =	sadd.s32 @!p0 s3, s7;
	s7 =	simm.s32 @!p0 $0x108  }
0x21: {  	s3 =	sadd.s32 s3, s9;
	s6 =	sadd.s32 @!p0 $0x88, s6;
	s7 =	simm.s32 @p2 $0x1082  }
0x22: {  	[simem:s7], [sflag:s8] =	dma.local @!p0 [hbm:s6], $0xF7A  }
0x23: {  	s9 =	sor.u32 $0xD0000000, s2;
	s6 =	simm.s32 $0x108;
	_ =	swait.ge @!p0 [sflag:s8], $0x0  }
0x24: {  	s3 =	sadd.s32 $0x88, s3;
	s6 =	simm.s32 @!p1 $0x1082;
	[sflag:s4] =	ssyncset.s32 $0xFFFFF086  }
0x25: {  	[simem:s6], [sflag:s4] =	dma.local [hbm:s3], $0xF7A  }
0x26: {  	[smem:$0x3F8F] =	sst s1;
	(tag) =	ssettag s2;
	_ =	strace s9  }
0x27: {  	s1 =	sld [smem:$0x3F9F]  }
0x28: {  	s2 =	sld [smem:$0x3FA0]  }
0x29: {  	s4 =	sld [smem:$0x3FA2]  }
0x2a: {  	p0 =	seq.s32 s5, $0x0;
	s5 =	sld [smem:$0x3FA3]  }
0x2b: {  	s6 =	sld [smem:$0x3FA4]  }
0x2c: {  	s7 =	sld [smem:$0x3FA5]  }
0x2d: {  	s3 =	simm.s32 $0x108;
	s8 =	sld [smem:$0x3FA6]  }
0x2e: {  	s3 =	simm.s32 @!p0 $0x1082;
	s9 =	sld [smem:$0x3FA7]  }
0x2f: {  	lr =	sadd.s32 s0, s3;
	s0 =	sld [smem:$0x3F9E]  }
0x30: {  	s3 =	sld [smem:$0x3FA1]  }
0x31: {  	[smem:$0x3FAA] =	sst s10  }
0x32: {  	s10 =	sld [smem:$0x3FA8];
	_ =	sdelay $0x3  }
0x33: {  	p0 =	seq.s32 s10, $0x1;
	s10 =	sld [smem:$0x3FAA];
	_ =	sdelay $0x3  }
0x34: {  	[smem:$0x3FAA] =	sst s10  }
0x35: {  	s10 =	sld [smem:$0x3FA9];
	_ =	sdelay $0x3  }
0x36: {  	p1 =	seq.s32 s10, $0x1;
	s10 =	sld [smem:$0x3FAA];
	_ =	sdelay $0x3  }
0x37: {  	[smem:$0x3FAA] =	sst s10  }
0x38: {  	s10 =	sld [smem:$0x3FAB]  }
0x39: {  	_ = 	snop;
	(pc) =	sbr.ind lr, $3  }
0x3a: {  	_ = 	snop  }
0x3b: {  	_ = 	snop  }
0x3c: {  	p2 =	seq.s32 s10, $0x1;
	s10 =	sld [smem:$0x3FAA]  }
0x3d: {  	_ =	shalt  }
0x3e: {  	_ =	shalt  }
0x3f: {  	_ =	shalt  }
0x40: {  	_ =	shalt  }
0x41: {  	_ =	shalt  }
0x42: {  	_ =	shalt  }
0x43: {  	_ =	shalt  }
0x44: {  	_ =	shalt  }
0x45: {  	_ =	shalt  }
0x46: {  	_ =	shalt  }
0x47: {  	_ =	shalt  }
0x48: {  	_ =	shalt  }
0x49: {  	_ =	shalt  }
0x4a: {  	_ =	shalt  }
0x4b: {  	_ =	shalt  }
0x4c: {  	_ =	shalt  }
0x4d: {  	_ =	shalt  }
0x4e: {  	_ =	shalt  }
0x4f: {  	_ =	shalt  }
0x50: {  	_ =	shalt  }
0x51: {  	_ =	shalt  }
0x52: {  	_ =	shalt  }
0x53: {  	_ =	shalt  }
0x54: {  	_ =	shalt  }
0x55: {  	_ =	shalt  }
0x56: {  	_ =	shalt  }
0x57: {  	_ =	shalt  }
0x58: {  	_ =	shalt  }
0x59: {  	_ =	shalt  }
0x5a: {  	_ =	shalt  }
0x5b: {  	_ =	shalt  }
0x5c: {  	_ =	shalt  }
0x5d: {  	_ =	shalt  }
0x5e: {  	_ =	shalt  }
0x5f: {  	_ =	shalt  }
0x60: {  	_ =	shalt  }
0x61: {  	_ =	shalt  }
0x62: {  	_ =	shalt  }
0x63: {  	_ =	shalt  }
0x64: {  	_ =	shalt  }
0x65: {  	_ =	shalt  }
0x66: {  	_ =	shalt  }
0x67: {  	_ =	shalt  }
0x68: {  	_ =	shalt  }
0x69: {  	_ =	shalt  }
0x6a: {  	_ =	shalt  }
0x6b: {  	_ =	shalt  }
0x6c: {  	_ =	shalt  }
0x6d: {  	_ =	shalt  }
0x6e: {  	_ =	shalt  }
0x6f: {  	_ =	shalt  }
0x70: {  	_ =	shalt  }
0x71: {  	_ =	shalt  }
0x72: {  	_ =	shalt  }
0x73: {  	_ =	shalt  }
0x74: {  	_ =	shalt  }
0x75: {  	_ =	shalt  }
0x76: {  	_ =	shalt  }
0x77: {  	_ =	shalt  }
0x78: {  	_ =	shalt  }
0x79: {  	_ =	shalt  }
0x7a: {  	_ =	shalt  }
0x7b: {  	_ =	shalt  }
0x7c: {  	_ =	shalt  }
0x7d: {  	_ =	shalt  }
0x7e: {  	_ =	shalt  }
0x7f: {  	_ =	shalt  }
0x80: {  	_ =	shalt  }
0x81: {  	_ =	shalt  }
0x82: {  	_ =	shalt  }
0x83: {  	_ =	shalt  }
0x84: {  	_ =	shalt  }
0x85: {  	_ =	shalt  }
0x86: {  	_ =	shalt  }
0x87: {  	_ =	shalt  }
.Lfunc_end0:
.L_simem_size_0:
called_computation_lowered:
.L_overlay_start_0:
0x88: {  	s2 =	sld [smem:$0x3FD9]  }
0x89: {  	s3 =	sld [smem:$0x3FFE];
	_ =	sdelay $0x1  }
0x8a: {  	s1 =	srdreg.scid  }
0x8b: {  	s0 =	sand.u32 $0x1, s1  }
0x8c: {  	s16 =	sshll.u32 s0, $0xA;
	s2 =	sadd.s32 s3, s2  }
0x8d: {  	s2 =	sadd.s32 s2, s16  }
0x8e: {  	[smem:$0x3FB6] =	sst s2  }
0x8f: {  	_ = 	snop  }
0x90: {  	(tm) =	ssettm $0x1  }
0x91: {  	s17 =	sld [smem:$0x3FFB];
	_ =	sdelay $0x3  }
0x92: {  	_ =	strace s17  }
0x93: {  	s2 =	sld [smem:$0x3FFC];
	_ =	sdelay $0x3  }
0x94: {  	_ =	strace s2  }
0x95: {  	s2 =	sld [smem:$0x3FFD];
	_ =	sdelay $0x3  }
0x96: {  	_ =	strace s2  }
0x97: {  	_ =	strace $0x8FFFFFFF  }
0x98: {  	s18 =	sld [smem:$0x3FDB];
	_ =	sdelay $0x1  }
0x99: {  	s19 =	simm.s32 $_scs_section_size  }
0x9a: {  	s4 =	simm.s32 $_size__tile_overlayer_lowered;
	s5 =	simm.s32 $_tile_overlayer_lowered  }
0x9b: {  	s22 =	simm.s32 $0x1BFF;
	s21 =	sshll.u32 s5, $0x1;
	s2 =	sadd.s32 s19, s18  }
0x9c: {  	s6 =	simm.s32 $0x0;
	s20 =	sshll.u32 s4, $0x1;
	s4 =	sadd.s32 s21, s2  }
0x9d: {  	[timem:s6], [sflag:s22] =	dma.local [hbm:s4], s20  }
0x9e: {  	_ =	swait.ge [sflag:s22], s20  }
0x9f: {  	s3 =	ssub.s32 $0x0, s20;
	[sflag:s22] =	ssyncset.done $0x0  }
0xa0: {  	[sflag:s22] =	ssyncadd.s32 s3;
	_ =	sdelay $0x1  }
0xa1: {  	s23 =	simm.s32 $0x1B8B  }
0xa2: {  	_ =	swait.ge [sflag:s23], $0x1  }
0xa3: {  	[sflag:s23] =	ssyncset.done $0x0  }
0xa4: {  	s25 =	simm.s32 $0x1B8E;
	s24 =	sld [smem:$0x3FFE];
	[sflag:s23] =	ssyncadd.s32 $0xFFFFFFFF  }
0xa5: {  	s26 =	simm.s32 $execute0_lowered;
	[smem:$0x3FD2] =	sst s25  }
0xa6: {  	s4 =	sshll.u32 s26, $0x1;
	_ =	strace $0x80000046;
	[dreg:$0x1] =	wrdreg $0xFFFFFFFF  }
0xa7: {  	s28 =	simm.s32 $_size_execute0_lowered;
	s2 =	sadd.s32 s2, s4;
	[dreg:$0x0] =	wrdreg $0x0  }
0xa8: {  	s4 =	sshll.u32 s28, $0x1;
	[dreg:$0x2] =	wrdreg s2  }
0xa9: {  	[dreg:$0x3] =	wrdreg s4  }
0xaa: {  	[dreg:$0x4] =	wrdreg $0xC0  }
0xab: {  	_ =	task [dreg:s6], $0x5FFFF  }
0xac: {  	[dreg:$0x1] =	wrdreg $0xFFFFFFFF  }
0xad: {  	[dreg:$0x0] =	wrdreg $0x60  }
0xae: {  	[dreg:$0x2] =	wrdreg s24  }
0xaf: {  	[dreg:$0x3] =	wrdreg $0x0  }
0xb0: {  	[dreg:$0x4] =	wrdreg $0x9  }
0xb1: {  	_ =	task.clear_ibuf [dreg:s6], $0x5FFFF;
	_ =	strace $0x90000046  }
0xb2: {  	s29 =	simm.s32 $0x9;
	_ =	strace $0x80000048  }
0xb3: {  	_ =	swait.ge [sflag:s29], $0x1  }
0xb4: {  	[sflag:s29] =	ssyncadd.s32 $0xFFFFFFFF  }
0xb5: {  	_ =	strace $0x90000048  }
0xb6: {  	_ =	sfence  }
0xb7: {  	s30 =	sld [smem:$0x0];
	_ =	sdelay $0x2  }
0xb8: {  	s31 =	sshll.u32 s1, $0xD;
	s1 =	sshrl.u32 s1, $0x2  }
0xb9: {  	s3 =	sand.u32 $0x4000, s31;
	s1 =	sadd.s32 s1, s30  }
0xba: {  	s0 =	sor.u32 s3, s0;
	s1 =	sshll.u32 s1, $0x11  }
0xbb: {  	s0 =	sor.u32 s1, s0  }
0xbc: {  	s0 =	sadd.s32 $0x8F2B, s0  }
0xbd: {  	[sflag:s0] =	ssyncadd.remote.s32 $0x1  }
0xbe: {  	_ =	sfence.sel $0xFFFF  }
0xbf: {  	[dreg:$0x0] =	wrdreg $0xFFFFFFFF;
	(pc) =	sbr.abs _section_cstart, $3  }
0xc0: {  	[dreg:$0x1] =	wrdreg $0xFFFFFFFF  }
0xc1: {  	_ =	task.clear_ibuf [dreg:s6], $0x2FFFF;
	_ =	strace $0x9FFFFFFF  }
0xc2: {  	(tm) =	ssettm $0x7FFFFFFF  }
0xc3: {  	_ =	shalt  }
tec
execute0_lowered:
.L_overlay_start_1:
0x0: {  	(tag) =	ssettag $0x1  }
0x1: {  	s6 =	rddreg [dreg:$0x0]  }
0x2: {  	s2 =	rddreg [dreg:$0x1]  }
0x3: {  	s0 =	rddreg [dreg:$0x2];
	s3 =	simm.s32 $0x0  }
0x4: {  	s1 =	stileid.u32;
	s7 =	srdreg.scid;
	s16 =	simm.s32 $0x40  }
0x5: {  	s17 =	simm.s32 $0x18900;
	s19 =	simm.s32 $0x1A900;
	s20 =	simm.s32 $0x1  }
0x6: {  	[smem:$0x7FF] =	sst s3;
	s5 =	smul.u32 $0x1880, s1;
	s4 =	sadd.s32 $0x33C00, s6  }
0x7: {  	s7 =	sand.u32 $0x1, s7;
	s8 =	sadd.s32 $0xFA400, s6;
	s9 =	smul.u32 $0x18800, s1  }
0x8: {  	s30 =	sshll.u32 s1, $0x6;
	_ =	strace $0x80000047;
	s12 =	smul.u32 $0x310000, s7  }
0x9: {  	s29 =	ssub.s32 $0x2, s7;
	s13 =	sshllo.u32 s7, $0x1;
	s18 =	smul.u32 $0x61C0, s7  }
0xa: {  	s11 =	sadd.s32 s5, s6;
	s5 =	sadd.s32 $0xF7200, s6;
	s10 =	sshrl.u32 s29, $0x1  }
0xb: {  	s14 =	smul.u32 $0x188000, s13;
	s15 =	sadd.s32 s9, s2;
	s6 =	sor.u32 $0x1C03, s30  }
0xc: {  	s21 =	smul.u32 $0x30E0, s13;
	s13 =	simm.s32 $0x3;
	s10 =	ssub.s32 s29, s10  }
0xd: {  	s31 =	sadd.s32 s9, s12;
	s22 =	sadd.s32 $0x30E0, s18;
	s12 =	sshrl.u32 s15, $0x3  }
0xe: {  	s15 =	simm.s32 $0x18880;
	v0 =	vmov s18;
	s18 =	simm.s32 $0x18840;
	s9 =	sadd.s32 s9, s14  }
0xf: {  	s7 =	sshrl.u32 s31, $0x3;
	s23 =	sadd.s32 $0x30E0, s21;
	s14 =	simm.s32 $0x18800  }
0x10: {  	v1 =	vmov s22;
	v2 =	vmov s21;
	s21 =	simm.s32 $0x2;
	s22 =	simm.s32 $0x188C0;
	s9 =	sshrl.u32 s9, $0x3  }
0x11: {  	s7 =	sadd.s32 s8, s7;
	v3 =	vmov s23;
	s23 =	simm.s32 $0x0;
	s8 =	sadd.s32 s8, s9  }
0x12: {  	s9 =	smax.u32 s10, $0x1;
	s10 =	sadd.s32 $0x2C00, s11;
	s11 =	sadd.s32 $0x1B400, s11  }
.LBB2_1:
0x13: {  	[spmem:s12], [sflag:s6] =	dma.local [hbm:s5], $0x3100  }
0x14: {  	_ =	swait.ge [sflag:s13], $0x3100  }
0x15: {  	[sflag:s13] =	ssyncset.done $0x0  }
0x16: {  	[sflag:s13] =	ssyncadd.s32 $0xFFFFCF00  }
0x17: {  	s24 =	sadd.s32 $0x0, s11;
	[bflag:$0x0] =	sbarrier.arrive $0xFFFF  }
0x18: {  	[tilespmem:s14], [sflag:$0x3] =	stream.linear.gather [hbm4b:s24+s3], $0x80, $0x38;
	[tilespmem:$0x1C900] =	vst v63  }
0x19: {  	_ =	swait.ge [sflag:s13], $0x80  }
0x1a: {  	[sflag:s13] =	ssyncset.done $0x0  }
0x1b: {  	s31 =	sadd.s32 $0x0, s10;
	[sflag:s13] =	ssyncadd.s32 $0xFFFFFF80  }
0x1c: {  	[tilespmem:s15], [sflag:$0x3] =	stream.linear.gather [hbm4b:s31+s3], $0x80, $0x38;
	[tilespmem:$0x1C900] =	vst v63  }
0x1d: {  	_ =	swait.ge [sflag:s13], $0x80  }
0x1e: {  	[sflag:s13] =	ssyncset.done $0x0  }
0x1f: {  	[sflag:s13] =	ssyncadd.s32 $0xFFFFFF80  }
0x20: {  	v4 =	vld [tilespmem:$0x188C0]  }
0x21: {  	v6 =	vld [tilespmem:$0x188D0]  }
0x22: {  	v8 =	vld [tilespmem:$0x18890];
	_ =	sdelay $0x2  }
0x23: {  	vm1 =	vlt.s32 v4, v1;
	v7 =	vsub.s32 v4, v0;
	v5 =	vand.u32 $0x1F, v4  }
0x24: {  	vm2 =	vge.s32 v4, v0;
	vm0 =	vge.s32 v6, v0;
	v11 =	vand.u32 $0x1F, v6  }
0x25: {  	vm3 =	vge.s32 v8, v0;
	vm4 =	vlt.s32 v8, v1;
	v9 =	vor.u32 $0x30E0, v5;
	v5 =	vld [tilespmem:$0x18880]  }
0x26: {  	s24 =	simm.s32 $0x10;
	v10 =	vsub.s32 v8, v0;
	v4 =	vld [tilespmem:$0x188E0];
	vm1 =	vmand vm2, vm1;
	vm2 =	vlt.s32 v6, v1  }
.LBB2_2:
0x27: {  	p0 =	sne.s32 s24, $0x1870;
	vm3 =	vmand vm3, vm4;
	v8 =	vand.u32 $0x1F, v8;
	v6 =	vsub.s32 v6, v0;
	s25 =	smov.u32 s24;
	s24 =	sadd.s32 $0x10, s24  }
0x28: {  	v7 =	vsel vm1, v7, v9;
	vm0 =	vmand vm0, vm2;
	v9 =	vor.u32 $0x30E0, v11;
	v12 =	vld [tilespmem:$0x188A0]  }
0x29: {  	v8 =	vor.u32 $0x30E0, v8;
	v6 =	vsel vm0, v6, v9;
	[tilespmem:$0x188C0] =	vst v7  }
0x2a: {  	v8 =	vsel vm3, v10, v8;
	vm0 =	vge.s32 v5, v0;
	v7 =	vsub.s32 v5, v0;
	v9 =	vld [tilespmem:$0x188B0];
	[tilespmem:$0x188D0] =	vst v6  }
0x2b: {  	vm1 =	vlt.s32 v5, v1;
	v5 =	vand.u32 $0x1F, v5;
	[tilespmem:$0x18890] =	vst v8;
	v6 =	vand.u32 $0x1F, v4  }
0x2c: {  	vm0 =	vmand vm0, vm1;
	v5 =	vor.u32 $0x30E0, v5;
	v6 =	vor.u32 $0x30E0, v6;
	v8 =	vld [tilespmem:$0x188F0]  }
0x2d: {  	vm1 =	vge.s32 v4, v0;
	v11 =	vsub.s32 v4, v0;
	v10 =	vsub.s32 v12, v0  }
0x2e: {  	v5 =	vsel vm0, v7, v5;
	vm0 =	vlt.s32 v4, v1;
	v7 =	vand.u32 $0x1F, v12  }
0x2f: {  	vm2 =	vge.s32 v12, v0;
	vm3 =	vlt.s32 v12, v1;
	[tilespmem:$0x18880] =	vst v5;
	v4 =	vsub.s32 v9, v0  }
0x30: {  	vm0 =	vmand vm1, vm0;
	vm2 =	vmand vm2, vm3;
	v5 =	vor.u32 $0x30E0, v7  }
0x31: {  	vm1 =	vge.s32 v9, v0;
	v5 =	vsel vm2, v10, v5;
	vm2 =	vlt.s32 v9, v1  }
0x32: {  	vm1 =	vmand vm1, vm2;
	v7 =	vand.u32 $0x1F, v8;
	[tilespmem:$0x188A0] =	vst v5;
	v5 =	vand.u32 $0x1F, v9  }
0x33: {  	v6 =	vsel vm0, v11, v6;
	vm0 =	vge.s32 v8, v0;
	v5 =	vor.u32 $0x30E0, v5  }
0x34: {  	v4 =	vsel vm1, v4, v5;
	[tilespmem:$0x188E0] =	vst v6;
	vm1 =	vlt.s32 v8, v1;
	v5 =	vor.u32 $0x30E0, v7  }
0x35: {  	[tilespmem:$0x188B0] =	vst v4;
	vm0 =	vmand vm0, vm1;
	v4 =	vsub.s32 v8, v0  }
0x36: {  	v4 =	vsel vm0, v4, v5  }
0x37: {  	[tilespmem:$0x188F0] =	vst v4  }
0x38: {  	[tilespmem:s17], [sflag:$0x1] =	stream.indirect.gather [hbm4b:s4+s16], $0x80, s14, s16, $0xb8;
	[tilespmem:$0x1C900] =	vst v63  }
0x39: {  	_ = 	snop  }
0x3a: {  	[tilespmem:s19], [sflag:$0x2] =	stream.indirect.gather [hbm4b:s4+s16], $0x80, s18, s16, $0xb8;
	[tilespmem:$0x1C900] =	vst v63  }
0x3b: {  	_ =	swait.ge [sflag:s20], $0x2000  }
0x3c: {  	[sflag:s20] =	ssyncset.done $0x0  }
0x3d: {  	[sflag:s20] =	ssyncadd.s32 $0xFFFFE000  }
0x3e: {  	[spmem:s2] =	stream.indirect.scatter.add.f32 [tilespmem:s17], [sflag:$0x3], $0x80, s15, s16, $0xb8;
	[tilespmem:$0x1C900] =	vst v63  }
0x3f: {  	_ =	swait.ge [sflag:s13], $0x2000  }
0x40: {  	[sflag:s13] =	ssyncset.done $0x0  }
0x41: {  	[sflag:s13] =	ssyncadd.s32 $0xFFFFE000  }
0x42: {  	_ =	swait.ge [sflag:s21], $0x2000  }
0x43: {  	[sflag:s21] =	ssyncset.done $0x0  }
0x44: {  	[sflag:s21] =	ssyncadd.s32 $0xFFFFE000  }
0x45: {  	[spmem:s2] =	stream.indirect.scatter.add.f32 [tilespmem:s19], [sflag:$0x3], $0x80, s22, s16, $0xb8;
	[tilespmem:$0x1C900] =	vst v63  }
0x46: {  	_ =	swait.ge [sflag:s13], $0x2000  }
0x47: {  	[sflag:s13] =	ssyncset.done $0x0  }
0x48: {  	s26 =	sadd.s32 s25, s11;
	[sflag:s13] =	ssyncadd.s32 $0xFFFFE000  }
0x49: {  	[tilespmem:s14], [sflag:$0x3] =	stream.linear.gather [hbm4b:s26+s3], $0x80, $0x38;
	[tilespmem:$0x1C900] =	vst v63  }
0x4a: {  	_ =	swait.ge [sflag:s13], $0x80  }
0x4b: {  	[sflag:s13] =	ssyncset.done $0x0  }
0x4c: {  	s25 =	sadd.s32 s25, s10;
	[sflag:s13] =	ssyncadd.s32 $0xFFFFFF80  }
0x4d: {  	[tilespmem:s15], [sflag:$0x3] =	stream.linear.gather [hbm4b:s25+s3], $0x80, $0x38;
	[tilespmem:$0x1C900] =	vst v63  }
0x4e: {  	_ =	swait.ge [sflag:s13], $0x80  }
0x4f: {  	[sflag:s13] =	ssyncset.done $0x0  }
0x50: {  	[sflag:s13] =	ssyncadd.s32 $0xFFFFFF80  }
0x51: {  	v4 =	vld [tilespmem:$0x188C0]  }
0x52: {  	v6 =	vld [tilespmem:$0x188D0];
	_ =	sdelay $0x1  }
0x53: {  	v8 =	vld [tilespmem:$0x18890]  }
.Ltmp0:
0x54: {  	(pc) =	sbr.rel @p0 .LBB2_2-.Ltmp0, $4  }
0x55: {  	vm1 =	vlt.s32 v4, v1;
	v7 =	vsub.s32 v4, v0;
	v5 =	vand.u32 $0x1F, v4  }
0x56: {  	vm2 =	vge.s32 v4, v0;
	v9 =	vor.u32 $0x30E0, v5;
	vm0 =	vge.s32 v6, v0  }
0x57: {  	vm1 =	vmand vm2, vm1;
	vm2 =	vlt.s32 v6, v1;
	v11 =	vand.u32 $0x1F, v6;
	v5 =	vld [tilespmem:$0x18880]  }
0x58: {  	vm3 =	vge.s32 v8, v0;
	vm4 =	vlt.s32 v8, v1;
	v10 =	vsub.s32 v8, v0;
	v4 =	vld [tilespmem:$0x188E0]  }
0x59: {  	v8 =	vand.u32 $0x1F, v8;
	v6 =	vsub.s32 v6, v0  }
0x5a: {  	v12 =	vld [tilespmem:$0x188A0];
	v7 =	vsel vm1, v7, v9;
	vm0 =	vmand vm0, vm2;
	v9 =	vor.u32 $0x30E0, v11  }
0x5b: {  	vm3 =	vmand vm3, vm4;
	v8 =	vor.u32 $0x30E0, v8;
	v6 =	vsel vm0, v6, v9  }
0x5c: {  	v8 =	vsel vm3, v10, v8;
	vm0 =	vge.s32 v5, v0;
	v9 =	vsub.s32 v5, v0  }
0x5d: {  	v10 =	vld [tilespmem:$0x188B0];
	vm1 =	vlt.s32 v5, v1;
	v5 =	vand.u32 $0x1F, v5;
	v11 =	vand.u32 $0x1F, v4  }
0x5e: {  	vm0 =	vmand vm0, vm1;
	v5 =	vor.u32 $0x30E0, v5;
	vm1 =	vlt.s32 v4, v1  }
0x5f: {  	v11 =	vor.u32 $0x30E0, v11;
	v13 =	vsub.s32 v12, v0;
	v5 =	vsel vm0, v9, v5  }
0x60: {  	vm0 =	vge.s32 v4, v0;
	vm2 =	vge.s32 v12, v0;
	vm3 =	vlt.s32 v12, v1  }
0x61: {  	v9 =	vld [tilespmem:$0x188F0];
	v4 =	vsub.s32 v4, v0;
	v12 =	vand.u32 $0x1F, v12;
	vm2 =	vmand vm2, vm3  }
0x62: {  	[tilespmem:$0x188C0] =	vst v7;
	v12 =	vor.u32 $0x30E0, v12;
	vm0 =	vmand vm0, vm1;
	v7 =	vsub.s32 v10, v0  }
0x63: {  	[tilespmem:$0x18890] =	vst v8;
	vm1 =	vge.s32 v10, v0;
	vm3 =	vlt.s32 v10, v1;
	v8 =	vand.u32 $0x1F, v10  }
0x64: {  	[tilespmem:$0x188D0] =	vst v6;
	v6 =	vsel vm2, v13, v12;
	vm1 =	vmand vm1, vm3;
	v8 =	vor.u32 $0x30E0, v8  }
0x65: {  	v4 =	vsel vm0, v4, v11;
	[tilespmem:$0x188A0] =	vst v6;
	v6 =	vsel vm1, v7, v8  }
0x66: {  	[tilespmem:$0x18880] =	vst v5;
	v5 =	vand.u32 $0x1F, v9;
	vm0 =	vge.s32 v9, v0;
	vm1 =	vlt.s32 v9, v1  }
0x67: {  	[tilespmem:$0x188E0] =	vst v4;
	v4 =	vor.u32 $0x30E0, v5;
	vm0 =	vmand vm0, vm1;
	v5 =	vsub.s32 v9, v0  }
0x68: {  	[tilespmem:$0x188B0] =	vst v6;
	v4 =	vsel vm0, v5, v4  }
0x69: {  	[tilespmem:$0x188F0] =	vst v4  }
0x6a: {  	[tilespmem:s17], [sflag:$0x1] =	stream.indirect.gather [hbm4b:s4+s16], $0x80, s14, s16, $0xb8;
	[tilespmem:$0x1C900] =	vst v63  }
0x6b: {  	_ = 	snop  }
0x6c: {  	[tilespmem:s19], [sflag:$0x2] =	stream.indirect.gather [hbm4b:s4+s16], $0x80, s18, s16, $0xb8;
	[tilespmem:$0x1C900] =	vst v63  }
0x6d: {  	_ =	swait.ge [sflag:s20], $0x2000  }
0x6e: {  	[sflag:s20] =	ssyncset.done $0x0  }
0x6f: {  	[sflag:s20] =	ssyncadd.s32 $0xFFFFE000  }
0x70: {  	[spmem:s2] =	stream.indirect.scatter.add.f32 [tilespmem:s17], [sflag:$0x3], $0x80, s15, s16, $0xb8;
	[tilespmem:$0x1C900] =	vst v63  }
0x71: {  	_ =	swait.ge [sflag:s13], $0x2000  }
0x72: {  	[sflag:s13] =	ssyncset.done $0x0  }
0x73: {  	[sflag:s13] =	ssyncadd.s32 $0xFFFFE000  }
0x74: {  	_ =	swait.ge [sflag:s21], $0x2000  }
0x75: {  	[sflag:s21] =	ssyncset.done $0x0  }
0x76: {  	[sflag:s21] =	ssyncadd.s32 $0xFFFFE000  }
0x77: {  	[spmem:s2] =	stream.indirect.scatter.add.f32 [tilespmem:s19], [sflag:$0x3], $0x80, s22, s16, $0xb8;
	[tilespmem:$0x1C900] =	vst v63  }
0x78: {  	_ =	swait.ge [sflag:s13], $0x2000  }
0x79: {  	[sflag:s13] =	ssyncset.done $0x0  }
0x7a: {  	[sflag:s13] =	ssyncadd.s32 $0xFFFFE000  }
0x7b: {  	[bflag:$0x0] =	sbarrier.arrive $0xFFFF  }
0x7c: {  	[hbm:s7], [sflag:s6] =	dma.local [spmem:s12], $0x3100  }
0x7d: {  	_ =	swait.ge [sflag:s13], $0x3100  }
0x7e: {  	[sflag:s13] =	ssyncset.done $0x0  }
0x7f: {  	[sflag:s13] =	ssyncadd.s32 $0xFFFFCF00  }
0x80: {  	[bflag:$0x0] =	sbarrier.arrive $0xFFFF  }
0x81: {  	[spmem:s12], [sflag:s6] =	dma.local [hbm:s5], $0x3100  }
0x82: {  	_ =	swait.ge [sflag:s13], $0x3100  }
0x83: {  	[sflag:s13] =	ssyncset.done $0x0  }
0x84: {  	[sflag:s13] =	ssyncadd.s32 $0xFFFFCF00  }
0x85: {  	s24 =	sadd.s32 $0x0, s11;
	[bflag:$0x0] =	sbarrier.arrive $0xFFFF  }
0x86: {  	[tilespmem:s14], [sflag:$0x3] =	stream.linear.gather [hbm4b:s24+s3], $0x80, $0x38;
	[tilespmem:$0x1C900] =	vst v63  }
0x87: {  	_ =	swait.ge [sflag:s13], $0x80  }
0x88: {  	[sflag:s13] =	ssyncset.done $0x0  }
0x89: {  	s31 =	sadd.s32 $0x0, s10;
	[sflag:s13] =	ssyncadd.s32 $0xFFFFFF80  }
0x8a: {  	[tilespmem:s15], [sflag:$0x3] =	stream.linear.gather [hbm4b:s31+s3], $0x80, $0x38;
	[tilespmem:$0x1C900] =	vst v63  }
0x8b: {  	_ =	swait.ge [sflag:s13], $0x80  }
0x8c: {  	[sflag:s13] =	ssyncset.done $0x0  }
0x8d: {  	[sflag:s13] =	ssyncadd.s32 $0xFFFFFF80  }
0x8e: {  	v4 =	vld [tilespmem:$0x188C0]  }
0x8f: {  	v6 =	vld [tilespmem:$0x188D0]  }
0x90: {  	v8 =	vld [tilespmem:$0x18890];
	_ =	sdelay $0x2  }
0x91: {  	vm1 =	vlt.s32 v4, v3;
	v7 =	vsub.s32 v4, v2;
	v5 =	vand.u32 $0x1F, v4  }
0x92: {  	vm2 =	vge.s32 v4, v2;
	vm0 =	vge.s32 v6, v2;
	v11 =	vand.u32 $0x1F, v6  }
0x93: {  	vm3 =	vge.s32 v8, v2;
	vm4 =	vlt.s32 v8, v3;
	v9 =	vor.u32 $0x30E0, v5;
	v5 =	vld [tilespmem:$0x18880]  }
0x94: {  	s24 =	simm.s32 $0x10;
	v10 =	vsub.s32 v8, v2;
	v4 =	vld [tilespmem:$0x188E0];
	vm1 =	vmand vm2, vm1;
	vm2 =	vlt.s32 v6, v3  }
.LBB2_4:
0x95: {  	p0 =	sne.s32 s24, $0x1870;
	vm3 =	vmand vm3, vm4;
	v8 =	vand.u32 $0x1F, v8;
	v6 =	vsub.s32 v6, v2;
	s25 =	smov.u32 s24;
	s24 =	sadd.s32 $0x10, s24  }
0x96: {  	v7 =	vsel vm1, v7, v9;
	vm0 =	vmand vm0, vm2;
	v9 =	vor.u32 $0x30E0, v11;
	v12 =	vld [tilespmem:$0x188A0]  }
0x97: {  	v8 =	vor.u32 $0x30E0, v8;
	v6 =	vsel vm0, v6, v9;
	[tilespmem:$0x188C0] =	vst v7  }
0x98: {  	v8 =	vsel vm3, v10, v8;
	vm0 =	vge.s32 v5, v2;
	v7 =	vsub.s32 v5, v2;
	v9 =	vld [tilespmem:$0x188B0];
	[tilespmem:$0x188D0] =	vst v6  }
0x99: {  	vm1 =	vlt.s32 v5, v3;
	v5 =	vand.u32 $0x1F, v5;
	[tilespmem:$0x18890] =	vst v8;
	v6 =	vand.u32 $0x1F, v4  }
0x9a: {  	vm0 =	vmand vm0, vm1;
	v5 =	vor.u32 $0x30E0, v5;
	v6 =	vor.u32 $0x30E0, v6;
	v8 =	vld [tilespmem:$0x188F0]  }
0x9b: {  	vm1 =	vge.s32 v4, v2;
	v11 =	vsub.s32 v4, v2;
	v10 =	vsub.s32 v12, v2  }
0x9c: {  	v5 =	vsel vm0, v7, v5;
	vm0 =	vlt.s32 v4, v3;
	v7 =	vand.u32 $0x1F, v12  }
0x9d: {  	vm2 =	vge.s32 v12, v2;
	vm3 =	vlt.s32 v12, v3;
	[tilespmem:$0x18880] =	vst v5;
	v4 =	vsub.s32 v9, v2  }
0x9e: {  	vm0 =	vmand vm1, vm0;
	vm2 =	vmand vm2, vm3;
	v5 =	vor.u32 $0x30E0, v7  }
0x9f: {  	vm1 =	vge.s32 v9, v2;
	v5 =	vsel vm2, v10, v5;
	vm2 =	vlt.s32 v9, v3  }
0xa0: {  	vm1 =	vmand vm1, vm2;
	v7 =	vand.u32 $0x1F, v8;
	[tilespmem:$0x188A0] =	vst v5;
	v5 =	vand.u32 $0x1F, v9  }
0xa1: {  	v6 =	vsel vm0, v11, v6;
	vm0 =	vge.s32 v8, v2;
	v5 =	vor.u32 $0x30E0, v5  }
0xa2: {  	v4 =	vsel vm1, v4, v5;
	[tilespmem:$0x188E0] =	vst v6;
	vm1 =	vlt.s32 v8, v3;
	v5 =	vor.u32 $0x30E0, v7  }
0xa3: {  	[tilespmem:$0x188B0] =	vst v4;
	vm0 =	vmand vm0, vm1;
	v4 =	vsub.s32 v8, v2  }
0xa4: {  	v4 =	vsel vm0, v4, v5  }
0xa5: {  	[tilespmem:$0x188F0] =	vst v4  }
0xa6: {  	[tilespmem:s17], [sflag:$0x1] =	stream.indirect.gather [hbm4b:s4+s16], $0x80, s14, s16, $0xb8;
	[tilespmem:$0x1C900] =	vst v63  }
0xa7: {  	_ = 	snop  }
0xa8: {  	[tilespmem:s19], [sflag:$0x2] =	stream.indirect.gather [hbm4b:s4+s16], $0x80, s18, s16, $0xb8;
	[tilespmem:$0x1C900] =	vst v63  }
0xa9: {  	_ =	swait.ge [sflag:s20], $0x2000  }
0xaa: {  	[sflag:s20] =	ssyncset.done $0x0  }
0xab: {  	[sflag:s20] =	ssyncadd.s32 $0xFFFFE000  }
0xac: {  	[spmem:s2] =	stream.indirect.scatter.add.f32 [tilespmem:s17], [sflag:$0x3], $0x80, s15, s16, $0xb8;
	[tilespmem:$0x1C900] =	vst v63  }
0xad: {  	_ =	swait.ge [sflag:s13], $0x2000  }
0xae: {  	[sflag:s13] =	ssyncset.done $0x0  }
0xaf: {  	[sflag:s13] =	ssyncadd.s32 $0xFFFFE000  }
0xb0: {  	_ =	swait.ge [sflag:s21], $0x2000  }
0xb1: {  	[sflag:s21] =	ssyncset.done $0x0  }
0xb2: {  	[sflag:s21] =	ssyncadd.s32 $0xFFFFE000  }
0xb3: {  	[spmem:s2] =	stream.indirect.scatter.add.f32 [tilespmem:s19], [sflag:$0x3], $0x80, s22, s16, $0xb8;
	[tilespmem:$0x1C900] =	vst v63  }
0xb4: {  	_ =	swait.ge [sflag:s13], $0x2000  }
0xb5: {  	[sflag:s13] =	ssyncset.done $0x0  }
0xb6: {  	s26 =	sadd.s32 s25, s11;
	[sflag:s13] =	ssyncadd.s32 $0xFFFFE000  }
0xb7: {  	[tilespmem:s14], [sflag:$0x3] =	stream.linear.gather [hbm4b:s26+s3], $0x80, $0x38;
	[tilespmem:$0x1C900] =	vst v63  }
0xb8: {  	_ =	swait.ge [sflag:s13], $0x80  }
0xb9: {  	[sflag:s13] =	ssyncset.done $0x0  }
0xba: {  	s25 =	sadd.s32 s25, s10;
	[sflag:s13] =	ssyncadd.s32 $0xFFFFFF80  }
0xbb: {  	[tilespmem:s15], [sflag:$0x3] =	stream.linear.gather [hbm4b:s25+s3], $0x80, $0x38;
	[tilespmem:$0x1C900] =	vst v63  }
0xbc: {  	_ =	swait.ge [sflag:s13], $0x80  }
0xbd: {  	[sflag:s13] =	ssyncset.done $0x0  }
0xbe: {  	[sflag:s13] =	ssyncadd.s32 $0xFFFFFF80  }
0xbf: {  	v4 =	vld [tilespmem:$0x188C0]  }
0xc0: {  	v6 =	vld [tilespmem:$0x188D0];
	_ =	sdelay $0x1  }
0xc1: {  	v8 =	vld [tilespmem:$0x18890]  }
.Ltmp1:
0xc2: {  	(pc) =	sbr.rel @p0 .LBB2_4-.Ltmp1, $4  }
0xc3: {  	vm1 =	vlt.s32 v4, v3;
	v7 =	vsub.s32 v4, v2;
	v5 =	vand.u32 $0x1F, v4  }
0xc4: {  	vm2 =	vge.s32 v4, v2;
	v9 =	vor.u32 $0x30E0, v5;
	vm0 =	vge.s32 v6, v2  }
0xc5: {  	vm1 =	vmand vm2, vm1;
	vm2 =	vlt.s32 v6, v3;
	v11 =	vand.u32 $0x1F, v6;
	v5 =	vld [tilespmem:$0x18880]  }
0xc6: {  	vm3 =	vge.s32 v8, v2;
	vm4 =	vlt.s32 v8, v3;
	v10 =	vsub.s32 v8, v2;
	v4 =	vld [tilespmem:$0x188E0]  }
0xc7: {  	vm3 =	vmand vm3, vm4  }
0xc8: {  	v8 =	vand.u32 $0x1F, v8;
	v6 =	vsub.s32 v6, v2;
	v7 =	vsel vm1, v7, v9  }
0xc9: {  	v12 =	vld [tilespmem:$0x188A0];
	vm0 =	vmand vm0, vm2;
	v55 =	vor.u32 $0x30E0, v11;
	v8 =	vor.u32 $0x30E0, v8  }
0xca: {  	v6 =	vsel vm0, v6, v55;
	v8 =	vsel vm3, v10, v8;
	vm6 =	vge.s32 v5, v2  }
0xcb: {  	v57 =	vld [tilespmem:$0x188B0];
	v56 =	vsub.s32 v5, v2;
	vm7 =	vlt.s32 v5, v3;
	v5 =	vand.u32 $0x1F, v5  }
0xcc: {  	v59 =	vld [tilespmem:$0x188F0];
	v58 =	vand.u32 $0x1F, v4;
	vm0 =	vmand vm6, vm7;
	v5 =	vor.u32 $0x30E0, v5  }
0xcd: {  	vm8 =	vge.s32 v4, v2;
	vm9 =	vlt.s32 v4, v3;
	v4 =	vsub.s32 v4, v2  }
0xce: {  	v11 =	vor.u32 $0x30E0, v58;
	v13 =	vsub.s32 v12, v2;
	v5 =	vsel vm0, v56, v5  }
0xcf: {  	vm10 =	vge.s32 v12, v2;
	vm11 =	vlt.s32 v12, v3;
	v12 =	vand.u32 $0x1F, v12  }
0xd0: {  	[tilespmem:$0x188C0] =	vst v7;
	v60 =	vsub.s32 v57, v2;
	vm0 =	vmand vm8, vm9;
	vm12 =	vge.s32 v57, v2  }
0xd1: {  	[tilespmem:$0x188D0] =	vst v6;
	vm13 =	vlt.s32 v57, v3;
	v62 =	vand.u32 $0x1F, v57;
	vm14 =	vge.s32 v59, v2  }
0xd2: {  	[tilespmem:$0x18890] =	vst v8;
	vm15 =	vlt.s32 v59, v3;
	vm2 =	vmand vm10, vm11;
	v12 =	vor.u32 $0x30E0, v12  }
0xd3: {  	vm1 =	vmand vm12, vm13;
	[tilespmem:$0x18880] =	vst v5;
	v5 =	vand.u32 $0x1F, v59;
	v4 =	vsel vm0, v4, v11  }
0xd4: {  	v8 =	vor.u32 $0x30E0, v62;
	vm0 =	vmand vm14, vm15;
	v61 =	vsel vm2, v13, v12;
	[tilespmem:$0x188E0] =	vst v4  }
0xd5: {  	v63 =	vsel vm1, v60, v8;
	v4 =	vor.u32 $0x30E0, v5;
	v5 =	vsub.s32 v59, v2;
	[tilespmem:$0x188A0] =	vst v61  }
0xd6: {  	[tilespmem:$0x188B0] =	vst v63;
	v4 =	vsel vm0, v5, v4  }
0xd7: {  	[tilespmem:$0x188F0] =	vst v4  }
0xd8: {  	[tilespmem:s17], [sflag:$0x1] =	stream.indirect.gather [hbm4b:s4+s16], $0x80, s14, s16, $0xb8;
	[tilespmem:$0x1C900] =	vst v63  }
0xd9: {  	_ = 	snop  }
0xda: {  	[tilespmem:s19], [sflag:$0x2] =	stream.indirect.gather [hbm4b:s4+s16], $0x80, s18, s16, $0xb8;
	[tilespmem:$0x1C900] =	vst v63  }
0xdb: {  	_ =	swait.ge [sflag:s20], $0x2000  }
0xdc: {  	[sflag:s20] =	ssyncset.done $0x0  }
0xdd: {  	[sflag:s20] =	ssyncadd.s32 $0xFFFFE000  }
0xde: {  	[spmem:s2] =	stream.indirect.scatter.add.f32 [tilespmem:s17], [sflag:$0x3], $0x80, s15, s16, $0xb8;
	[tilespmem:$0x1C900] =	vst v63  }
0xdf: {  	_ =	swait.ge [sflag:s13], $0x2000  }
0xe0: {  	[sflag:s13] =	ssyncset.done $0x0  }
0xe1: {  	[sflag:s13] =	ssyncadd.s32 $0xFFFFE000  }
0xe2: {  	_ =	swait.ge [sflag:s21], $0x2000  }
0xe3: {  	[sflag:s21] =	ssyncset.done $0x0  }
0xe4: {  	[sflag:s21] =	ssyncadd.s32 $0xFFFFE000  }
0xe5: {  	[spmem:s2] =	stream.indirect.scatter.add.f32 [tilespmem:s19], [sflag:$0x3], $0x80, s22, s16, $0xb8;
	[tilespmem:$0x1C900] =	vst v63  }
0xe6: {  	_ =	swait.ge [sflag:s13], $0x2000  }
0xe7: {  	[sflag:s13] =	ssyncset.done $0x0  }
0xe8: {  	s23 =	sadd.s32 $0x1, s23;
	[sflag:s13] =	ssyncadd.s32 $0xFFFFE000  }
0xe9: {  	p0 =	sne.s32 s23, s9;
	[bflag:$0x0] =	sbarrier.arrive $0xFFFF  }
0xea: {  	[hbm:s8], [sflag:s6] =	dma.local [spmem:s12], $0x3100  }
.Ltmp2:
0xeb: {  	_ =	swait.ge [sflag:s13], $0x3100;
	(pc) =	sbr.rel @p0 .LBB2_1-.Ltmp2, $3  }
0xec: {  	[sflag:s13] =	ssyncset.done $0x0  }
0xed: {  	[sflag:s13] =	ssyncadd.s32 $0xFFFFCF00  }
0xee: {  	[bflag:$0x0] =	sbarrier.arrive $0xFFFF;
	_ =	sdelay $0x1  }
0xef: {  	_ =	sfence.sel $0x180000  }
0xf0: {  	[bflag:$0x0] =	sbarrier.arrive $0xFFFF  }
0xf1: {  	p0 =	sne.s32 s1, $0x0;
	_ =	strace $0x90000047  }
0xf2: {  	s0 =	sadd.s32 @!p0 $0x100000, s0;
	[bflag:$0x2] =	sbarrier.arrive $0xFFFF  }
0xf3: {  	[sflag:s0] =	ssyncadd.tile.s32 @!p0 $0x1;
	_ =	shalt  }
.Lfunc_end2:
_tile_overlayer_lowered:
.L_overlay_start_2:
0xf4: {  	(tag) =	ssettag $0x2  }
0xf5: {  	s0 =	rddreg [dreg:$0x0];
	s2 =	stileid.u32  }
0xf6: {  	s1 =	rddreg [dreg:$0x1];
	p0 =	sne.s32 s2, $0x0  }
0xf7: {  	s3 =	rddreg [dreg:$0x2];
	[bflag:$0x3] =	sbarrier.arrive $0xFFFF;
	s2 =	simm.s32 @!p0 $0x1C03  }
0xf8: {  	[timem:s3], [sflag:s2] =	dma.local @!p0 [hbm:s0], s1  }
0xf9: {  	s0 =	simm.s32 @!p0 $0x3  }
0xfa: {  	_ =	swait.ge @!p0 [sflag:s0], s1  }
0xfb: {  	s1 =	ssub.s32 @!p0 $0x0, s1;
	[sflag:s0] =	ssyncset.done @!p0 $0x0  }
0xfc: {  	[sflag:s0] =	ssyncadd.s32 @!p0 s1  }
0xfd: {  	[bflag:$0x3] =	sbarrier.arrive $0xFFFF  }
0xfe: {  	_ =	shalt  }

// kernel: kernel.14.cloned.1.call-start
scs
__scs_entry_jumppad:
0x0: {  	(pc) =	sbr.rel $0x88, $3  }
0x1: {  	(tag) =	ssettag $0x0;
	lr =	simm.s32 $0x1  }
0x2: {  	[smem:$0x3F8F] =	sst lr;
	_ =	strace $0xD0000000  }
0x3: {  	_ = 	snop  }
0x4: {  	_ = 	snop  }
0x5: {  	_ = 	snop  }
0x6: {  	_ = 	snop  }
0x7: {  	_ = 	snop  }
__scs_overlays_trampoline_lowered:
0x8: {  	[smem:$0x3F9E] =	sst s0  }
0x9: {  	[smem:$0x3F9F] =	sst s1  }
0xa: {  	[smem:$0x3FA0] =	sst s2  }
0xb: {  	[smem:$0x3FA1] =	sst s3  }
0xc: {  	[smem:$0x3FA2] =	sst s4  }
0xd: {  	[smem:$0x3FA3] =	sst s5  }
0xe: {  	[smem:$0x3FA4] =	sst s6  }
0xf: {  	[smem:$0x3FA5] =	sst s7  }
0x10: {  	[smem:$0x3FA6] =	sst s8  }
0x11: {  	[smem:$0x3FA7] =	sst s9;
	s0 =	simm.s32 @!p0 $0x0  }
0x12: {  	s1 =	sld [smem:$0x3F8D];
	s0 =	simm.s32 @p0 $0x1  }
0x13: {  	[smem:$0x3FA8] =	sst s0;
	s0 =	simm.s32 @!p1 $0x0  }
0x14: {  	s2 =	sld [smem:$0x3F8C];
	s0 =	simm.s32 @p1 $0x1  }
0x15: {  	[smem:$0x3FA9] =	sst s0;
	s0 =	simm.s32 @!p2 $0x0  }
0x16: {  	s3 =	sld [smem:$0x3FDB];
	s0 =	simm.s32 @p2 $0x1  }
0x17: {  	s4 =	simm.s32 $0x1BF5;
	[smem:$0x3FAB] =	sst s0  }
0x18: {  	s0 =	sld [smem:$0x3F8E];
	_ =	swait.ge [sflag:s4], $0x0  }
0x19: {  	s7 =	sld [smem:$0x3F8F]  }
0x1a: {  	s8 =	sadd.s32 $0xFFFFE003, lr  }
0x1b: {  	s9 =	sadd.s32 $0xFFFFFEF7, lr;
	s5 =	simm.s32 $0xFFFFFFFF;
	p2 =	slt.u32 s8, $0xFFFFF086  }
0x1c: {  	p1 =	slt.u32 s9, $0xF7A;
	s5 =	simm.s32 @!p2 $0x0  }
0x1d: {  	s5 =	simm.s32 @p1 $0x1;
	p0 =	seq.s32 s7, s2  }
0x1e: {  	s7 =	smul.u32 @!p0 $0xF7A, s2;
	p2 =	seq.s32 @!p0 s5, $0x0  }
0x1f: {  	s9 =	smul.u32 $0xF7A, s1;
	s8 =	simm.s32 @!p0 $0x1BF5;
	p2 =	por !p2, p0  }
0x20: {  	[sflag:s8] =	ssyncset.s32 @!p0 $0xFFFFF086;
	s6 =	sadd.s32 @!p0 s3, s7;
	s7 =	simm.s32 @!p0 $0x108  }
0x21: {  	s3 =	sadd.s32 s3, s9;
	s6 =	sadd.s32 @!p0 $0x88, s6;
	s7 =	simm.s32 @p2 $0x1082  }
0x22: {  	[simem:s7], [sflag:s8] =	dma.local @!p0 [hbm:s6], $0xF7A  }
0x23: {  	s9 =	sor.u32 $0xD0000000, s2;
	s6 =	simm.s32 $0x108;
	_ =	swait.ge @!p0 [sflag:s8], $0x0  }
0x24: {  	s3 =	sadd.s32 $0x88, s3;
	s6 =	simm.s32 @!p1 $0x1082;
	[sflag:s4] =	ssyncset.s32 $0xFFFFF086  }
0x25: {  	[simem:s6], [sflag:s4] =	dma.local [hbm:s3], $0xF7A  }
0x26: {  	[smem:$0x3F8F] =	sst s1;
	(tag) =	ssettag s2;
	_ =	strace s9  }
0x27: {  	s1 =	sld [smem:$0x3F9F]  }
0x28: {  	s2 =	sld [smem:$0x3FA0]  }
0x29: {  	s4 =	sld [smem:$0x3FA2]  }
0x2a: {  	p0 =	seq.s32 s5, $0x0;
	s5 =	sld [smem:$0x3FA3]  }
0x2b: {  	s6 =	sld [smem:$0x3FA4]  }
0x2c: {  	s7 =	sld [smem:$0x3FA5]  }
0x2d: {  	s3 =	simm.s32 $0x108;
	s8 =	sld [smem:$0x3FA6]  }
0x2e: {  	s3 =	simm.s32 @!p0 $0x1082;
	s9 =	sld [smem:$0x3FA7]  }
0x2f: {  	lr =	sadd.s32 s0, s3;
	s0 =	sld [smem:$0x3F9E]  }
0x30: {  	s3 =	sld [smem:$0x3FA1]  }
0x31: {  	[smem:$0x3FAA] =	sst s10  }
0x32: {  	s10 =	sld [smem:$0x3FA8];
	_ =	sdelay $0x3  }
0x33: {  	p0 =	seq.s32 s10, $0x1;
	s10 =	sld [smem:$0x3FAA];
	_ =	sdelay $0x3  }
0x34: {  	[smem:$0x3FAA] =	sst s10  }
0x35: {  	s10 =	sld [smem:$0x3FA9];
	_ =	sdelay $0x3  }
0x36: {  	p1 =	seq.s32 s10, $0x1;
	s10 =	sld [smem:$0x3FAA];
	_ =	sdelay $0x3  }
0x37: {  	[smem:$0x3FAA] =	sst s10  }
0x38: {  	s10 =	sld [smem:$0x3FAB]  }
0x39: {  	_ = 	snop;
	(pc) =	sbr.ind lr, $3  }
0x3a: {  	_ = 	snop  }
0x3b: {  	_ = 	snop  }
0x3c: {  	p2 =	seq.s32 s10, $0x1;
	s10 =	sld [smem:$0x3FAA]  }
0x3d: {  	_ =	shalt  }
0x3e: {  	_ =	shalt  }
0x3f: {  	_ =	shalt  }
0x40: {  	_ =	shalt  }
0x41: {  	_ =	shalt  }
0x42: {  	_ =	shalt  }
0x43: {  	_ =	shalt  }
0x44: {  	_ =	shalt  }
0x45: {  	_ =	shalt  }
0x46: {  	_ =	shalt  }
0x47: {  	_ =	shalt  }
0x48: {  	_ =	shalt  }
0x49: {  	_ =	shalt  }
0x4a: {  	_ =	shalt  }
0x4b: {  	_ =	shalt  }
0x4c: {  	_ =	shalt  }
0x4d: {  	_ =	shalt  }
0x4e: {  	_ =	shalt  }
0x4f: {  	_ =	shalt  }
0x50: {  	_ =	shalt  }
0x51: {  	_ =	shalt  }
0x52: {  	_ =	shalt  }
0x53: {  	_ =	shalt  }
0x54: {  	_ =	shalt  }
0x55: {  	_ =	shalt  }
0x56: {  	_ =	shalt  }
0x57: {  	_ =	shalt  }
0x58: {  	_ =	shalt  }
0x59: {  	_ =	shalt  }
0x5a: {  	_ =	shalt  }
0x5b: {  	_ =	shalt  }
0x5c: {  	_ =	shalt  }
0x5d: {  	_ =	shalt  }
0x5e: {  	_ =	shalt  }
0x5f: {  	_ =	shalt  }
0x60: {  	_ =	shalt  }
0x61: {  	_ =	shalt  }
0x62: {  	_ =	shalt  }
0x63: {  	_ =	shalt  }
0x64: {  	_ =	shalt  }
0x65: {  	_ =	shalt  }
0x66: {  	_ =	shalt  }
0x67: {  	_ =	shalt  }
0x68: {  	_ =	shalt  }
0x69: {  	_ =	shalt  }
0x6a: {  	_ =	shalt  }
0x6b: {  	_ =	shalt  }
0x6c: {  	_ =	shalt  }
0x6d: {  	_ =	shalt  }
0x6e: {  	_ =	shalt  }
0x6f: {  	_ =	shalt  }
0x70: {  	_ =	shalt  }
0x71: {  	_ =	shalt  }
0x72: {  	_ =	shalt  }
0x73: {  	_ =	shalt  }
0x74: {  	_ =	shalt  }
0x75: {  	_ =	shalt  }
0x76: {  	_ =	shalt  }
0x77: {  	_ =	shalt  }
0x78: {  	_ =	shalt  }
0x79: {  	_ =	shalt  }
0x7a: {  	_ =	shalt  }
0x7b: {  	_ =	shalt  }
0x7c: {  	_ =	shalt  }
0x7d: {  	_ =	shalt  }
0x7e: {  	_ =	shalt  }
0x7f: {  	_ =	shalt  }
0x80: {  	_ =	shalt  }
0x81: {  	_ =	shalt  }
0x82: {  	_ =	shalt  }
0x83: {  	_ =	shalt  }
0x84: {  	_ =	shalt  }
0x85: {  	_ =	shalt  }
0x86: {  	_ =	shalt  }
0x87: {  	_ =	shalt  }
.Lfunc_end0:
.L_simem_size_0:
called_computation.1_lowered:
.L_overlay_start_0:
0x88: {  	s2 =	sld [smem:$0x3FD9]  }
0x89: {  	s3 =	sld [smem:$0x3FFE];
	_ =	sdelay $0x1  }
0x8a: {  	s1 =	srdreg.scid  }
0x8b: {  	s0 =	sand.u32 $0x1, s1  }
0x8c: {  	s17 =	sshll.u32 s0, $0xA;
	s2 =	sadd.s32 s3, s2  }
0x8d: {  	s2 =	sadd.s32 s2, s17  }
0x8e: {  	[smem:$0x3FB6] =	sst s2  }
0x8f: {  	_ = 	snop  }
0x90: {  	s2 =	sld [smem:$0x3FD0];
	(tm) =	ssettm $0x1  }
0x91: {  	s18 =	sld [smem:$0x3FFB];
	_ =	sdelay $0x3  }
0x92: {  	_ =	strace s18  }
0x93: {  	s3 =	sld [smem:$0x3FFC];
	_ =	sdelay $0x3  }
0x94: {  	_ =	strace s3  }
0x95: {  	s3 =	sld [smem:$0x3FFD];
	_ =	sdelay $0x3  }
0x96: {  	_ =	strace s3  }
0x97: {  	_ =	strace $0x8FFFFFFF  }
0x98: {  	s19 =	sld [smem:$0x3FDB];
	_ =	sdelay $0x1  }
0x99: {  	s4 =	simm.s32 $_scs_section_size  }
0x9a: {  	s5 =	simm.s32 $_size__tile_overlayer_lowered;
	s6 =	simm.s32 $_tile_overlayer_lowered  }
0x9b: {  	s22 =	simm.s32 $0x1BFF;
	s21 =	sshll.u32 s6, $0x1;
	s3 =	sadd.s32 s4, s19  }
0x9c: {  	s7 =	simm.s32 $0x0;
	s20 =	sshll.u32 s5, $0x1;
	s5 =	sadd.s32 s21, s3  }
0x9d: {  	[timem:s7], [sflag:s22] =	dma.local [hbm:s5], s20  }
0x9e: {  	_ =	swait.ge [sflag:s22], s20  }
0x9f: {  	s4 =	ssub.s32 $0x0, s20;
	[sflag:s22] =	ssyncset.done $0x0  }
0xa0: {  	[sflag:s22] =	ssyncadd.s32 s4;
	_ =	sdelay $0x1  }
0xa1: {  	s23 =	simm.s32 $0x1B8B  }
0xa2: {  	_ =	swait.ge [sflag:s23], $0x1  }
0xa3: {  	[sflag:s23] =	ssyncset.done $0x0  }
0xa4: {  	s25 =	simm.s32 $0x1B8E;
	s24 =	sld [smem:$0x3FFE];
	[sflag:s23] =	ssyncadd.s32 $0xFFFFFFFF  }
0xa5: {  	s26 =	simm.s32 $execute0_lowered;
	[smem:$0x3FD2] =	sst s25  }
0xa6: {  	s5 =	sshll.u32 s26, $0x1;
	_ =	strace $0x80000049;
	[dreg:$0x1] =	wrdreg $0xFFFFFFFF  }
0xa7: {  	s28 =	simm.s32 $_size_execute0_lowered;
	s3 =	sadd.s32 s3, s5;
	[dreg:$0x0] =	wrdreg $0x0  }
0xa8: {  	s5 =	sshll.u32 s28, $0x1;
	[dreg:$0x2] =	wrdreg s3  }
0xa9: {  	[dreg:$0x3] =	wrdreg s5  }
0xaa: {  	[dreg:$0x4] =	wrdreg $0xC0  }
0xab: {  	_ =	task [dreg:s7], $0x5FFFF  }
0xac: {  	[dreg:$0x1] =	wrdreg $0xFFFFFFFF  }
0xad: {  	[dreg:$0x0] =	wrdreg $0x60  }
0xae: {  	[dreg:$0x2] =	wrdreg s2  }
0xaf: {  	[dreg:$0x3] =	wrdreg s24  }
0xb0: {  	[dreg:$0x4] =	wrdreg $0x0  }
0xb1: {  	[dreg:$0x5] =	wrdreg $0x9  }
0xb2: {  	_ =	task.clear_ibuf [dreg:s7], $0x6FFFF;
	_ =	strace $0x90000049  }
0xb3: {  	s29 =	simm.s32 $0x9;
	_ =	strace $0x8000004B  }
0xb4: {  	_ =	swait.ge [sflag:s29], $0x1  }
0xb5: {  	[sflag:s29] =	ssyncadd.s32 $0xFFFFFFFF  }
0xb6: {  	_ =	strace $0x9000004B  }
0xb7: {  	_ =	sfence  }
0xb8: {  	s30 =	sld [smem:$0x0];
	_ =	sdelay $0x2  }
0xb9: {  	s31 =	sshll.u32 s1, $0xD;
	s1 =	sshrl.u32 s1, $0x2  }
0xba: {  	s3 =	sand.u32 $0x4000, s31;
	s1 =	sadd.s32 s1, s30  }
0xbb: {  	s0 =	sor.u32 s3, s0;
	s1 =	sshll.u32 s1, $0x11  }
0xbc: {  	s0 =	sor.u32 s1, s0  }
0xbd: {  	s0 =	sadd.s32 $0x8F2B, s0  }
0xbe: {  	[sflag:s0] =	ssyncadd.remote.s32 $0x1  }
0xbf: {  	_ =	sfence.sel $0xFFFF  }
0xc0: {  	[dreg:$0x0] =	wrdreg $0xFFFFFFFF;
	(pc) =	sbr.abs _section_cstart, $3  }
0xc1: {  	[dreg:$0x1] =	wrdreg $0xFFFFFFFF  }
0xc2: {  	_ =	task.clear_ibuf [dreg:s7], $0x2FFFF;
	_ =	strace $0x9FFFFFFF  }
0xc3: {  	(tm) =	ssettm $0x7FFFFFFF  }
tec
execute0_lowered:
.L_overlay_start_1:
0x0: {  	(tag) =	ssettag $0x1  }
0x1: {  	s1 =	rddreg [dreg:$0x0]  }
0x2: {  	s6 =	rddreg [dreg:$0x1]  }
0x3: {  	s3 =	rddreg [dreg:$0x2]  }
0x4: {  	s0 =	rddreg [dreg:$0x3]  }
0x5: {  	s4 =	simm.s32 $0x0;
	s2 =	stileid.u32;
	s7 =	srdreg.scid  }
0x6: {  	s16 =	simm.s32 $0x40;
	s17 =	simm.s32 $0x18900;
	s19 =	simm.s32 $0x1A900  }
0x7: {  	s20 =	simm.s32 $0x1;
	[smem:$0x7FF] =	sst s4;
	s5 =	smul.u32 $0x1880, s2  }
0x8: {  	s7 =	sand.u32 $0x1, s7;
	s8 =	sadd.s32 $0xFA400, s6;
	s9 =	smul.u32 $0x18800, s2  }
0x9: {  	s30 =	sshll.u32 s2, $0x6;
	_ =	strace $0x8000004A;
	s12 =	smul.u32 $0x310000, s7  }
0xa: {  	s29 =	ssub.s32 $0x2, s7;
	s13 =	sshllo.u32 s7, $0x1;
	s18 =	smul.u32 $0x61C0, s7  }
0xb: {  	s11 =	sadd.s32 s5, s6;
	s5 =	sadd.s32 $0xF7200, s6;
	s10 =	sshrl.u32 s29, $0x1  }
0xc: {  	s14 =	smul.u32 $0x188000, s13;
	s15 =	sadd.s32 s9, s3;
	s6 =	sor.u32 $0x1C03, s30  }
0xd: {  	s21 =	smul.u32 $0x30E0, s13;
	s13 =	simm.s32 $0x3;
	s10 =	ssub.s32 s29, s10  }
0xe: {  	s31 =	sadd.s32 s9, s12;
	s22 =	sadd.s32 $0x30E0, s18;
	s12 =	sshrl.u32 s15, $0x3  }
0xf: {  	s15 =	simm.s32 $0x18880;
	v0 =	vmov s18;
	s18 =	simm.s32 $0x18840;
	s9 =	sadd.s32 s9, s14  }
0x10: {  	s7 =	sshrl.u32 s31, $0x3;
	s23 =	sadd.s32 $0x30E0, s21;
	s14 =	simm.s32 $0x18800  }
0x11: {  	v1 =	vmov s22;
	v2 =	vmov s21;
	s21 =	simm.s32 $0x2;
	s22 =	simm.s32 $0x188C0;
	s9 =	sshrl.u32 s9, $0x3  }
0x12: {  	s7 =	sadd.s32 s8, s7;
	v3 =	vmov s23;
	s23 =	simm.s32 $0x0;
	s8 =	sadd.s32 s8, s9  }
0x13: {  	s9 =	smax.u32 s10, $0x1;
	s10 =	sadd.s32 $0x2C00, s11;
	s11 =	sadd.s32 $0x1B400, s11  }
.LBB2_1:
0x14: {  	[spmem:s12], [sflag:s6] =	dma.local [hbm:s5], $0x3100  }
0x15: {  	_ =	swait.ge [sflag:s13], $0x3100  }
0x16: {  	[sflag:s13] =	ssyncset.done $0x0  }
0x17: {  	[sflag:s13] =	ssyncadd.s32 $0xFFFFCF00  }
0x18: {  	s24 =	sadd.s32 $0x0, s11;
	[bflag:$0x0] =	sbarrier.arrive $0xFFFF  }
0x19: {  	[tilespmem:s14], [sflag:$0x3] =	stream.linear.gather [hbm4b:s24+s4], $0x80, $0x38;
	[tilespmem:$0x1C900] =	vst v63  }
0x1a: {  	_ =	swait.ge [sflag:s13], $0x80  }
0x1b: {  	[sflag:s13] =	ssyncset.done $0x0  }
0x1c: {  	s31 =	sadd.s32 $0x0, s10;
	[sflag:s13] =	ssyncadd.s32 $0xFFFFFF80  }
0x1d: {  	[tilespmem:s15], [sflag:$0x3] =	stream.linear.gather [hbm4b:s31+s4], $0x80, $0x38;
	[tilespmem:$0x1C900] =	vst v63  }
0x1e: {  	_ =	swait.ge [sflag:s13], $0x80  }
0x1f: {  	[sflag:s13] =	ssyncset.done $0x0  }
0x20: {  	[sflag:s13] =	ssyncadd.s32 $0xFFFFFF80  }
0x21: {  	v4 =	vld [tilespmem:$0x188C0]  }
0x22: {  	v6 =	vld [tilespmem:$0x188D0]  }
0x23: {  	v8 =	vld [tilespmem:$0x18890];
	_ =	sdelay $0x2  }
0x24: {  	vm1 =	vlt.s32 v4, v1;
	v7 =	vsub.s32 v4, v0;
	v5 =	vand.u32 $0x1F, v4  }
0x25: {  	vm2 =	vge.s32 v4, v0;
	vm0 =	vge.s32 v6, v0;
	v11 =	vand.u32 $0x1F, v6  }
0x26: {  	vm3 =	vge.s32 v8, v0;
	vm4 =	vlt.s32 v8, v1;
	v9 =	vor.u32 $0x30E0, v5;
	v5 =	vld [tilespmem:$0x18880]  }
0x27: {  	s24 =	simm.s32 $0x10;
	v10 =	vsub.s32 v8, v0;
	v4 =	vld [tilespmem:$0x188E0];
	vm1 =	vmand vm2, vm1;
	vm2 =	vlt.s32 v6, v1  }
.LBB2_2:
0x28: {  	p0 =	sne.s32 s24, $0x1870;
	vm3 =	vmand vm3, vm4;
	v8 =	vand.u32 $0x1F, v8;
	v6 =	vsub.s32 v6, v0;
	s25 =	smov.u32 s24;
	s24 =	sadd.s32 $0x10, s24  }
0x29: {  	v7 =	vsel vm1, v7, v9;
	vm0 =	vmand vm0, vm2;
	v9 =	vor.u32 $0x30E0, v11;
	v12 =	vld [tilespmem:$0x188A0]  }
0x2a: {  	v8 =	vor.u32 $0x30E0, v8;
	v6 =	vsel vm0, v6, v9;
	[tilespmem:$0x188C0] =	vst v7  }
0x2b: {  	v8 =	vsel vm3, v10, v8;
	vm0 =	vge.s32 v5, v0;
	v7 =	vsub.s32 v5, v0;
	v9 =	vld [tilespmem:$0x188B0];
	[tilespmem:$0x188D0] =	vst v6  }
0x2c: {  	vm1 =	vlt.s32 v5, v1;
	v5 =	vand.u32 $0x1F, v5;
	[tilespmem:$0x18890] =	vst v8;
	v6 =	vand.u32 $0x1F, v4  }
0x2d: {  	vm0 =	vmand vm0, vm1;
	v5 =	vor.u32 $0x30E0, v5;
	v6 =	vor.u32 $0x30E0, v6;
	v8 =	vld [tilespmem:$0x188F0]  }
0x2e: {  	vm1 =	vge.s32 v4, v0;
	v11 =	vsub.s32 v4, v0;
	v10 =	vsub.s32 v12, v0  }
0x2f: {  	v5 =	vsel vm0, v7, v5;
	vm0 =	vlt.s32 v4, v1;
	v7 =	vand.u32 $0x1F, v12  }
0x30: {  	vm2 =	vge.s32 v12, v0;
	vm3 =	vlt.s32 v12, v1;
	[tilespmem:$0x18880] =	vst v5;
	v4 =	vsub.s32 v9, v0  }
0x31: {  	vm0 =	vmand vm1, vm0;
	vm2 =	vmand vm2, vm3;
	v5 =	vor.u32 $0x30E0, v7  }
0x32: {  	vm1 =	vge.s32 v9, v0;
	v5 =	vsel vm2, v10, v5;
	vm2 =	vlt.s32 v9, v1  }
0x33: {  	vm1 =	vmand vm1, vm2;
	v7 =	vand.u32 $0x1F, v8;
	[tilespmem:$0x188A0] =	vst v5;
	v5 =	vand.u32 $0x1F, v9  }
0x34: {  	v6 =	vsel vm0, v11, v6;
	vm0 =	vge.s32 v8, v0;
	v5 =	vor.u32 $0x30E0, v5  }
0x35: {  	v4 =	vsel vm1, v4, v5;
	[tilespmem:$0x188E0] =	vst v6;
	vm1 =	vlt.s32 v8, v1;
	v5 =	vor.u32 $0x30E0, v7  }
0x36: {  	[tilespmem:$0x188B0] =	vst v4;
	vm0 =	vmand vm0, vm1;
	v4 =	vsub.s32 v8, v0  }
0x37: {  	v4 =	vsel vm0, v4, v5  }
0x38: {  	[tilespmem:$0x188F0] =	vst v4  }
0x39: {  	[tilespmem:s17], [sflag:$0x1] =	stream.indirect.gather [hbm4b:s1+s16], $0x80, s14, s16, $0xb8;
	[tilespmem:$0x1C900] =	vst v63  }
0x3a: {  	_ = 	snop  }
0x3b: {  	[tilespmem:s19], [sflag:$0x2] =	stream.indirect.gather [hbm4b:s1+s16], $0x80, s18, s16, $0xb8;
	[tilespmem:$0x1C900] =	vst v63  }
0x3c: {  	_ =	swait.ge [sflag:s20], $0x2000  }
0x3d: {  	[sflag:s20] =	ssyncset.done $0x0  }
0x3e: {  	[sflag:s20] =	ssyncadd.s32 $0xFFFFE000  }
0x3f: {  	[spmem:s3] =	stream.indirect.scatter.add.f32 [tilespmem:s17], [sflag:$0x3], $0x80, s15, s16, $0xb8;
	[tilespmem:$0x1C900] =	vst v63  }
0x40: {  	_ =	swait.ge [sflag:s13], $0x2000  }
0x41: {  	[sflag:s13] =	ssyncset.done $0x0  }
0x42: {  	[sflag:s13] =	ssyncadd.s32 $0xFFFFE000  }
0x43: {  	_ =	swait.ge [sflag:s21], $0x2000  }
0x44: {  	[sflag:s21] =	ssyncset.done $0x0  }
0x45: {  	[sflag:s21] =	ssyncadd.s32 $0xFFFFE000  }
0x46: {  	[spmem:s3] =	stream.indirect.scatter.add.f32 [tilespmem:s19], [sflag:$0x3], $0x80, s22, s16, $0xb8;
	[tilespmem:$0x1C900] =	vst v63  }
0x47: {  	_ =	swait.ge [sflag:s13], $0x2000  }
0x48: {  	[sflag:s13] =	ssyncset.done $0x0  }
0x49: {  	s26 =	sadd.s32 s25, s11;
	[sflag:s13] =	ssyncadd.s32 $0xFFFFE000  }
0x4a: {  	[tilespmem:s14], [sflag:$0x3] =	stream.linear.gather [hbm4b:s26+s4], $0x80, $0x38;
	[tilespmem:$0x1C900] =	vst v63  }
0x4b: {  	_ =	swait.ge [sflag:s13], $0x80  }
0x4c: {  	[sflag:s13] =	ssyncset.done $0x0  }
0x4d: {  	s25 =	sadd.s32 s25, s10;
	[sflag:s13] =	ssyncadd.s32 $0xFFFFFF80  }
0x4e: {  	[tilespmem:s15], [sflag:$0x3] =	stream.linear.gather [hbm4b:s25+s4], $0x80, $0x38;
	[tilespmem:$0x1C900] =	vst v63  }
0x4f: {  	_ =	swait.ge [sflag:s13], $0x80  }
0x50: {  	[sflag:s13] =	ssyncset.done $0x0  }
0x51: {  	[sflag:s13] =	ssyncadd.s32 $0xFFFFFF80  }
0x52: {  	v4 =	vld [tilespmem:$0x188C0]  }
0x53: {  	v6 =	vld [tilespmem:$0x188D0];
	_ =	sdelay $0x1  }
0x54: {  	v8 =	vld [tilespmem:$0x18890]  }
.Ltmp0:
0x55: {  	(pc) =	sbr.rel @p0 .LBB2_2-.Ltmp0, $4  }
0x56: {  	vm1 =	vlt.s32 v4, v1;
	v7 =	vsub.s32 v4, v0;
	v5 =	vand.u32 $0x1F, v4  }
0x57: {  	vm2 =	vge.s32 v4, v0;
	v9 =	vor.u32 $0x30E0, v5;
	vm0 =	vge.s32 v6, v0  }
0x58: {  	vm1 =	vmand vm2, vm1;
	vm2 =	vlt.s32 v6, v1;
	v11 =	vand.u32 $0x1F, v6;
	v5 =	vld [tilespmem:$0x18880]  }
0x59: {  	vm3 =	vge.s32 v8, v0;
	vm4 =	vlt.s32 v8, v1;
	v10 =	vsub.s32 v8, v0;
	v4 =	vld [tilespmem:$0x188E0]  }
0x5a: {  	v8 =	vand.u32 $0x1F, v8;
	v6 =	vsub.s32 v6, v0  }
0x5b: {  	v12 =	vld [tilespmem:$0x188A0];
	v7 =	vsel vm1, v7, v9;
	vm0 =	vmand vm0, vm2;
	v9 =	vor.u32 $0x30E0, v11  }
0x5c: {  	vm3 =	vmand vm3, vm4;
	v8 =	vor.u32 $0x30E0, v8;
	v6 =	vsel vm0, v6, v9  }
0x5d: {  	v8 =	vsel vm3, v10, v8;
	vm0 =	vge.s32 v5, v0;
	v9 =	vsub.s32 v5, v0  }
0x5e: {  	v10 =	vld [tilespmem:$0x188B0];
	vm1 =	vlt.s32 v5, v1;
	v5 =	vand.u32 $0x1F, v5;
	v11 =	vand.u32 $0x1F, v4  }
0x5f: {  	vm0 =	vmand vm0, vm1;
	v5 =	vor.u32 $0x30E0, v5;
	vm1 =	vlt.s32 v4, v1  }
0x60: {  	v11 =	vor.u32 $0x30E0, v11;
	v13 =	vsub.s32 v12, v0;
	v5 =	vsel vm0, v9, v5  }
0x61: {  	vm0 =	vge.s32 v4, v0;
	vm2 =	vge.s32 v12, v0;
	vm3 =	vlt.s32 v12, v1  }
0x62: {  	v9 =	vld [tilespmem:$0x188F0];
	v4 =	vsub.s32 v4, v0;
	v12 =	vand.u32 $0x1F, v12;
	vm2 =	vmand vm2, vm3  }
0x63: {  	[tilespmem:$0x188C0] =	vst v7;
	v12 =	vor.u32 $0x30E0, v12;
	vm0 =	vmand vm0, vm1;
	v7 =	vsub.s32 v10, v0  }
0x64: {  	[tilespmem:$0x18890] =	vst v8;
	vm1 =	vge.s32 v10, v0;
	vm3 =	vlt.s32 v10, v1;
	v8 =	vand.u32 $0x1F, v10  }
0x65: {  	[tilespmem:$0x188D0] =	vst v6;
	v6 =	vsel vm2, v13, v12;
	vm1 =	vmand vm1, vm3;
	v8 =	vor.u32 $0x30E0, v8  }
0x66: {  	v4 =	vsel vm0, v4, v11;
	[tilespmem:$0x188A0] =	vst v6;
	v6 =	vsel vm1, v7, v8  }
0x67: {  	[tilespmem:$0x18880] =	vst v5;
	v5 =	vand.u32 $0x1F, v9;
	vm0 =	vge.s32 v9, v0;
	vm1 =	vlt.s32 v9, v1  }
0x68: {  	[tilespmem:$0x188E0] =	vst v4;
	v4 =	vor.u32 $0x30E0, v5;
	vm0 =	vmand vm0, vm1;
	v5 =	vsub.s32 v9, v0  }
0x69: {  	[tilespmem:$0x188B0] =	vst v6;
	v4 =	vsel vm0, v5, v4  }
0x6a: {  	[tilespmem:$0x188F0] =	vst v4  }
0x6b: {  	[tilespmem:s17], [sflag:$0x1] =	stream.indirect.gather [hbm4b:s1+s16], $0x80, s14, s16, $0xb8;
	[tilespmem:$0x1C900] =	vst v63  }
0x6c: {  	_ = 	snop  }
0x6d: {  	[tilespmem:s19], [sflag:$0x2] =	stream.indirect.gather [hbm4b:s1+s16], $0x80, s18, s16, $0xb8;
	[tilespmem:$0x1C900] =	vst v63  }
0x6e: {  	_ =	swait.ge [sflag:s20], $0x2000  }
0x6f: {  	[sflag:s20] =	ssyncset.done $0x0  }
0x70: {  	[sflag:s20] =	ssyncadd.s32 $0xFFFFE000  }
0x71: {  	[spmem:s3] =	stream.indirect.scatter.add.f32 [tilespmem:s17], [sflag:$0x3], $0x80, s15, s16, $0xb8;
	[tilespmem:$0x1C900] =	vst v63  }
0x72: {  	_ =	swait.ge [sflag:s13], $0x2000  }
0x73: {  	[sflag:s13] =	ssyncset.done $0x0  }
0x74: {  	[sflag:s13] =	ssyncadd.s32 $0xFFFFE000  }
0x75: {  	_ =	swait.ge [sflag:s21], $0x2000  }
0x76: {  	[sflag:s21] =	ssyncset.done $0x0  }
0x77: {  	[sflag:s21] =	ssyncadd.s32 $0xFFFFE000  }
0x78: {  	[spmem:s3] =	stream.indirect.scatter.add.f32 [tilespmem:s19], [sflag:$0x3], $0x80, s22, s16, $0xb8;
	[tilespmem:$0x1C900] =	vst v63  }
0x79: {  	_ =	swait.ge [sflag:s13], $0x2000  }
0x7a: {  	[sflag:s13] =	ssyncset.done $0x0  }
0x7b: {  	[sflag:s13] =	ssyncadd.s32 $0xFFFFE000  }
0x7c: {  	[bflag:$0x0] =	sbarrier.arrive $0xFFFF  }
0x7d: {  	[hbm:s7], [sflag:s6] =	dma.local [spmem:s12], $0x3100  }
0x7e: {  	_ =	swait.ge [sflag:s13], $0x3100  }
0x7f: {  	[sflag:s13] =	ssyncset.done $0x0  }
0x80: {  	[sflag:s13] =	ssyncadd.s32 $0xFFFFCF00  }
0x81: {  	[bflag:$0x0] =	sbarrier.arrive $0xFFFF  }
0x82: {  	[spmem:s12], [sflag:s6] =	dma.local [hbm:s5], $0x3100  }
0x83: {  	_ =	swait.ge [sflag:s13], $0x3100  }
0x84: {  	[sflag:s13] =	ssyncset.done $0x0  }
0x85: {  	[sflag:s13] =	ssyncadd.s32 $0xFFFFCF00  }
0x86: {  	s24 =	sadd.s32 $0x0, s11;
	[bflag:$0x0] =	sbarrier.arrive $0xFFFF  }
0x87: {  	[tilespmem:s14], [sflag:$0x3] =	stream.linear.gather [hbm4b:s24+s4], $0x80, $0x38;
	[tilespmem:$0x1C900] =	vst v63  }
0x88: {  	_ =	swait.ge [sflag:s13], $0x80  }
0x89: {  	[sflag:s13] =	ssyncset.done $0x0  }
0x8a: {  	s31 =	sadd.s32 $0x0, s10;
	[sflag:s13] =	ssyncadd.s32 $0xFFFFFF80  }
0x8b: {  	[tilespmem:s15], [sflag:$0x3] =	stream.linear.gather [hbm4b:s31+s4], $0x80, $0x38;
	[tilespmem:$0x1C900] =	vst v63  }
0x8c: {  	_ =	swait.ge [sflag:s13], $0x80  }
0x8d: {  	[sflag:s13] =	ssyncset.done $0x0  }
0x8e: {  	[sflag:s13] =	ssyncadd.s32 $0xFFFFFF80  }
0x8f: {  	v4 =	vld [tilespmem:$0x188C0]  }
0x90: {  	v6 =	vld [tilespmem:$0x188D0]  }
0x91: {  	v8 =	vld [tilespmem:$0x18890];
	_ =	sdelay $0x2  }
0x92: {  	vm1 =	vlt.s32 v4, v3;
	v7 =	vsub.s32 v4, v2;
	v5 =	vand.u32 $0x1F, v4  }
0x93: {  	vm2 =	vge.s32 v4, v2;
	vm0 =	vge.s32 v6, v2;
	v11 =	vand.u32 $0x1F, v6  }
0x94: {  	vm3 =	vge.s32 v8, v2;
	vm4 =	vlt.s32 v8, v3;
	v9 =	vor.u32 $0x30E0, v5;
	v5 =	vld [tilespmem:$0x18880]  }
0x95: {  	s24 =	simm.s32 $0x10;
	v10 =	vsub.s32 v8, v2;
	v4 =	vld [tilespmem:$0x188E0];
	vm1 =	vmand vm2, vm1;
	vm2 =	vlt.s32 v6, v3  }
.LBB2_4:
0x96: {  	p0 =	sne.s32 s24, $0x1870;
	vm3 =	vmand vm3, vm4;
	v8 =	vand.u32 $0x1F, v8;
	v6 =	vsub.s32 v6, v2;
	s25 =	smov.u32 s24;
	s24 =	sadd.s32 $0x10, s24  }
0x97: {  	v7 =	vsel vm1, v7, v9;
	vm0 =	vmand vm0, vm2;
	v9 =	vor.u32 $0x30E0, v11;
	v12 =	vld [tilespmem:$0x188A0]  }
0x98: {  	v8 =	vor.u32 $0x30E0, v8;
	v6 =	vsel vm0, v6, v9;
	[tilespmem:$0x188C0] =	vst v7  }
0x99: {  	v8 =	vsel vm3, v10, v8;
	vm0 =	vge.s32 v5, v2;
	v7 =	vsub.s32 v5, v2;
	v9 =	vld [tilespmem:$0x188B0];
	[tilespmem:$0x188D0] =	vst v6  }
0x9a: {  	vm1 =	vlt.s32 v5, v3;
	v5 =	vand.u32 $0x1F, v5;
	[tilespmem:$0x18890] =	vst v8;
	v6 =	vand.u32 $0x1F, v4  }
0x9b: {  	vm0 =	vmand vm0, vm1;
	v5 =	vor.u32 $0x30E0, v5;
	v6 =	vor.u32 $0x30E0, v6;
	v8 =	vld [tilespmem:$0x188F0]  }
0x9c: {  	vm1 =	vge.s32 v4, v2;
	v11 =	vsub.s32 v4, v2;
	v10 =	vsub.s32 v12, v2  }
0x9d: {  	v5 =	vsel vm0, v7, v5;
	vm0 =	vlt.s32 v4, v3;
	v7 =	vand.u32 $0x1F, v12  }
0x9e: {  	vm2 =	vge.s32 v12, v2;
	vm3 =	vlt.s32 v12, v3;
	[tilespmem:$0x18880] =	vst v5;
	v4 =	vsub.s32 v9, v2  }
0x9f: {  	vm0 =	vmand vm1, vm0;
	vm2 =	vmand vm2, vm3;
	v5 =	vor.u32 $0x30E0, v7  }
0xa0: {  	vm1 =	vge.s32 v9, v2;
	v5 =	vsel vm2, v10, v5;
	vm2 =	vlt.s32 v9, v3  }
0xa1: {  	vm1 =	vmand vm1, vm2;
	v7 =	vand.u32 $0x1F, v8;
	[tilespmem:$0x188A0] =	vst v5;
	v5 =	vand.u32 $0x1F, v9  }
0xa2: {  	v6 =	vsel vm0, v11, v6;
	vm0 =	vge.s32 v8, v2;
	v5 =	vor.u32 $0x30E0, v5  }
0xa3: {  	v4 =	vsel vm1, v4, v5;
	[tilespmem:$0x188E0] =	vst v6;
	vm1 =	vlt.s32 v8, v3;
	v5 =	vor.u32 $0x30E0, v7  }
0xa4: {  	[tilespmem:$0x188B0] =	vst v4;
	vm0 =	vmand vm0, vm1;
	v4 =	vsub.s32 v8, v2  }
0xa5: {  	v4 =	vsel vm0, v4, v5  }
0xa6: {  	[tilespmem:$0x188F0] =	vst v4  }
0xa7: {  	[tilespmem:s17], [sflag:$0x1] =	stream.indirect.gather [hbm4b:s1+s16], $0x80, s14, s16, $0xb8;
	[tilespmem:$0x1C900] =	vst v63  }
0xa8: {  	_ = 	snop  }
0xa9: {  	[tilespmem:s19], [sflag:$0x2] =	stream.indirect.gather [hbm4b:s1+s16], $0x80, s18, s16, $0xb8;
	[tilespmem:$0x1C900] =	vst v63  }
0xaa: {  	_ =	swait.ge [sflag:s20], $0x2000  }
0xab: {  	[sflag:s20] =	ssyncset.done $0x0  }
0xac: {  	[sflag:s20] =	ssyncadd.s32 $0xFFFFE000  }
0xad: {  	[spmem:s3] =	stream.indirect.scatter.add.f32 [tilespmem:s17], [sflag:$0x3], $0x80, s15, s16, $0xb8;
	[tilespmem:$0x1C900] =	vst v63  }
0xae: {  	_ =	swait.ge [sflag:s13], $0x2000  }
0xaf: {  	[sflag:s13] =	ssyncset.done $0x0  }
0xb0: {  	[sflag:s13] =	ssyncadd.s32 $0xFFFFE000  }
0xb1: {  	_ =	swait.ge [sflag:s21], $0x2000  }
0xb2: {  	[sflag:s21] =	ssyncset.done $0x0  }
0xb3: {  	[sflag:s21] =	ssyncadd.s32 $0xFFFFE000  }
0xb4: {  	[spmem:s3] =	stream.indirect.scatter.add.f32 [tilespmem:s19], [sflag:$0x3], $0x80, s22, s16, $0xb8;
	[tilespmem:$0x1C900] =	vst v63  }
0xb5: {  	_ =	swait.ge [sflag:s13], $0x2000  }
0xb6: {  	[sflag:s13] =	ssyncset.done $0x0  }
0xb7: {  	s26 =	sadd.s32 s25, s11;
	[sflag:s13] =	ssyncadd.s32 $0xFFFFE000  }
0xb8: {  	[tilespmem:s14], [sflag:$0x3] =	stream.linear.gather [hbm4b:s26+s4], $0x80, $0x38;
	[tilespmem:$0x1C900] =	vst v63  }
0xb9: {  	_ =	swait.ge [sflag:s13], $0x80  }
0xba: {  	[sflag:s13] =	ssyncset.done $0x0  }
0xbb: {  	s25 =	sadd.s32 s25, s10;
	[sflag:s13] =	ssyncadd.s32 $0xFFFFFF80  }
0xbc: {  	[tilespmem:s15], [sflag:$0x3] =	stream.linear.gather [hbm4b:s25+s4], $0x80, $0x38;
	[tilespmem:$0x1C900] =	vst v63  }
0xbd: {  	_ =	swait.ge [sflag:s13], $0x80  }
0xbe: {  	[sflag:s13] =	ssyncset.done $0x0  }
0xbf: {  	[sflag:s13] =	ssyncadd.s32 $0xFFFFFF80  }
0xc0: {  	v4 =	vld [tilespmem:$0x188C0]  }
0xc1: {  	v6 =	vld [tilespmem:$0x188D0];
	_ =	sdelay $0x1  }
0xc2: {  	v8 =	vld [tilespmem:$0x18890]  }
.Ltmp1:
0xc3: {  	(pc) =	sbr.rel @p0 .LBB2_4-.Ltmp1, $4  }
0xc4: {  	vm1 =	vlt.s32 v4, v3;
	v7 =	vsub.s32 v4, v2;
	v5 =	vand.u32 $0x1F, v4  }
0xc5: {  	vm2 =	vge.s32 v4, v2;
	v9 =	vor.u32 $0x30E0, v5;
	vm0 =	vge.s32 v6, v2  }
0xc6: {  	vm1 =	vmand vm2, vm1;
	vm2 =	vlt.s32 v6, v3;
	v11 =	vand.u32 $0x1F, v6;
	v5 =	vld [tilespmem:$0x18880]  }
0xc7: {  	vm3 =	vge.s32 v8, v2;
	vm4 =	vlt.s32 v8, v3;
	v10 =	vsub.s32 v8, v2;
	v4 =	vld [tilespmem:$0x188E0]  }
0xc8: {  	vm3 =	vmand vm3, vm4  }
0xc9: {  	v8 =	vand.u32 $0x1F, v8;
	v6 =	vsub.s32 v6, v2;
	v7 =	vsel vm1, v7, v9  }
0xca: {  	v12 =	vld [tilespmem:$0x188A0];
	vm0 =	vmand vm0, vm2;
	v55 =	vor.u32 $0x30E0, v11;
	v8 =	vor.u32 $0x30E0, v8  }
0xcb: {  	v6 =	vsel vm0, v6, v55;
	v8 =	vsel vm3, v10, v8;
	vm6 =	vge.s32 v5, v2  }
0xcc: {  	v57 =	vld [tilespmem:$0x188B0];
	v56 =	vsub.s32 v5, v2;
	vm7 =	vlt.s32 v5, v3;
	v5 =	vand.u32 $0x1F, v5  }
0xcd: {  	v59 =	vld [tilespmem:$0x188F0];
	v58 =	vand.u32 $0x1F, v4;
	vm0 =	vmand vm6, vm7;
	v5 =	vor.u32 $0x30E0, v5  }
0xce: {  	vm8 =	vge.s32 v4, v2;
	vm9 =	vlt.s32 v4, v3;
	v4 =	vsub.s32 v4, v2  }
0xcf: {  	v11 =	vor.u32 $0x30E0, v58;
	v13 =	vsub.s32 v12, v2;
	v5 =	vsel vm0, v56, v5  }
0xd0: {  	vm10 =	vge.s32 v12, v2;
	vm11 =	vlt.s32 v12, v3;
	v12 =	vand.u32 $0x1F, v12  }
0xd1: {  	[tilespmem:$0x188C0] =	vst v7;
	v60 =	vsub.s32 v57, v2;
	vm0 =	vmand vm8, vm9;
	vm12 =	vge.s32 v57, v2  }
0xd2: {  	[tilespmem:$0x188D0] =	vst v6;
	vm13 =	vlt.s32 v57, v3;
	v62 =	vand.u32 $0x1F, v57;
	vm14 =	vge.s32 v59, v2  }
0xd3: {  	[tilespmem:$0x18890] =	vst v8;
	vm15 =	vlt.s32 v59, v3;
	vm2 =	vmand vm10, vm11;
	v12 =	vor.u32 $0x30E0, v12  }
0xd4: {  	vm1 =	vmand vm12, vm13;
	[tilespmem:$0x18880] =	vst v5;
	v5 =	vand.u32 $0x1F, v59;
	v4 =	vsel vm0, v4, v11  }
0xd5: {  	v8 =	vor.u32 $0x30E0, v62;
	vm0 =	vmand vm14, vm15;
	v61 =	vsel vm2, v13, v12;
	[tilespmem:$0x188E0] =	vst v4  }
0xd6: {  	v63 =	vsel vm1, v60, v8;
	v4 =	vor.u32 $0x30E0, v5;
	v5 =	vsub.s32 v59, v2;
	[tilespmem:$0x188A0] =	vst v61  }
0xd7: {  	[tilespmem:$0x188B0] =	vst v63;
	v4 =	vsel vm0, v5, v4  }
0xd8: {  	[tilespmem:$0x188F0] =	vst v4  }
0xd9: {  	[tilespmem:s17], [sflag:$0x1] =	stream.indirect.gather [hbm4b:s1+s16], $0x80, s14, s16, $0xb8;
	[tilespmem:$0x1C900] =	vst v63  }
0xda: {  	_ = 	snop  }
0xdb: {  	[tilespmem:s19], [sflag:$0x2] =	stream.indirect.gather [hbm4b:s1+s16], $0x80, s18, s16, $0xb8;
	[tilespmem:$0x1C900] =	vst v63  }
0xdc: {  	_ =	swait.ge [sflag:s20], $0x2000  }
0xdd: {  	[sflag:s20] =	ssyncset.done $0x0  }
0xde: {  	[sflag:s20] =	ssyncadd.s32 $0xFFFFE000  }
0xdf: {  	[spmem:s3] =	stream.indirect.scatter.add.f32 [tilespmem:s17], [sflag:$0x3], $0x80, s15, s16, $0xb8;
	[tilespmem:$0x1C900] =	vst v63  }
0xe0: {  	_ =	swait.ge [sflag:s13], $0x2000  }
0xe1: {  	[sflag:s13] =	ssyncset.done $0x0  }
0xe2: {  	[sflag:s13] =	ssyncadd.s32 $0xFFFFE000  }
0xe3: {  	_ =	swait.ge [sflag:s21], $0x2000  }
0xe4: {  	[sflag:s21] =	ssyncset.done $0x0  }
0xe5: {  	[sflag:s21] =	ssyncadd.s32 $0xFFFFE000  }
0xe6: {  	[spmem:s3] =	stream.indirect.scatter.add.f32 [tilespmem:s19], [sflag:$0x3], $0x80, s22, s16, $0xb8;
	[tilespmem:$0x1C900] =	vst v63  }
0xe7: {  	_ =	swait.ge [sflag:s13], $0x2000  }
0xe8: {  	[sflag:s13] =	ssyncset.done $0x0  }
0xe9: {  	s23 =	sadd.s32 $0x1, s23;
	[sflag:s13] =	ssyncadd.s32 $0xFFFFE000  }
0xea: {  	p0 =	sne.s32 s23, s9;
	[bflag:$0x0] =	sbarrier.arrive $0xFFFF  }
0xeb: {  	[hbm:s8], [sflag:s6] =	dma.local [spmem:s12], $0x3100  }
.Ltmp2:
0xec: {  	_ =	swait.ge [sflag:s13], $0x3100;
	(pc) =	sbr.rel @p0 .LBB2_1-.Ltmp2, $3  }
0xed: {  	[sflag:s13] =	ssyncset.done $0x0  }
0xee: {  	[sflag:s13] =	ssyncadd.s32 $0xFFFFCF00  }
0xef: {  	[bflag:$0x0] =	sbarrier.arrive $0xFFFF;
	_ =	sdelay $0x1  }
0xf0: {  	_ =	sfence.sel $0x180000  }
0xf1: {  	[bflag:$0x0] =	sbarrier.arrive $0xFFFF  }
0xf2: {  	p0 =	sne.s32 s2, $0x0;
	_ =	strace $0x9000004A  }
0xf3: {  	s0 =	sadd.s32 @!p0 $0x100000, s0;
	[bflag:$0x2] =	sbarrier.arrive $0xFFFF  }
0xf4: {  	[sflag:s0] =	ssyncadd.tile.s32 @!p0 $0x1;
	_ =	shalt  }
.Lfunc_end2:
_tile_overlayer_lowered:
.L_overlay_start_2:
0xf5: {  	(tag) =	ssettag $0x2  }
0xf6: {  	s0 =	rddreg [dreg:$0x0];
	s2 =	stileid.u32  }
0xf7: {  	s1 =	rddreg [dreg:$0x1];
	p0 =	sne.s32 s2, $0x0  }
0xf8: {  	s3 =	rddreg [dreg:$0x2];
	[bflag:$0x3] =	sbarrier.arrive $0xFFFF;
	s2 =	simm.s32 @!p0 $0x1C03  }
0xf9: {  	[timem:s3], [sflag:s2] =	dma.local @!p0 [hbm:s0], s1  }
0xfa: {  	s0 =	simm.s32 @!p0 $0x3  }
0xfb: {  	_ =	swait.ge @!p0 [sflag:s0], s1  }
0xfc: {  	s1 =	ssub.s32 @!p0 $0x0, s1;
	[sflag:s0] =	ssyncset.done @!p0 $0x0  }
0xfd: {  	[sflag:s0] =	ssyncadd.s32 @!p0 s1  }
0xfe: {  	[bflag:$0x3] =	sbarrier.arrive $0xFFFF  }
0xff: {  	_ =	shalt  }

// kernel: kernel.17.cloned.1.call-start
scs
__scs_entry_jumppad:
0x0: {  	(pc) =	sbr.rel $0x88, $3  }
0x1: {  	(tag) =	ssettag $0x0;
	lr =	simm.s32 $0x1  }
0x2: {  	[smem:$0x3F8F] =	sst lr;
	_ =	strace $0xD0000000  }
0x3: {  	_ = 	snop  }
0x4: {  	_ = 	snop  }
0x5: {  	_ = 	snop  }
0x6: {  	_ = 	snop  }
0x7: {  	_ = 	snop  }
__scs_overlays_trampoline_lowered:
0x8: {  	[smem:$0x3F9E] =	sst s0  }
0x9: {  	[smem:$0x3F9F] =	sst s1  }
0xa: {  	[smem:$0x3FA0] =	sst s2  }
0xb: {  	[smem:$0x3FA1] =	sst s3  }
0xc: {  	[smem:$0x3FA2] =	sst s4  }
0xd: {  	[smem:$0x3FA3] =	sst s5  }
0xe: {  	[smem:$0x3FA4] =	sst s6  }
0xf: {  	[smem:$0x3FA5] =	sst s7  }
0x10: {  	[smem:$0x3FA6] =	sst s8  }
0x11: {  	[smem:$0x3FA7] =	sst s9;
	s0 =	simm.s32 @!p0 $0x0  }
0x12: {  	s1 =	sld [smem:$0x3F8D];
	s0 =	simm.s32 @p0 $0x1  }
0x13: {  	[smem:$0x3FA8] =	sst s0;
	s0 =	simm.s32 @!p1 $0x0  }
0x14: {  	s2 =	sld [smem:$0x3F8C];
	s0 =	simm.s32 @p1 $0x1  }
0x15: {  	[smem:$0x3FA9] =	sst s0;
	s0 =	simm.s32 @!p2 $0x0  }
0x16: {  	s3 =	sld [smem:$0x3FDB];
	s0 =	simm.s32 @p2 $0x1  }
0x17: {  	s4 =	simm.s32 $0x1BF5;
	[smem:$0x3FAB] =	sst s0  }
0x18: {  	s0 =	sld [smem:$0x3F8E];
	_ =	swait.ge [sflag:s4], $0x0  }
0x19: {  	s7 =	sld [smem:$0x3F8F]  }
0x1a: {  	s8 =	sadd.s32 $0xFFFFE003, lr  }
0x1b: {  	s9 =	sadd.s32 $0xFFFFFEF7, lr;
	s5 =	simm.s32 $0xFFFFFFFF;
	p2 =	slt.u32 s8, $0xFFFFF086  }
0x1c: {  	p1 =	slt.u32 s9, $0xF7A;
	s5 =	simm.s32 @!p2 $0x0  }
0x1d: {  	s5 =	simm.s32 @p1 $0x1;
	p0 =	seq.s32 s7, s2  }
0x1e: {  	s7 =	smul.u32 @!p0 $0xF7A, s2;
	p2 =	seq.s32 @!p0 s5, $0x0  }
0x1f: {  	s9 =	smul.u32 $0xF7A, s1;
	s8 =	simm.s32 @!p0 $0x1BF5;
	p2 =	por !p2, p0  }
0x20: {  	[sflag:s8] =	ssyncset.s32 @!p0 $0xFFFFF086;
	s6 =	sadd.s32 @!p0 s3, s7;
	s7 =	simm.s32 @!p0 $0x108  }
0x21: {  	s3 =	sadd.s32 s3, s9;
	s6 =	sadd.s32 @!p0 $0x88, s6;
	s7 =	simm.s32 @p2 $0x1082  }
0x22: {  	[simem:s7], [sflag:s8] =	dma.local @!p0 [hbm:s6], $0xF7A  }
0x23: {  	s9 =	sor.u32 $0xD0000000, s2;
	s6 =	simm.s32 $0x108;
	_ =	swait.ge @!p0 [sflag:s8], $0x0  }
0x24: {  	s3 =	sadd.s32 $0x88, s3;
	s6 =	simm.s32 @!p1 $0x1082;
	[sflag:s4] =	ssyncset.s32 $0xFFFFF086  }
0x25: {  	[simem:s6], [sflag:s4] =	dma.local [hbm:s3], $0xF7A  }
0x26: {  	[smem:$0x3F8F] =	sst s1;
	(tag) =	ssettag s2;
	_ =	strace s9  }
0x27: {  	s1 =	sld [smem:$0x3F9F]  }
0x28: {  	s2 =	sld [smem:$0x3FA0]  }
0x29: {  	s4 =	sld [smem:$0x3FA2]  }
0x2a: {  	p0 =	seq.s32 s5, $0x0;
	s5 =	sld [smem:$0x3FA3]  }
0x2b: {  	s6 =	sld [smem:$0x3FA4]  }
0x2c: {  	s7 =	sld [smem:$0x3FA5]  }
0x2d: {  	s3 =	simm.s32 $0x108;
	s8 =	sld [smem:$0x3FA6]  }
0x2e: {  	s3 =	simm.s32 @!p0 $0x1082;
	s9 =	sld [smem:$0x3FA7]  }
0x2f: {  	lr =	sadd.s32 s0, s3;
	s0 =	sld [smem:$0x3F9E]  }
0x30: {  	s3 =	sld [smem:$0x3FA1]  }
0x31: {  	[smem:$0x3FAA] =	sst s10  }
0x32: {  	s10 =	sld [smem:$0x3FA8];
	_ =	sdelay $0x3  }
0x33: {  	p0 =	seq.s32 s10, $0x1;
	s10 =	sld [smem:$0x3FAA];
	_ =	sdelay $0x3  }
0x34: {  	[smem:$0x3FAA] =	sst s10  }
0x35: {  	s10 =	sld [smem:$0x3FA9];
	_ =	sdelay $0x3  }
0x36: {  	p1 =	seq.s32 s10, $0x1;
	s10 =	sld [smem:$0x3FAA];
	_ =	sdelay $0x3  }
0x37: {  	[smem:$0x3FAA] =	sst s10  }
0x38: {  	s10 =	sld [smem:$0x3FAB]  }
0x39: {  	_ = 	snop;
	(pc) =	sbr.ind lr, $3  }
0x3a: {  	_ = 	snop  }
0x3b: {  	_ = 	snop  }
0x3c: {  	p2 =	seq.s32 s10, $0x1;
	s10 =	sld [smem:$0x3FAA]  }
0x3d: {  	_ =	shalt  }
0x3e: {  	_ =	shalt  }
0x3f: {  	_ =	shalt  }
0x40: {  	_ =	shalt  }
0x41: {  	_ =	shalt  }
0x42: {  	_ =	shalt  }
0x43: {  	_ =	shalt  }
0x44: {  	_ =	shalt  }
0x45: {  	_ =	shalt  }
0x46: {  	_ =	shalt  }
0x47: {  	_ =	shalt  }
0x48: {  	_ =	shalt  }
0x49: {  	_ =	shalt  }
0x4a: {  	_ =	shalt  }
0x4b: {  	_ =	shalt  }
0x4c: {  	_ =	shalt  }
0x4d: {  	_ =	shalt  }
0x4e: {  	_ =	shalt  }
0x4f: {  	_ =	shalt  }
0x50: {  	_ =	shalt  }
0x51: {  	_ =	shalt  }
0x52: {  	_ =	shalt  }
0x53: {  	_ =	shalt  }
0x54: {  	_ =	shalt  }
0x55: {  	_ =	shalt  }
0x56: {  	_ =	shalt  }
0x57: {  	_ =	shalt  }
0x58: {  	_ =	shalt  }
0x59: {  	_ =	shalt  }
0x5a: {  	_ =	shalt  }
0x5b: {  	_ =	shalt  }
0x5c: {  	_ =	shalt  }
0x5d: {  	_ =	shalt  }
0x5e: {  	_ =	shalt  }
0x5f: {  	_ =	shalt  }
0x60: {  	_ =	shalt  }
0x61: {  	_ =	shalt  }
0x62: {  	_ =	shalt  }
0x63: {  	_ =	shalt  }
0x64: {  	_ =	shalt  }
0x65: {  	_ =	shalt  }
0x66: {  	_ =	shalt  }
0x67: {  	_ =	shalt  }
0x68: {  	_ =	shalt  }
0x69: {  	_ =	shalt  }
0x6a: {  	_ =	shalt  }
0x6b: {  	_ =	shalt  }
0x6c: {  	_ =	shalt  }
0x6d: {  	_ =	shalt  }
0x6e: {  	_ =	shalt  }
0x6f: {  	_ =	shalt  }
0x70: {  	_ =	shalt  }
0x71: {  	_ =	shalt  }
0x72: {  	_ =	shalt  }
0x73: {  	_ =	shalt  }
0x74: {  	_ =	shalt  }
0x75: {  	_ =	shalt  }
0x76: {  	_ =	shalt  }
0x77: {  	_ =	shalt  }
0x78: {  	_ =	shalt  }
0x79: {  	_ =	shalt  }
0x7a: {  	_ =	shalt  }
0x7b: {  	_ =	shalt  }
0x7c: {  	_ =	shalt  }
0x7d: {  	_ =	shalt  }
0x7e: {  	_ =	shalt  }
0x7f: {  	_ =	shalt  }
0x80: {  	_ =	shalt  }
0x81: {  	_ =	shalt  }
0x82: {  	_ =	shalt  }
0x83: {  	_ =	shalt  }
0x84: {  	_ =	shalt  }
0x85: {  	_ =	shalt  }
0x86: {  	_ =	shalt  }
0x87: {  	_ =	shalt  }
.Lfunc_end0:
.L_simem_size_0:
called_computation.2_lowered:
.L_overlay_start_0:
0x88: {  	s2 =	sld [smem:$0x3FD9]  }
0x89: {  	s3 =	sld [smem:$0x3FFE];
	_ =	sdelay $0x1  }
0x8a: {  	s1 =	srdreg.scid  }
0x8b: {  	s0 =	sand.u32 $0x1, s1  }
0x8c: {  	s16 =	sshll.u32 s0, $0xA;
	s2 =	sadd.s32 s3, s2  }
0x8d: {  	s2 =	sadd.s32 s2, s16  }
0x8e: {  	[smem:$0x3FB6] =	sst s2  }
0x8f: {  	_ = 	snop  }
0x90: {  	(tm) =	ssettm $0x1  }
0x91: {  	s17 =	sld [smem:$0x3FFB];
	_ =	sdelay $0x3  }
0x92: {  	_ =	strace s17  }
0x93: {  	s2 =	sld [smem:$0x3FFC];
	_ =	sdelay $0x3  }
0x94: {  	_ =	strace s2  }
0x95: {  	s2 =	sld [smem:$0x3FFD];
	_ =	sdelay $0x3  }
0x96: {  	_ =	strace s2  }
0x97: {  	_ =	strace $0x8FFFFFFF  }
0x98: {  	s18 =	sld [smem:$0x3FDB];
	_ =	sdelay $0x1  }
0x99: {  	s19 =	simm.s32 $_scs_section_size  }
0x9a: {  	s4 =	simm.s32 $_size__tile_overlayer_lowered;
	s5 =	simm.s32 $_tile_overlayer_lowered  }
0x9b: {  	s22 =	simm.s32 $0x1BFF;
	s21 =	sshll.u32 s5, $0x1;
	s2 =	sadd.s32 s19, s18  }
0x9c: {  	s6 =	simm.s32 $0x0;
	s20 =	sshll.u32 s4, $0x1;
	s4 =	sadd.s32 s21, s2  }
0x9d: {  	[timem:s6], [sflag:s22] =	dma.local [hbm:s4], s20  }
0x9e: {  	_ =	swait.ge [sflag:s22], s20  }
0x9f: {  	s3 =	ssub.s32 $0x0, s20;
	[sflag:s22] =	ssyncset.done $0x0  }
0xa0: {  	[sflag:s22] =	ssyncadd.s32 s3;
	_ =	sdelay $0x1  }
0xa1: {  	s23 =	simm.s32 $0x1B8B  }
0xa2: {  	_ =	swait.ge [sflag:s23], $0x1  }
0xa3: {  	[sflag:s23] =	ssyncset.done $0x0  }
0xa4: {  	s25 =	simm.s32 $0x1B8E;
	s24 =	sld [smem:$0x3FFE];
	[sflag:s23] =	ssyncadd.s32 $0xFFFFFFFF  }
0xa5: {  	s26 =	simm.s32 $execute0_lowered;
	[smem:$0x3FD2] =	sst s25  }
0xa6: {  	s4 =	sshll.u32 s26, $0x1;
	_ =	strace $0x8000004C;
	[dreg:$0x1] =	wrdreg $0xFFFFFFFF  }
0xa7: {  	s28 =	simm.s32 $_size_execute0_lowered;
	s2 =	sadd.s32 s2, s4;
	[dreg:$0x0] =	wrdreg $0x0  }
0xa8: {  	s4 =	sshll.u32 s28, $0x1;
	[dreg:$0x2] =	wrdreg s2  }
0xa9: {  	[dreg:$0x3] =	wrdreg s4  }
0xaa: {  	[dreg:$0x4] =	wrdreg $0xC0  }
0xab: {  	_ =	task [dreg:s6], $0x5FFFF  }
0xac: {  	[dreg:$0x1] =	wrdreg $0xFFFFFFFF  }
0xad: {  	[dreg:$0x0] =	wrdreg $0x60  }
0xae: {  	[dreg:$0x2] =	wrdreg s24  }
0xaf: {  	[dreg:$0x3] =	wrdreg $0x0  }
0xb0: {  	[dreg:$0x4] =	wrdreg $0x9  }
0xb1: {  	_ =	task.clear_ibuf [dreg:s6], $0x5FFFF;
	_ =	strace $0x9000004C  }
0xb2: {  	s29 =	simm.s32 $0x9;
	_ =	strace $0x8000004E  }
0xb3: {  	_ =	swait.ge [sflag:s29], $0x1  }
0xb4: {  	[sflag:s29] =	ssyncadd.s32 $0xFFFFFFFF  }
0xb5: {  	_ =	strace $0x9000004E  }
0xb6: {  	_ =	sfence  }
0xb7: {  	s30 =	sld [smem:$0x0];
	_ =	sdelay $0x2  }
0xb8: {  	s31 =	sshll.u32 s1, $0xD;
	s1 =	sshrl.u32 s1, $0x2  }
0xb9: {  	s3 =	sand.u32 $0x4000, s31;
	s1 =	sadd.s32 s1, s30  }
0xba: {  	s0 =	sor.u32 s3, s0;
	s1 =	sshll.u32 s1, $0x11  }
0xbb: {  	s0 =	sor.u32 s1, s0  }
0xbc: {  	s0 =	sadd.s32 $0x8F2B, s0  }
0xbd: {  	[sflag:s0] =	ssyncadd.remote.s32 $0x1  }
0xbe: {  	_ =	sfence.sel $0xFFFF  }
0xbf: {  	[dreg:$0x0] =	wrdreg $0xFFFFFFFF;
	(pc) =	sbr.abs _section_cstart, $3  }
0xc0: {  	[dreg:$0x1] =	wrdreg $0xFFFFFFFF  }
0xc1: {  	_ =	task.clear_ibuf [dreg:s6], $0x2FFFF;
	_ =	strace $0x9FFFFFFF  }
0xc2: {  	(tm) =	ssettm $0x7FFFFFFF  }
0xc3: {  	_ =	shalt  }
tec
execute0_lowered:
.L_overlay_start_1:
0x0: {  	(tag) =	ssettag $0x1  }
0x1: {  	s6 =	rddreg [dreg:$0x0]  }
0x2: {  	s2 =	rddreg [dreg:$0x1]  }
0x3: {  	s0 =	rddreg [dreg:$0x2];
	s3 =	simm.s32 $0x0  }
0x4: {  	s1 =	stileid.u32;
	s7 =	srdreg.scid;
	s16 =	simm.s32 $0x40  }
0x5: {  	s17 =	simm.s32 $0x18900;
	s19 =	simm.s32 $0x1A900;
	s20 =	simm.s32 $0x1  }
0x6: {  	[smem:$0x7FF] =	sst s3;
	s5 =	smul.u32 $0x1880, s1;
	s4 =	sadd.s32 $0x33C00, s6  }
0x7: {  	s7 =	sand.u32 $0x1, s7;
	s8 =	sadd.s32 $0xFA400, s6;
	s9 =	smul.u32 $0x18800, s1  }
0x8: {  	s30 =	sshll.u32 s1, $0x6;
	_ =	strace $0x8000004D;
	s12 =	smul.u32 $0x310000, s7  }
0x9: {  	s29 =	ssub.s32 $0x2, s7;
	s13 =	sshllo.u32 s7, $0x1;
	s18 =	smul.u32 $0x61C0, s7  }
0xa: {  	s11 =	sadd.s32 s5, s6;
	s5 =	sadd.s32 $0xF7200, s6;
	s10 =	sshrl.u32 s29, $0x1  }
0xb: {  	s14 =	smul.u32 $0x188000, s13;
	s15 =	sadd.s32 s9, s2;
	s6 =	sor.u32 $0x1C03, s30  }
0xc: {  	s21 =	smul.u32 $0x30E0, s13;
	s13 =	simm.s32 $0x3;
	s10 =	ssub.s32 s29, s10  }
0xd: {  	s31 =	sadd.s32 s9, s12;
	s22 =	sadd.s32 $0x30E0, s18;
	s12 =	sshrl.u32 s15, $0x3  }
0xe: {  	s15 =	simm.s32 $0x18880;
	v0 =	vmov s18;
	s18 =	simm.s32 $0x18840;
	s9 =	sadd.s32 s9, s14  }
0xf: {  	s7 =	sshrl.u32 s31, $0x3;
	s23 =	sadd.s32 $0x30E0, s21;
	s14 =	simm.s32 $0x18800  }
0x10: {  	v1 =	vmov s22;
	v2 =	vmov s21;
	s21 =	simm.s32 $0x2;
	s22 =	simm.s32 $0x188C0;
	s9 =	sshrl.u32 s9, $0x3  }
0x11: {  	s7 =	sadd.s32 s8, s7;
	v3 =	vmov s23;
	s23 =	simm.s32 $0x0;
	s8 =	sadd.s32 s8, s9  }
0x12: {  	s9 =	smax.u32 s10, $0x1;
	s10 =	sadd.s32 $0x2C00, s11;
	s11 =	sadd.s32 $0x1B400, s11  }
.LBB2_1:
0x13: {  	[spmem:s12], [sflag:s6] =	dma.local [hbm:s5], $0x3100  }
0x14: {  	_ =	swait.ge [sflag:s13], $0x3100  }
0x15: {  	[sflag:s13] =	ssyncset.done $0x0  }
0x16: {  	[sflag:s13] =	ssyncadd.s32 $0xFFFFCF00  }
0x17: {  	s24 =	sadd.s32 $0x0, s11;
	[bflag:$0x0] =	sbarrier.arrive $0xFFFF  }
0x18: {  	[tilespmem:s14], [sflag:$0x3] =	stream.linear.gather [hbm4b:s24+s3], $0x80, $0x38;
	[tilespmem:$0x1C900] =	vst v63  }
0x19: {  	_ =	swait.ge [sflag:s13], $0x80  }
0x1a: {  	[sflag:s13] =	ssyncset.done $0x0  }
0x1b: {  	s31 =	sadd.s32 $0x0, s10;
	[sflag:s13] =	ssyncadd.s32 $0xFFFFFF80  }
0x1c: {  	[tilespmem:s15], [sflag:$0x3] =	stream.linear.gather [hbm4b:s31+s3], $0x80, $0x38;
	[tilespmem:$0x1C900] =	vst v63  }
0x1d: {  	_ =	swait.ge [sflag:s13], $0x80  }
0x1e: {  	[sflag:s13] =	ssyncset.done $0x0  }
0x1f: {  	[sflag:s13] =	ssyncadd.s32 $0xFFFFFF80  }
0x20: {  	v4 =	vld [tilespmem:$0x188C0]  }
0x21: {  	v6 =	vld [tilespmem:$0x188D0]  }
0x22: {  	v8 =	vld [tilespmem:$0x18890];
	_ =	sdelay $0x2  }
0x23: {  	vm1 =	vlt.s32 v4, v1;
	v7 =	vsub.s32 v4, v0;
	v5 =	vand.u32 $0x1F, v4  }
0x24: {  	vm2 =	vge.s32 v4, v0;
	vm0 =	vge.s32 v6, v0;
	v11 =	vand.u32 $0x1F, v6  }
0x25: {  	vm3 =	vge.s32 v8, v0;
	vm4 =	vlt.s32 v8, v1;
	v9 =	vor.u32 $0x30E0, v5;
	v5 =	vld [tilespmem:$0x18880]  }
0x26: {  	s24 =	simm.s32 $0x10;
	v10 =	vsub.s32 v8, v0;
	v4 =	vld [tilespmem:$0x188E0];
	vm1 =	vmand vm2, vm1;
	vm2 =	vlt.s32 v6, v1  }
.LBB2_2:
0x27: {  	p0 =	sne.s32 s24, $0x1870;
	vm3 =	vmand vm3, vm4;
	v8 =	vand.u32 $0x1F, v8;
	v6 =	vsub.s32 v6, v0;
	s25 =	smov.u32 s24;
	s24 =	sadd.s32 $0x10, s24  }
0x28: {  	v7 =	vsel vm1, v7, v9;
	vm0 =	vmand vm0, vm2;
	v9 =	vor.u32 $0x30E0, v11;
	v12 =	vld [tilespmem:$0x188A0]  }
0x29: {  	v8 =	vor.u32 $0x30E0, v8;
	v6 =	vsel vm0, v6, v9;
	[tilespmem:$0x188C0] =	vst v7  }
0x2a: {  	v8 =	vsel vm3, v10, v8;
	vm0 =	vge.s32 v5, v0;
	v7 =	vsub.s32 v5, v0;
	v9 =	vld [tilespmem:$0x188B0];
	[tilespmem:$0x188D0] =	vst v6  }
0x2b: {  	vm1 =	vlt.s32 v5, v1;
	v5 =	vand.u32 $0x1F, v5;
	[tilespmem:$0x18890] =	vst v8;
	v6 =	vand.u32 $0x1F, v4  }
0x2c: {  	vm0 =	vmand vm0, vm1;
	v5 =	vor.u32 $0x30E0, v5;
	v6 =	vor.u32 $0x30E0, v6;
	v8 =	vld [tilespmem:$0x188F0]  }
0x2d: {  	vm1 =	vge.s32 v4, v0;
	v11 =	vsub.s32 v4, v0;
	v10 =	vsub.s32 v12, v0  }
0x2e: {  	v5 =	vsel vm0, v7, v5;
	vm0 =	vlt.s32 v4, v1;
	v7 =	vand.u32 $0x1F, v12  }
0x2f: {  	vm2 =	vge.s32 v12, v0;
	vm3 =	vlt.s32 v12, v1;
	[tilespmem:$0x18880] =	vst v5;
	v4 =	vsub.s32 v9, v0  }
0x30: {  	vm0 =	vmand vm1, vm0;
	vm2 =	vmand vm2, vm3;
	v5 =	vor.u32 $0x30E0, v7  }
0x31: {  	vm1 =	vge.s32 v9, v0;
	v5 =	vsel vm2, v10, v5;
	vm2 =	vlt.s32 v9, v1  }
0x32: {  	vm1 =	vmand vm1, vm2;
	v7 =	vand.u32 $0x1F, v8;
	[tilespmem:$0x188A0] =	vst v5;
	v5 =	vand.u32 $0x1F, v9  }
0x33: {  	v6 =	vsel vm0, v11, v6;
	vm0 =	vge.s32 v8, v0;
	v5 =	vor.u32 $0x30E0, v5  }
0x34: {  	v4 =	vsel vm1, v4, v5;
	[tilespmem:$0x188E0] =	vst v6;
	vm1 =	vlt.s32 v8, v1;
	v5 =	vor.u32 $0x30E0, v7  }
0x35: {  	[tilespmem:$0x188B0] =	vst v4;
	vm0 =	vmand vm0, vm1;
	v4 =	vsub.s32 v8, v0  }
0x36: {  	v4 =	vsel vm0, v4, v5  }
0x37: {  	[tilespmem:$0x188F0] =	vst v4  }
0x38: {  	[tilespmem:s17], [sflag:$0x1] =	stream.indirect.gather [hbm4b:s4+s16], $0x80, s14, s16, $0xb8;
	[tilespmem:$0x1C900] =	vst v63  }
0x39: {  	_ = 	snop  }
0x3a: {  	[tilespmem:s19], [sflag:$0x2] =	stream.indirect.gather [hbm4b:s4+s16], $0x80, s18, s16, $0xb8;
	[tilespmem:$0x1C900] =	vst v63  }
0x3b: {  	_ =	swait.ge [sflag:s20], $0x2000  }
0x3c: {  	[sflag:s20] =	ssyncset.done $0x0  }
0x3d: {  	[sflag:s20] =	ssyncadd.s32 $0xFFFFE000  }
0x3e: {  	[spmem:s2] =	stream.indirect.scatter.add.f32 [tilespmem:s17], [sflag:$0x3], $0x80, s15, s16, $0xb8;
	[tilespmem:$0x1C900] =	vst v63  }
0x3f: {  	_ =	swait.ge [sflag:s13], $0x2000  }
0x40: {  	[sflag:s13] =	ssyncset.done $0x0  }
0x41: {  	[sflag:s13] =	ssyncadd.s32 $0xFFFFE000  }
0x42: {  	_ =	swait.ge [sflag:s21], $0x2000  }
0x43: {  	[sflag:s21] =	ssyncset.done $0x0  }
0x44: {  	[sflag:s21] =	ssyncadd.s32 $0xFFFFE000  }
0x45: {  	[spmem:s2] =	stream.indirect.scatter.add.f32 [tilespmem:s19], [sflag:$0x3], $0x80, s22, s16, $0xb8;
	[tilespmem:$0x1C900] =	vst v63  }
0x46: {  	_ =	swait.ge [sflag:s13], $0x2000  }
0x47: {  	[sflag:s13] =	ssyncset.done $0x0  }
0x48: {  	s26 =	sadd.s32 s25, s11;
	[sflag:s13] =	ssyncadd.s32 $0xFFFFE000  }
0x49: {  	[tilespmem:s14], [sflag:$0x3] =	stream.linear.gather [hbm4b:s26+s3], $0x80, $0x38;
	[tilespmem:$0x1C900] =	vst v63  }
0x4a: {  	_ =	swait.ge [sflag:s13], $0x80  }
0x4b: {  	[sflag:s13] =	ssyncset.done $0x0  }
0x4c: {  	s25 =	sadd.s32 s25, s10;
	[sflag:s13] =	ssyncadd.s32 $0xFFFFFF80  }
0x4d: {  	[tilespmem:s15], [sflag:$0x3] =	stream.linear.gather [hbm4b:s25+s3], $0x80, $0x38;
	[tilespmem:$0x1C900] =	vst v63  }
0x4e: {  	_ =	swait.ge [sflag:s13], $0x80  }
0x4f: {  	[sflag:s13] =	ssyncset.done $0x0  }
0x50: {  	[sflag:s13] =	ssyncadd.s32 $0xFFFFFF80  }
0x51: {  	v4 =	vld [tilespmem:$0x188C0]  }
0x52: {  	v6 =	vld [tilespmem:$0x188D0];
	_ =	sdelay $0x1  }
0x53: {  	v8 =	vld [tilespmem:$0x18890]  }
.Ltmp0:
0x54: {  	(pc) =	sbr.rel @p0 .LBB2_2-.Ltmp0, $4  }
0x55: {  	vm1 =	vlt.s32 v4, v1;
	v7 =	vsub.s32 v4, v0;
	v5 =	vand.u32 $0x1F, v4  }
0x56: {  	vm2 =	vge.s32 v4, v0;
	v9 =	vor.u32 $0x30E0, v5;
	vm0 =	vge.s32 v6, v0  }
0x57: {  	vm1 =	vmand vm2, vm1;
	vm2 =	vlt.s32 v6, v1;
	v11 =	vand.u32 $0x1F, v6;
	v5 =	vld [tilespmem:$0x18880]  }
0x58: {  	vm3 =	vge.s32 v8, v0;
	vm4 =	vlt.s32 v8, v1;
	v10 =	vsub.s32 v8, v0;
	v4 =	vld [tilespmem:$0x188E0]  }
0x59: {  	v8 =	vand.u32 $0x1F, v8;
	v6 =	vsub.s32 v6, v0  }
0x5a: {  	v12 =	vld [tilespmem:$0x188A0];
	v7 =	vsel vm1, v7, v9;
	vm0 =	vmand vm0, vm2;
	v9 =	vor.u32 $0x30E0, v11  }
0x5b: {  	vm3 =	vmand vm3, vm4;
	v8 =	vor.u32 $0x30E0, v8;
	v6 =	vsel vm0, v6, v9  }
0x5c: {  	v8 =	vsel vm3, v10, v8;
	vm0 =	vge.s32 v5, v0;
	v9 =	vsub.s32 v5, v0  }
0x5d: {  	v10 =	vld [tilespmem:$0x188B0];
	vm1 =	vlt.s32 v5, v1;
	v5 =	vand.u32 $0x1F, v5;
	v11 =	vand.u32 $0x1F, v4  }
0x5e: {  	vm0 =	vmand vm0, vm1;
	v5 =	vor.u32 $0x30E0, v5;
	vm1 =	vlt.s32 v4, v1  }
0x5f: {  	v11 =	vor.u32 $0x30E0, v11;
	v13 =	vsub.s32 v12, v0;
	v5 =	vsel vm0, v9, v5  }
0x60: {  	vm0 =	vge.s32 v4, v0;
	vm2 =	vge.s32 v12, v0;
	vm3 =	vlt.s32 v12, v1  }
0x61: {  	v9 =	vld [tilespmem:$0x188F0];
	v4 =	vsub.s32 v4, v0;
	v12 =	vand.u32 $0x1F, v12;
	vm2 =	vmand vm2, vm3  }
0x62: {  	[tilespmem:$0x188C0] =	vst v7;
	v12 =	vor.u32 $0x30E0, v12;
	vm0 =	vmand vm0, vm1;
	v7 =	vsub.s32 v10, v0  }
0x63: {  	[tilespmem:$0x18890] =	vst v8;
	vm1 =	vge.s32 v10, v0;
	vm3 =	vlt.s32 v10, v1;
	v8 =	vand.u32 $0x1F, v10  }
0x64: {  	[tilespmem:$0x188D0] =	vst v6;
	v6 =	vsel vm2, v13, v12;
	vm1 =	vmand vm1, vm3;
	v8 =	vor.u32 $0x30E0, v8  }
0x65: {  	v4 =	vsel vm0, v4, v11;
	[tilespmem:$0x188A0] =	vst v6;
	v6 =	vsel vm1, v7, v8  }
0x66: {  	[tilespmem:$0x18880] =	vst v5;
	v5 =	vand.u32 $0x1F, v9;
	vm0 =	vge.s32 v9, v0;
	vm1 =	vlt.s32 v9, v1  }
0x67: {  	[tilespmem:$0x188E0] =	vst v4;
	v4 =	vor.u32 $0x30E0, v5;
	vm0 =	vmand vm0, vm1;
	v5 =	vsub.s32 v9, v0  }
0x68: {  	[tilespmem:$0x188B0] =	vst v6;
	v4 =	vsel vm0, v5, v4  }
0x69: {  	[tilespmem:$0x188F0] =	vst v4  }
0x6a: {  	[tilespmem:s17], [sflag:$0x1] =	stream.indirect.gather [hbm4b:s4+s16], $0x80, s14, s16, $0xb8;
	[tilespmem:$0x1C900] =	vst v63  }
0x6b: {  	_ = 	snop  }
0x6c: {  	[tilespmem:s19], [sflag:$0x2] =	stream.indirect.gather [hbm4b:s4+s16], $0x80, s18, s16, $0xb8;
	[tilespmem:$0x1C900] =	vst v63  }
0x6d: {  	_ =	swait.ge [sflag:s20], $0x2000  }
0x6e: {  	[sflag:s20] =	ssyncset.done $0x0  }
0x6f: {  	[sflag:s20] =	ssyncadd.s32 $0xFFFFE000  }
0x70: {  	[spmem:s2] =	stream.indirect.scatter.add.f32 [tilespmem:s17], [sflag:$0x3], $0x80, s15, s16, $0xb8;
	[tilespmem:$0x1C900] =	vst v63  }
0x71: {  	_ =	swait.ge [sflag:s13], $0x2000  }
0x72: {  	[sflag:s13] =	ssyncset.done $0x0  }
0x73: {  	[sflag:s13] =	ssyncadd.s32 $0xFFFFE000  }
0x74: {  	_ =	swait.ge [sflag:s21], $0x2000  }
0x75: {  	[sflag:s21] =	ssyncset.done $0x0  }
0x76: {  	[sflag:s21] =	ssyncadd.s32 $0xFFFFE000  }
0x77: {  	[spmem:s2] =	stream.indirect.scatter.add.f32 [tilespmem:s19], [sflag:$0x3], $0x80, s22, s16, $0xb8;
	[tilespmem:$0x1C900] =	vst v63  }
0x78: {  	_ =	swait.ge [sflag:s13], $0x2000  }
0x79: {  	[sflag:s13] =	ssyncset.done $0x0  }
0x7a: {  	[sflag:s13] =	ssyncadd.s32 $0xFFFFE000  }
0x7b: {  	[bflag:$0x0] =	sbarrier.arrive $0xFFFF  }
0x7c: {  	[hbm:s7], [sflag:s6] =	dma.local [spmem:s12], $0x3100  }
0x7d: {  	_ =	swait.ge [sflag:s13], $0x3100  }
0x7e: {  	[sflag:s13] =	ssyncset.done $0x0  }
0x7f: {  	[sflag:s13] =	ssyncadd.s32 $0xFFFFCF00  }
0x80: {  	[bflag:$0x0] =	sbarrier.arrive $0xFFFF  }
0x81: {  	[spmem:s12], [sflag:s6] =	dma.local [hbm:s5], $0x3100  }
0x82: {  	_ =	swait.ge [sflag:s13], $0x3100  }
0x83: {  	[sflag:s13] =	ssyncset.done $0x0  }
0x84: {  	[sflag:s13] =	ssyncadd.s32 $0xFFFFCF00  }
0x85: {  	s24 =	sadd.s32 $0x0, s11;
	[bflag:$0x0] =	sbarrier.arrive $0xFFFF  }
0x86: {  	[tilespmem:s14], [sflag:$0x3] =	stream.linear.gather [hbm4b:s24+s3], $0x80, $0x38;
	[tilespmem:$0x1C900] =	vst v63  }
0x87: {  	_ =	swait.ge [sflag:s13], $0x80  }
0x88: {  	[sflag:s13] =	ssyncset.done $0x0  }
0x89: {  	s31 =	sadd.s32 $0x0, s10;
	[sflag:s13] =	ssyncadd.s32 $0xFFFFFF80  }
0x8a: {  	[tilespmem:s15], [sflag:$0x3] =	stream.linear.gather [hbm4b:s31+s3], $0x80, $0x38;
	[tilespmem:$0x1C900] =	vst v63  }
0x8b: {  	_ =	swait.ge [sflag:s13], $0x80  }
0x8c: {  	[sflag:s13] =	ssyncset.done $0x0  }
0x8d: {  	[sflag:s13] =	ssyncadd.s32 $0xFFFFFF80  }
0x8e: {  	v4 =	vld [tilespmem:$0x188C0]  }
0x8f: {  	v6 =	vld [tilespmem:$0x188D0]  }
0x90: {  	v8 =	vld [tilespmem:$0x18890];
	_ =	sdelay $0x2  }
0x91: {  	vm1 =	vlt.s32 v4, v3;
	v7 =	vsub.s32 v4, v2;
	v5 =	vand.u32 $0x1F, v4  }
0x92: {  	vm2 =	vge.s32 v4, v2;
	vm0 =	vge.s32 v6, v2;
	v11 =	vand.u32 $0x1F, v6  }
0x93: {  	vm3 =	vge.s32 v8, v2;
	vm4 =	vlt.s32 v8, v3;
	v9 =	vor.u32 $0x30E0, v5;
	v5 =	vld [tilespmem:$0x18880]  }
0x94: {  	s24 =	simm.s32 $0x10;
	v10 =	vsub.s32 v8, v2;
	v4 =	vld [tilespmem:$0x188E0];
	vm1 =	vmand vm2, vm1;
	vm2 =	vlt.s32 v6, v3  }
.LBB2_4:
0x95: {  	p0 =	sne.s32 s24, $0x1870;
	vm3 =	vmand vm3, vm4;
	v8 =	vand.u32 $0x1F, v8;
	v6 =	vsub.s32 v6, v2;
	s25 =	smov.u32 s24;
	s24 =	sadd.s32 $0x10, s24  }
0x96: {  	v7 =	vsel vm1, v7, v9;
	vm0 =	vmand vm0, vm2;
	v9 =	vor.u32 $0x30E0, v11;
	v12 =	vld [tilespmem:$0x188A0]  }
0x97: {  	v8 =	vor.u32 $0x30E0, v8;
	v6 =	vsel vm0, v6, v9;
	[tilespmem:$0x188C0] =	vst v7  }
0x98: {  	v8 =	vsel vm3, v10, v8;
	vm0 =	vge.s32 v5, v2;
	v7 =	vsub.s32 v5, v2;
	v9 =	vld [tilespmem:$0x188B0];
	[tilespmem:$0x188D0] =	vst v6  }
0x99: {  	vm1 =	vlt.s32 v5, v3;
	v5 =	vand.u32 $0x1F, v5;
	[tilespmem:$0x18890] =	vst v8;
	v6 =	vand.u32 $0x1F, v4  }
0x9a: {  	vm0 =	vmand vm0, vm1;
	v5 =	vor.u32 $0x30E0, v5;
	v6 =	vor.u32 $0x30E0, v6;
	v8 =	vld [tilespmem:$0x188F0]  }
0x9b: {  	vm1 =	vge.s32 v4, v2;
	v11 =	vsub.s32 v4, v2;
	v10 =	vsub.s32 v12, v2  }
0x9c: {  	v5 =	vsel vm0, v7, v5;
	vm0 =	vlt.s32 v4, v3;
	v7 =	vand.u32 $0x1F, v12  }
0x9d: {  	vm2 =	vge.s32 v12, v2;
	vm3 =	vlt.s32 v12, v3;
	[tilespmem:$0x18880] =	vst v5;
	v4 =	vsub.s32 v9, v2  }
0x9e: {  	vm0 =	vmand vm1, vm0;
	vm2 =	vmand vm2, vm3;
	v5 =	vor.u32 $0x30E0, v7  }
0x9f: {  	vm1 =	vge.s32 v9, v2;
	v5 =	vsel vm2, v10, v5;
	vm2 =	vlt.s32 v9, v3  }
0xa0: {  	vm1 =	vmand vm1, vm2;
	v7 =	vand.u32 $0x1F, v8;
	[tilespmem:$0x188A0] =	vst v5;
	v5 =	vand.u32 $0x1F, v9  }
0xa1: {  	v6 =	vsel vm0, v11, v6;
	vm0 =	vge.s32 v8, v2;
	v5 =	vor.u32 $0x30E0, v5  }
0xa2: {  	v4 =	vsel vm1, v4, v5;
	[tilespmem:$0x188E0] =	vst v6;
	vm1 =	vlt.s32 v8, v3;
	v5 =	vor.u32 $0x30E0, v7  }
0xa3: {  	[tilespmem:$0x188B0] =	vst v4;
	vm0 =	vmand vm0, vm1;
	v4 =	vsub.s32 v8, v2  }
0xa4: {  	v4 =	vsel vm0, v4, v5  }
0xa5: {  	[tilespmem:$0x188F0] =	vst v4  }
0xa6: {  	[tilespmem:s17], [sflag:$0x1] =	stream.indirect.gather [hbm4b:s4+s16], $0x80, s14, s16, $0xb8;
	[tilespmem:$0x1C900] =	vst v63  }
0xa7: {  	_ = 	snop  }
0xa8: {  	[tilespmem:s19], [sflag:$0x2] =	stream.indirect.gather [hbm4b:s4+s16], $0x80, s18, s16, $0xb8;
	[tilespmem:$0x1C900] =	vst v63  }
0xa9: {  	_ =	swait.ge [sflag:s20], $0x2000  }
0xaa: {  	[sflag:s20] =	ssyncset.done $0x0  }
0xab: {  	[sflag:s20] =	ssyncadd.s32 $0xFFFFE000  }
0xac: {  	[spmem:s2] =	stream.indirect.scatter.add.f32 [tilespmem:s17], [sflag:$0x3], $0x80, s15, s16, $0xb8;
	[tilespmem:$0x1C900] =	vst v63  }
0xad: {  	_ =	swait.ge [sflag:s13], $0x2000  }
0xae: {  	[sflag:s13] =	ssyncset.done $0x0  }
0xaf: {  	[sflag:s13] =	ssyncadd.s32 $0xFFFFE000  }
0xb0: {  	_ =	swait.ge [sflag:s21], $0x2000  }
0xb1: {  	[sflag:s21] =	ssyncset.done $0x0  }
0xb2: {  	[sflag:s21] =	ssyncadd.s32 $0xFFFFE000  }
0xb3: {  	[spmem:s2] =	stream.indirect.scatter.add.f32 [tilespmem:s19], [sflag:$0x3], $0x80, s22, s16, $0xb8;
	[tilespmem:$0x1C900] =	vst v63  }
0xb4: {  	_ =	swait.ge [sflag:s13], $0x2000  }
0xb5: {  	[sflag:s13] =	ssyncset.done $0x0  }
0xb6: {  	s26 =	sadd.s32 s25, s11;
	[sflag:s13] =	ssyncadd.s32 $0xFFFFE000  }
0xb7: {  	[tilespmem:s14], [sflag:$0x3] =	stream.linear.gather [hbm4b:s26+s3], $0x80, $0x38;
	[tilespmem:$0x1C900] =	vst v63  }
0xb8: {  	_ =	swait.ge [sflag:s13], $0x80  }
0xb9: {  	[sflag:s13] =	ssyncset.done $0x0  }
0xba: {  	s25 =	sadd.s32 s25, s10;
	[sflag:s13] =	ssyncadd.s32 $0xFFFFFF80  }
0xbb: {  	[tilespmem:s15], [sflag:$0x3] =	stream.linear.gather [hbm4b:s25+s3], $0x80, $0x38;
	[tilespmem:$0x1C900] =	vst v63  }
0xbc: {  	_ =	swait.ge [sflag:s13], $0x80  }
0xbd: {  	[sflag:s13] =	ssyncset.done $0x0  }
0xbe: {  	[sflag:s13] =	ssyncadd.s32 $0xFFFFFF80  }
0xbf: {  	v4 =	vld [tilespmem:$0x188C0]  }
0xc0: {  	v6 =	vld [tilespmem:$0x188D0];
	_ =	sdelay $0x1  }
0xc1: {  	v8 =	vld [tilespmem:$0x18890]  }
.Ltmp1:
0xc2: {  	(pc) =	sbr.rel @p0 .LBB2_4-.Ltmp1, $4  }
0xc3: {  	vm1 =	vlt.s32 v4, v3;
	v7 =	vsub.s32 v4, v2;
	v5 =	vand.u32 $0x1F, v4  }
0xc4: {  	vm2 =	vge.s32 v4, v2;
	v9 =	vor.u32 $0x30E0, v5;
	vm0 =	vge.s32 v6, v2  }
0xc5: {  	vm1 =	vmand vm2, vm1;
	vm2 =	vlt.s32 v6, v3;
	v11 =	vand.u32 $0x1F, v6;
	v5 =	vld [tilespmem:$0x18880]  }
0xc6: {  	vm3 =	vge.s32 v8, v2;
	vm4 =	vlt.s32 v8, v3;
	v10 =	vsub.s32 v8, v2;
	v4 =	vld [tilespmem:$0x188E0]  }
0xc7: {  	vm3 =	vmand vm3, vm4  }
0xc8: {  	v8 =	vand.u32 $0x1F, v8;
	v6 =	vsub.s32 v6, v2;
	v7 =	vsel vm1, v7, v9  }
0xc9: {  	v12 =	vld [tilespmem:$0x188A0];
	vm0 =	vmand vm0, vm2;
	v55 =	vor.u32 $0x30E0, v11;
	v8 =	vor.u32 $0x30E0, v8  }
0xca: {  	v6 =	vsel vm0, v6, v55;
	v8 =	vsel vm3, v10, v8;
	vm6 =	vge.s32 v5, v2  }
0xcb: {  	v57 =	vld [tilespmem:$0x188B0];
	v56 =	vsub.s32 v5, v2;
	vm7 =	vlt.s32 v5, v3;
	v5 =	vand.u32 $0x1F, v5  }
0xcc: {  	v59 =	vld [tilespmem:$0x188F0];
	v58 =	vand.u32 $0x1F, v4;
	vm0 =	vmand vm6, vm7;
	v5 =	vor.u32 $0x30E0, v5  }
0xcd: {  	vm8 =	vge.s32 v4, v2;
	vm9 =	vlt.s32 v4, v3;
	v4 =	vsub.s32 v4, v2  }
0xce: {  	v11 =	vor.u32 $0x30E0, v58;
	v13 =	vsub.s32 v12, v2;
	v5 =	vsel vm0, v56, v5  }
0xcf: {  	vm10 =	vge.s32 v12, v2;
	vm11 =	vlt.s32 v12, v3;
	v12 =	vand.u32 $0x1F, v12  }
0xd0: {  	[tilespmem:$0x188C0] =	vst v7;
	v60 =	vsub.s32 v57, v2;
	vm0 =	vmand vm8, vm9;
	vm12 =	vge.s32 v57, v2  }
0xd1: {  	[tilespmem:$0x188D0] =	vst v6;
	vm13 =	vlt.s32 v57, v3;
	v62 =	vand.u32 $0x1F, v57;
	vm14 =	vge.s32 v59, v2  }
0xd2: {  	[tilespmem:$0x18890] =	vst v8;
	vm15 =	vlt.s32 v59, v3;
	vm2 =	vmand vm10, vm11;
	v12 =	vor.u32 $0x30E0, v12  }
0xd3: {  	vm1 =	vmand vm12, vm13;
	[tilespmem:$0x18880] =	vst v5;
	v5 =	vand.u32 $0x1F, v59;
	v4 =	vsel vm0, v4, v11  }
0xd4: {  	v8 =	vor.u32 $0x30E0, v62;
	vm0 =	vmand vm14, vm15;
	v61 =	vsel vm2, v13, v12;
	[tilespmem:$0x188E0] =	vst v4  }
0xd5: {  	v63 =	vsel vm1, v60, v8;
	v4 =	vor.u32 $0x30E0, v5;
	v5 =	vsub.s32 v59, v2;
	[tilespmem:$0x188A0] =	vst v61  }
0xd6: {  	[tilespmem:$0x188B0] =	vst v63;
	v4 =	vsel vm0, v5, v4  }
0xd7: {  	[tilespmem:$0x188F0] =	vst v4  }
0xd8: {  	[tilespmem:s17], [sflag:$0x1] =	stream.indirect.gather [hbm4b:s4+s16], $0x80, s14, s16, $0xb8;
	[tilespmem:$0x1C900] =	vst v63  }
0xd9: {  	_ = 	snop  }
0xda: {  	[tilespmem:s19], [sflag:$0x2] =	stream.indirect.gather [hbm4b:s4+s16], $0x80, s18, s16, $0xb8;
	[tilespmem:$0x1C900] =	vst v63  }
0xdb: {  	_ =	swait.ge [sflag:s20], $0x2000  }
0xdc: {  	[sflag:s20] =	ssyncset.done $0x0  }
0xdd: {  	[sflag:s20] =	ssyncadd.s32 $0xFFFFE000  }
0xde: {  	[spmem:s2] =	stream.indirect.scatter.add.f32 [tilespmem:s17], [sflag:$0x3], $0x80, s15, s16, $0xb8;
	[tilespmem:$0x1C900] =	vst v63  }
0xdf: {  	_ =	swait.ge [sflag:s13], $0x2000  }
0xe0: {  	[sflag:s13] =	ssyncset.done $0x0  }
0xe1: {  	[sflag:s13] =	ssyncadd.s32 $0xFFFFE000  }
0xe2: {  	_ =	swait.ge [sflag:s21], $0x2000  }
0xe3: {  	[sflag:s21] =	ssyncset.done $0x0  }
0xe4: {  	[sflag:s21] =	ssyncadd.s32 $0xFFFFE000  }
0xe5: {  	[spmem:s2] =	stream.indirect.scatter.add.f32 [tilespmem:s19], [sflag:$0x3], $0x80, s22, s16, $0xb8;
	[tilespmem:$0x1C900] =	vst v63  }
0xe6: {  	_ =	swait.ge [sflag:s13], $0x2000  }
0xe7: {  	[sflag:s13] =	ssyncset.done $0x0  }
0xe8: {  	s23 =	sadd.s32 $0x1, s23;
	[sflag:s13] =	ssyncadd.s32 $0xFFFFE000  }
0xe9: {  	p0 =	sne.s32 s23, s9;
	[bflag:$0x0] =	sbarrier.arrive $0xFFFF  }
0xea: {  	[hbm:s8], [sflag:s6] =	dma.local [spmem:s12], $0x3100  }
.Ltmp2:
0xeb: {  	_ =	swait.ge [sflag:s13], $0x3100;
	(pc) =	sbr.rel @p0 .LBB2_1-.Ltmp2, $3  }
0xec: {  	[sflag:s13] =	ssyncset.done $0x0  }
0xed: {  	[sflag:s13] =	ssyncadd.s32 $0xFFFFCF00  }
0xee: {  	[bflag:$0x0] =	sbarrier.arrive $0xFFFF;
	_ =	sdelay $0x1  }
0xef: {  	_ =	sfence.sel $0x180000  }
0xf0: {  	[bflag:$0x0] =	sbarrier.arrive $0xFFFF  }
0xf1: {  	p0 =	sne.s32 s1, $0x0;
	_ =	strace $0x9000004D  }
0xf2: {  	s0 =	sadd.s32 @!p0 $0x100000, s0;
	[bflag:$0x2] =	sbarrier.arrive $0xFFFF  }
0xf3: {  	[sflag:s0] =	ssyncadd.tile.s32 @!p0 $0x1;
	_ =	shalt  }
.Lfunc_end2:
_tile_overlayer_lowered:
.L_overlay_start_2:
0xf4: {  	(tag) =	ssettag $0x2  }
0xf5: {  	s0 =	rddreg [dreg:$0x0];
	s2 =	stileid.u32  }
0xf6: {  	s1 =	rddreg [dreg:$0x1];
	p0 =	sne.s32 s2, $0x0  }
0xf7: {  	s3 =	rddreg [dreg:$0x2];
	[bflag:$0x3] =	sbarrier.arrive $0xFFFF;
	s2 =	simm.s32 @!p0 $0x1C03  }
0xf8: {  	[timem:s3], [sflag:s2] =	dma.local @!p0 [hbm:s0], s1  }
0xf9: {  	s0 =	simm.s32 @!p0 $0x3  }
0xfa: {  	_ =	swait.ge @!p0 [sflag:s0], s1  }
0xfb: {  	s1 =	ssub.s32 @!p0 $0x0, s1;
	[sflag:s0] =	ssyncset.done @!p0 $0x0  }
0xfc: {  	[sflag:s0] =	ssyncadd.s32 @!p0 s1  }
0xfd: {  	[bflag:$0x3] =	sbarrier.arrive $0xFFFF  }
0xfe: {  	_ =	shalt  }

</sc_bundles>
